<compile_context>
chip_gen: v7x
topology: tpu7x:2x2x1
jax: 0.10.2.dev20260603
libtpu: 0.0.44.dev20260713+nightly
codegen_flags: <defaults>
</compile_context>

<pallas_src>
import dataclasses
import functools

import jax
import jax.numpy as jnp
from jax import lax
from jax.experimental import pallas as pl
from jax.experimental.pallas import tpu as pltpu
from jax.experimental.pallas import tpu_sc as plsc

N = 10000
E = 320000
D = 128

NC = 2
NS = 16
L = 16
NW = NC * NS
E_TILE = E // NW
KD = 80
STEPSD = E_TILE // KD
K = 128
E_TILE_PAD = 10112
STEPS = E_TILE_PAD // K
NPAD = 10240
SLAB = NPAD // NS
ZROWS = 128

_mesh = plsc.VectorSubcoreMesh(core_axis_name="c", subcore_axis_name="s")

_sc_params = pltpu.CompilerParams()
if "needs_layout_passes" in pltpu.CompilerParams.__dataclass_fields__:
    _sc_params = dataclasses.replace(_sc_params, needs_layout_passes=False)


@functools.partial(
    pl.kernel,
    out_type=jax.ShapeDtypeStruct((NC, NPAD, L), jnp.float32),
    mesh=_mesh,
    scratch_types=[
        pltpu.VMEM((KD,), jnp.int32),
        pltpu.VMEM((KD,), jnp.int32),
        pltpu.VMEM((KD, L), jnp.float32),
        pltpu.VMEM((KD, L), jnp.float32),
        pltpu.VMEM_SHARED((NPAD, L), jnp.float32),
    ],
)
def _deg_kernel(n1_hbm, out_hbm, idx_v, riota_v, ones_v, zero_v, deg_sh):
    c = lax.axis_index("c")
    s = lax.axis_index("s")
    wid = s * NC + c
    ones16 = jnp.ones((L,), jnp.float32)
    zeros16 = jnp.zeros((L,), jnp.float32)

    @pl.loop(0, KD)
    def _(i):
        ones_v[i, :] = ones16

    @pl.loop(0, KD)
    def _(i):
        zero_v[i, :] = zeros16

    base = wid * E_TILE
    iota16 = lax.iota(jnp.int32, L)

    def _fill_iota(buf, start):
        @pl.loop(0, KD // L)
        def _(g):
            buf[pl.ds(g * L, L)] = iota16 + (start + g * L)

    @pl.loop(0, SLAB // KD)
    def _(z):
        _fill_iota(riota_v, s * SLAB + z * KD)
        pltpu.sync_copy(zero_v, deg_sh.at[riota_v])

    plsc.subcore_barrier()

    @pl.loop(0, STEPSD)
    def _(k):
        pltpu.sync_copy(n1_hbm.at[pl.ds(base + k * KD, KD)], idx_v)
        pltpu.sync_copy(ones_v, deg_sh.at[idx_v], add=True)

    plsc.subcore_barrier()

    @pl.loop(0, SLAB // KD)
    def _(z):
        _fill_iota(riota_v, s * SLAB + z * KD)
        pltpu.sync_copy(deg_sh.at[riota_v], zero_v)
        pltpu.sync_copy(zero_v,
                        out_hbm.at[c, pl.ds(s * SLAB + z * KD, KD)])


NCH = NW * STEPS


@functools.partial(
    pl.kernel,
    out_type=jax.ShapeDtypeStruct((NC, NPAD, D), jnp.float32),
    mesh=_mesh,
    scratch_types=[
        pltpu.VMEM((2, K), jnp.int32),
        pltpu.VMEM((2, K), jnp.int32),
        pltpu.VMEM((K,), jnp.float32),
        pltpu.VMEM((K,), jnp.float32),
        pltpu.VMEM((K,), jnp.int32),
        pltpu.VMEM((K,), jnp.float32),
        pltpu.VMEM((K, D), jnp.float32),
        pltpu.VMEM((K, D), jnp.float32),
        pltpu.VMEM_SHARED((NPAD, D), jnp.float32),
        pltpu.SemaphoreType.DMA,
        pltpu.SemaphoreType.DMA,
        pltpu.SemaphoreType.DMA,
        pltpu.SemaphoreType.DMA,
    ],
    compiler_params=_sc_params,
)
def _push_kernel(edges_hbm, dist_hbm, h2_hbm, out_hbm,
                 eidx0, eidx1, dbuf0, dbuf1, riota_v, s_v,
                 rows0, rows1, acc_sh,
                 semi0, semi1, semg0, semg1):
    c = lax.axis_index("c")
    s = lax.axis_index("s")
    wid = s * NC + c
    zeros16 = jnp.zeros((L,), jnp.float32)
    iota16 = lax.iota(jnp.int32, L)

    @pl.loop(0, K)
    def _(i):
        for j in range(D // L):
            rows0[i, pl.ds(j * L, L)] = zeros16

    def _fill_iota(buf, start):
        @pl.loop(0, K // L)
        def _(g):
            buf[pl.ds(g * L, L)] = iota16 + (start + g * L)

    @pl.loop(0, SLAB // K)
    def _(z):
        _fill_iota(riota_v, s * SLAB + z * K)
        pltpu.sync_copy(rows0, acc_sh.at[riota_v])

    plsc.subcore_barrier()

    base_ch = wid * STEPS

    def issue_idx(cid, eidx, dbuf, sem):
        pltpu.async_copy(edges_hbm.at[cid], eidx, sem)
        pltpu.async_copy(dist_hbm.at[cid], dbuf, sem)

    def wait_idx(eidx, dbuf, sem):
        pltpu.make_async_copy(edges_hbm.at[0], eidx, sem).wait()
        pltpu.make_async_copy(dist_hbm.at[0], dbuf, sem).wait()

    def issue_gather(eidx, rows, sem):
        pltpu.async_copy(h2_hbm.at[eidx.at[1]], rows, sem)

    def wait_gather(eidx, rows, sem):
        pltpu.make_async_copy(h2_hbm.at[eidx.at[1]], rows, sem).wait()

    def scale(dbuf, rows):
        @pl.loop(0, K // L)
        def _(g):
            dv = dbuf[pl.ds(g * L, L)]
            s_v[pl.ds(g * L, L)] = jnp.exp(-(dv * dv))

        @plsc.parallel_loop(0, K, unroll=4)
        def _(r):
            sw = plsc.load_gather(s_v, [jnp.full((L,), r, jnp.int32)])
            for j in range(D // L):
                rows[r, pl.ds(j * L, L)] = rows[r, pl.ds(j * L, L)] * sw

    issue_idx(base_ch, eidx0, dbuf0, semi0)
    wait_idx(eidx0, dbuf0, semi0)
    issue_idx(base_ch + 1, eidx1, dbuf1, semi1)
    issue_gather(eidx0, rows0, semg0)

    @pl.loop(0, (STEPS - 1) // 2)
    def _(t):
        j = 2 * t
        wait_idx(eidx1, dbuf1, semi1)
        issue_gather(eidx1, rows1, semg1)
        wait_gather(eidx0, rows0, semg0)
        scale(dbuf0, rows0)
        pltpu.sync_copy(rows0, acc_sh.at[eidx0.at[0]], add=True)
        issue_idx(base_ch + j + 2, eidx0, dbuf0, semi0)
        wait_idx(eidx0, dbuf0, semi0)
        issue_gather(eidx0, rows0, semg0)
        wait_gather(eidx1, rows1, semg1)
        scale(dbuf1, rows1)
        pltpu.sync_copy(rows1, acc_sh.at[eidx1.at[0]], add=True)
        issue_idx(base_ch + j + 3, eidx1, dbuf1, semi1)

    wait_gather(eidx0, rows0, semg0)
    scale(dbuf0, rows0)
    pltpu.sync_copy(rows0, acc_sh.at[eidx0.at[0]], add=True)
    wait_idx(eidx1, dbuf1, semi1)

    plsc.subcore_barrier()

    @pl.loop(0, SLAB // K)
    def _(z):
        _fill_iota(riota_v, s * SLAB + z * K)
        pltpu.sync_copy(acc_sh.at[riota_v], rows0)
        pltpu.sync_copy(rows0,
                        out_hbm.at[c, pl.ds(s * SLAB + z * K, K)])


_RB = 400


def _mm_body(poi_ref, wt_ref, b_ref, out_ref):
    h = jnp.dot(poi_ref[...], wt_ref[...],
                preferred_element_type=jnp.float32,
                precision=lax.Precision.HIGHEST)
    out_ref[...] = h + b_ref[...]


def _scale_body(hb_ref, deg_ref, out_ref):
    deg = deg_ref[0] + deg_ref[1]
    rdeg = lax.rsqrt(deg[:, 0:1])
    out_ref[...] = hb_ref[...] * rdeg


def _fin_body(p_ref, out_ref):
    t = p_ref[0] + p_ref[1]
    t = jnp.where(t >= 0, t, 0.01 * t)
    nrm = jnp.sqrt(jnp.sum(t * t, axis=1, keepdims=True))
    out_ref[...] = t / jnp.maximum(nrm, 1e-12)


def _mm_call(poi, wt, b2):
    return pl.pallas_call(
        _mm_body,
        grid=(N // _RB,),
        in_specs=[
            pl.BlockSpec((_RB, D), lambda i: (i, 0)),
            pl.BlockSpec((D, D), lambda i: (0, 0)),
            pl.BlockSpec((1, D), lambda i: (0, 0)),
        ],
        out_specs=pl.BlockSpec((_RB, D), lambda i: (i, 0)),
        out_shape=jax.ShapeDtypeStruct((N, D), jnp.float32),
    )(poi, wt, b2)


def _scale_call(hb, degp):
    return pl.pallas_call(
        _scale_body,
        grid=(N // _RB,),
        in_specs=[
            pl.BlockSpec((_RB, D), lambda i: (i, 0)),
            pl.BlockSpec((NC, _RB, L), lambda i: (0, i, 0)),
        ],
        out_specs=pl.BlockSpec((_RB, D), lambda i: (i, 0)),
        out_shape=jax.ShapeDtypeStruct((N, D), jnp.float32),
    )(hb, degp)


def _fin_call(partials):
    return pl.pallas_call(
        _fin_body,
        grid=(N // _RB,),
        in_specs=[pl.BlockSpec((NC, _RB, D), lambda i: (0, i, 0))],
        out_specs=pl.BlockSpec((_RB, D), lambda i: (i, 0)),
        out_shape=jax.ShapeDtypeStruct((N, D), jnp.float32),
    )(partials)


def kernel(poi_rep, edge_index, dist_vec, W, b):
    nodes1 = edge_index[0]
    nodes2 = edge_index[1]
    degp = _deg_kernel(nodes1)
    hb = _mm_call(poi_rep, W.T, b.reshape(1, D))
    h2 = _scale_call(hb, degp)
    pad_w = E_TILE_PAD - E_TILE
    n1p = jnp.pad(nodes1.reshape(NW, E_TILE), ((0, 0), (0, pad_w)))
    n2p = jnp.pad(nodes2.reshape(NW, E_TILE), ((0, 0), (0, pad_w)))
    dp = jnp.pad(dist_vec.reshape(NW, E_TILE), ((0, 0), (0, pad_w)),
                 constant_values=1e19)
    edges_c = (jnp.stack([n1p, n2p], axis=1)
               .reshape(NW, 2, STEPS, K)
               .transpose(0, 2, 1, 3)
               .reshape(NCH, 2, K))
    edges_pad = jnp.concatenate(
        [edges_c, jnp.zeros((2, 2, K), jnp.int32)], axis=0)
    dist_pad = jnp.concatenate(
        [dp.reshape(NCH, K), jnp.zeros((2, K), jnp.float32)], axis=0)
    partials = _push_kernel(edges_pad, dist_pad, h2)
    return _fin_call(partials)

# --- scband reference (transcript-rebuilt; emitter-appended) ---
"""Pipeline reference for scband-graph-layer-9234179686472 (READ-ONLY COPY).

The authoritative reference and input builder live on the scoring server;
editing this copy changes nothing except your own understanding.
"""

import jax, jax.numpy as jnp
import numpy as np

N_NODES = 10000
N_EDGES = 320000
EMBED_DIM = 128


def setup_inputs(seed: int = 0) -> dict:
    key = jax.random.key(seed)
    k1, k2, k3, k4, k5 = jax.random.split(key, 5)
    poi_rep = jax.random.normal(k1, (N_NODES, EMBED_DIM), dtype=jnp.float32)
    edge_index = jax.random.randint(k2, (2, N_EDGES), 0, N_NODES, dtype=jnp.int32)
    dist_vec = jax.random.uniform(k3, (N_EDGES,), dtype=jnp.float32)
    # nn.Linear(embed_dim, embed_dim) parameters
    bound = 1.0 / np.sqrt(EMBED_DIM)
    W = jax.random.uniform(k4, (EMBED_DIM, EMBED_DIM), dtype=jnp.float32, minval=-bound, maxval=bound)
    b = jax.random.uniform(k5, (EMBED_DIM,), dtype=jnp.float32, minval=-bound, maxval=bound)
    return {"poi_rep": poi_rep, "edge_index": edge_index, "dist_vec": dist_vec, "W": W, "b": b}


def reference(poi_rep, edge_index, dist_vec, W, b):
    N = poi_rep.shape[0]
    nodes1 = edge_index[0]
    nodes2 = edge_index[1]
    # degree(nodes1, N) computed over source nodes
    node_degree = jnp.zeros((N,), dtype=poi_rep.dtype).at[nodes1].add(1.0)
    norm_weight = jnp.power(node_degree[nodes1] * node_degree[nodes2], -0.5)
    dist_weight = jnp.exp(-dist_vec ** 2)
    edge_w = norm_weight * dist_weight
    # linear layer
    h = poi_rep @ W.T + b
    # sparse.mm(coo(edge_index, edge_w), h): out[i] = sum_{e: nodes1[e]=i} edge_w[e] * h[nodes2[e]]
    msgs = edge_w[:, None] * jnp.take(h, nodes2, axis=0)
    out = jnp.zeros((N, h.shape[1]), dtype=h.dtype).at[nodes1].add(msgs)
    out = jax.nn.leaky_relu(out, negative_slope=0.01)
    # F.normalize(out, dim=-1), p=2, eps=1e-12
    nrm = jnp.linalg.norm(out, axis=-1, keepdims=True)
    return out / jnp.maximum(nrm, 1e-12)

if __name__ == "__main__":
    import jax
    _d = setup_inputs()
    print(jax.jit(kernel)(*tuple(_d.values())))

</pallas_src>

<mosaic_0001>
#map = affine_map<(d0, d1) -> (0)>
#map1 = affine_map<(d0, d1) -> (0, 0, 0)>
module attributes {stable_mosaic.version = 14 : i64} {
  func.func @_deg_kernel(%arg0: i32, %arg1: i32, %arg2: memref<320000xi32, #tpu.memory_space<hbm>>, %arg3: memref<2x10240x16xf32, #tpu.memory_space<hbm>>, %arg4: memref<80xi32, #tpu.memory_space<vmem>>, %arg5: memref<80xi32, #tpu.memory_space<vmem>>, %arg6: memref<80x16xf32, #tpu.memory_space<vmem>>, %arg7: memref<80x16xf32, #tpu.memory_space<vmem>>, %arg8: memref<10240x16xf32, #tpu.memory_space<vmem_shared>>) attributes {dimension_semantics = [#tpu.dimension_semantics<core_parallel>, #tpu.dimension_semantics<subcore_parallel>], iteration_bounds = array<i64: 2, 16>, scalar_prefetch = 0 : i64, scratch_operands = 5 : i64, tpu.core_type = #tpu.core_type<sc_vector_subcore>, window_params = [{transform_indices = #map}, {transform_indices = #map1}]} {
    %mul3A = arith.constant 2 : i32
    %mul3A_0 = arith.muli %arg1, %mul3A : i32
    %add3A = arith.addi %mul3A_0, %arg0 : i32
    %broadcast_in_dim3A = arith.constant 1.000000e+00 : f32
    %broadcast_in_dim3A_1 = vector.broadcast %broadcast_in_dim3A : f32 to vector<16xf32>
    %broadcast_in_dim3A_2 = arith.constant 0.000000e+00 : f32
    %broadcast_in_dim3A_3 = vector.broadcast %broadcast_in_dim3A_2 : f32 to vector<16xf32>
    %scan3A = arith.constant 0 : i32
    %scan3A_4 = arith.constant 80 : i32
    %scan3A_5 = arith.addi %scan3A, %scan3A_4 : i32
    %scan3A_6 = arith.constant 1 : i32
    scf.for %scan3A_31 = %scan3A to %scan3A_5 step %scan3A_6  : i32 {
      %mul3A_32 = arith.constant 1 : i32
      %mul3A_33 = arith.muli %scan3A_31, %mul3A_32 : i32
      %add3A_34 = arith.constant 0 : i32
      %add3A_35 = arith.addi %add3A_34, %mul3A_33 : i32
      %swap3A = arith.index_cast %add3A_35 : i32 to index
      %swap3A_36 = arith.constant 0 : index
      %swap3A_37 = tpu.vector_load %arg6[%swap3A, %swap3A_36] {strides = array<i32>} : memref<80x16xf32, #tpu.memory_space<vmem>>, vector<1x16xf32>,
      %swap3A_38 = vector.shape_cast %swap3A_37 : vector<1x16xf32> to vector<16xf32>
      %swap3A_39 = vector.shape_cast %broadcast_in_dim3A_1 : vector<16xf32> to vector<1x16xf32>
      tpu.vector_store %arg6[%swap3A, %swap3A_36], %swap3A_39 {strides = array<i32>} : memref<80x16xf32, #tpu.memory_space<vmem>>, vector<1x16xf32>,
    }
    %scan3A_7 = arith.constant 80 : i32
    %scan3A_8 = arith.constant 0 : i32
    %scan3A_9 = arith.constant 80 : i32
    %scan3A_10 = arith.addi %scan3A_8, %scan3A_9 : i32
    %scan3A_11 = arith.constant 1 : i32
    scf.for %scan3A_31 = %scan3A_8 to %scan3A_10 step %scan3A_11  : i32 {
      %mul3A_32 = arith.constant 1 : i32
      %mul3A_33 = arith.muli %scan3A_31, %mul3A_32 : i32
      %add3A_34 = arith.constant 0 : i32
      %add3A_35 = arith.addi %add3A_34, %mul3A_33 : i32
      %swap3A = arith.index_cast %add3A_35 : i32 to index
      %swap3A_36 = arith.constant 0 : index
      %swap3A_37 = tpu.vector_load %arg7[%swap3A, %swap3A_36] {strides = array<i32>} : memref<80x16xf32, #tpu.memory_space<vmem>>, vector<1x16xf32>,
      %swap3A_38 = vector.shape_cast %swap3A_37 : vector<1x16xf32> to vector<16xf32>
      %swap3A_39 = vector.shape_cast %broadcast_in_dim3A_3 : vector<16xf32> to vector<1x16xf32>
      tpu.vector_store %arg7[%swap3A, %swap3A_36], %swap3A_39 {strides = array<i32>} : memref<80x16xf32, #tpu.memory_space<vmem>>, vector<1x16xf32>,
    }
    %scan3A_12 = arith.constant 80 : i32
    %mul3A_13 = arith.constant 10000 : i32
    %mul3A_14 = arith.muli %add3A, %mul3A_13 : i32
    %iota3A = tpu.iota {dimensions = array<i32: 0>} : vector<16xi32>
    %scan3A_15 = arith.constant 0 : i32
    %scan3A_16 = arith.constant 8 : i32
    %scan3A_17 = arith.addi %scan3A_15, %scan3A_16 : i32
    %scan3A_18 = arith.constant 1 : i32
    scf.for %scan3A_31 = %scan3A_15 to %scan3A_17 step %scan3A_18  : i32 {
      %mul3A_32 = arith.constant 1 : i32
      %mul3A_33 = arith.muli %scan3A_31, %mul3A_32 : i32
      %add3A_34 = arith.constant 0 : i32
      %add3A_35 = arith.addi %add3A_34, %mul3A_33 : i32
      %mul3A_36 = arith.constant 640 : i32
      %mul3A_37 = arith.muli %arg1, %mul3A_36 : i32
      %mul3A_38 = arith.constant 80 : i32
      %mul3A_39 = arith.muli %add3A_35, %mul3A_38 : i32
      %add3A_40 = arith.addi %mul3A_37, %mul3A_39 : i32
      %scan3A_41 = arith.constant 0 : i32
      %scan3A_42 = arith.constant 5 : i32
      %scan3A_43 = arith.addi %scan3A_41, %scan3A_42 : i32
      %scan3A_44 = arith.constant 1 : i32
      scf.for %scan3A_46 = %scan3A_41 to %scan3A_43 step %scan3A_44  : i32 {
        %mul3A_47 = arith.constant 1 : i32
        %mul3A_48 = arith.muli %scan3A_46, %mul3A_47 : i32
        %add3A_49 = arith.constant 0 : i32
        %add3A_50 = arith.addi %add3A_49, %mul3A_48 : i32
        %mul3A_51 = arith.constant 16 : i32
        %mul3A_52 = arith.muli %add3A_50, %mul3A_51 : i32
        %add3A_53 = arith.addi %add3A_40, %mul3A_52 : i32
        %add3A_54 = vector.broadcast %add3A_53 : i32 to vector<16xi32>
        %add3A_55 = arith.addi %iota3A, %add3A_54 : vector<16xi32>
        %mul3A_56 = arith.constant 16 : i32
        %mul3A_57 = arith.muli %add3A_50, %mul3A_56 : i32
        %swap3A = arith.index_cast %mul3A_57 : i32 to index
        %swap3A_58 = tpu.vector_load %arg5[%swap3A] {strides = array<i32>} : memref<80xi32, #tpu.memory_space<vmem>>, vector<16xi32>,
        %swap3A_59 = vector.shape_cast %swap3A_58 : vector<16xi32> to vector<16xi32>
        %swap3A_60 = vector.shape_cast %add3A_55 : vector<16xi32> to vector<16xi32>
        tpu.vector_store %arg5[%swap3A], %swap3A_60 {strides = array<i32>} : memref<80xi32, #tpu.memory_space<vmem>>, vector<16xi32>,
      }
      %scan3A_45 = arith.constant 5 : i32
      "tpu.region"() ({
        %run_scoped3A = tpu.sem_alloc : memref<!tpu.dma_semaphore, #tpu.memory_space<semaphore_mem>>
        %dma_start3A = arith.constant 0 : i32
        %dma_start3A_46 = arith.constant 0 : i32
        %dma_start3A_47 = tpu.memref_slice %arg8[%dma_start3A, %dma_start3A_46] : memref<10240x16xf32, #tpu.memory_space<vmem_shared>> -> memref<10240x16xf32, #tpu.memory_space<vmem_shared>>
        tpu.enqueue_indirect_dma source(%arg7 : memref<80x16xf32, #tpu.memory_space<vmem>>) target(%dma_start3A_47 : memref<10240x16xf32, #tpu.memory_space<vmem_shared>>) offsets(%arg5 : memref<80xi32, #tpu.memory_space<vmem>>) semaphore(%run_scoped3A : memref<!tpu.dma_semaphore, #tpu.memory_space<semaphore_mem>>)
        %dma_wait3A = arith.constant 0 : i32
        %dma_wait3A_48 = arith.constant 0 : i32
        %dma_wait3A_49 = tpu.memref_slice %arg8[%dma_wait3A, %dma_wait3A_48] : memref<10240x16xf32, #tpu.memory_space<vmem_shared>> -> memref<10240x16xf32, #tpu.memory_space<vmem_shared>>
        tpu.wait_indirect_dma semaphore(%run_scoped3A : memref<!tpu.dma_semaphore, #tpu.memory_space<semaphore_mem>>) src(%arg7 : memref<80x16xf32, #tpu.memory_space<vmem>>) dst(%dma_wait3A_49 : memref<10240x16xf32, #tpu.memory_space<vmem_shared>>)
        tpu.yield
      }) : () -> ()
    }
    %scan3A_19 = arith.constant 8 : i32
    %barrier3A = arith.constant 0 : index
    tpu.barrier barrier_id(%barrier3A)
    %scan3A_20 = arith.constant 0 : i32
    %scan3A_21 = arith.constant 125 : i32
    %scan3A_22 = arith.addi %scan3A_20, %scan3A_21 : i32
    %scan3A_23 = arith.constant 1 : i32
    scf.for %scan3A_31 = %scan3A_20 to %scan3A_22 step %scan3A_23  : i32 {
      %mul3A_32 = arith.constant 1 : i32
      %mul3A_33 = arith.muli %scan3A_31, %mul3A_32 : i32
      %add3A_34 = arith.constant 0 : i32
      %add3A_35 = arith.addi %add3A_34, %mul3A_33 : i32
      %mul3A_36 = arith.constant 80 : i32
      %mul3A_37 = arith.muli %add3A_35, %mul3A_36 : i32
      %add3A_38 = arith.addi %mul3A_14, %mul3A_37 : i32
      "tpu.region"() ({
        %run_scoped3A = tpu.sem_alloc : memref<!tpu.dma_semaphore, #tpu.memory_space<semaphore_mem>>
        %dma_start3A = tpu.memref_slice %arg2[%add3A_38] : memref<320000xi32, #tpu.memory_space<hbm>> -> memref<80xi32, #tpu.memory_space<hbm>>
        %dma_start3A_39 = tpu.memref_slice %arg2[%add3A_38] : memref<320000xi32, #tpu.memory_space<hbm>> -> memref<80xi32, #tpu.memory_space<hbm>>
        tpu.enqueue_dma source(%dma_start3A_39 : memref<80xi32, #tpu.memory_space<hbm>>) target(%arg4 : memref<80xi32, #tpu.memory_space<vmem>>) target_semaphore(%run_scoped3A : memref<!tpu.dma_semaphore, #tpu.memory_space<semaphore_mem>>)
        %dma_wait3A = tpu.memref_slice %arg2[%add3A_38] : memref<320000xi32, #tpu.memory_space<hbm>> -> memref<80xi32, #tpu.memory_space<hbm>>
        %dma_wait3A_40 = tpu.memref_slice %arg2[%add3A_38] : memref<320000xi32, #tpu.memory_space<hbm>> -> memref<80xi32, #tpu.memory_space<hbm>>
        tpu.wait_dma2 semaphore(%run_scoped3A : memref<!tpu.dma_semaphore, #tpu.memory_space<semaphore_mem>>) src(%dma_wait3A_40 : memref<80xi32, #tpu.memory_space<hbm>>) dst(%arg4 : memref<80xi32, #tpu.memory_space<vmem>>)
        tpu.yield
      }) : () -> ()
      "tpu.region"() ({
        %run_scoped3A = tpu.sem_alloc : memref<!tpu.dma_semaphore, #tpu.memory_space<semaphore_mem>>
        %dma_start3A = arith.constant 0 : i32
        %dma_start3A_39 = arith.constant 0 : i32
        %dma_start3A_40 = tpu.memref_slice %arg8[%dma_start3A, %dma_start3A_39] : memref<10240x16xf32, #tpu.memory_space<vmem_shared>> -> memref<10240x16xf32, #tpu.memory_space<vmem_shared>>
        tpu.enqueue_indirect_dma source(%arg6 : memref<80x16xf32, #tpu.memory_space<vmem>>) target(%dma_start3A_40 : memref<10240x16xf32, #tpu.memory_space<vmem_shared>>) offsets(%arg4 : memref<80xi32, #tpu.memory_space<vmem>>) semaphore(%run_scoped3A : memref<!tpu.dma_semaphore, #tpu.memory_space<semaphore_mem>>) {add = true}
        %dma_wait3A = arith.constant 0 : i32
        %dma_wait3A_41 = arith.constant 0 : i32
        %dma_wait3A_42 = tpu.memref_slice %arg8[%dma_wait3A, %dma_wait3A_41] : memref<10240x16xf32, #tpu.memory_space<vmem_shared>> -> memref<10240x16xf32, #tpu.memory_space<vmem_shared>>
        tpu.wait_indirect_dma semaphore(%run_scoped3A : memref<!tpu.dma_semaphore, #tpu.memory_space<semaphore_mem>>) src(%arg6 : memref<80x16xf32, #tpu.memory_space<vmem>>) dst(%dma_wait3A_42 : memref<10240x16xf32, #tpu.memory_space<vmem_shared>>)
        tpu.yield
      }) : () -> ()
    }
    %scan3A_24 = arith.constant 125 : i32
    %barrier3A_25 = arith.constant 0 : index
    tpu.barrier barrier_id(%barrier3A_25)
    %scan3A_26 = arith.constant 0 : i32
    %scan3A_27 = arith.constant 8 : i32
    %scan3A_28 = arith.addi %scan3A_26, %scan3A_27 : i32
    %scan3A_29 = arith.constant 1 : i32
    scf.for %scan3A_31 = %scan3A_26 to %scan3A_28 step %scan3A_29  : i32 {
      %mul3A_32 = arith.constant 1 : i32
      %mul3A_33 = arith.muli %scan3A_31, %mul3A_32 : i32
      %add3A_34 = arith.constant 0 : i32
      %add3A_35 = arith.addi %add3A_34, %mul3A_33 : i32
      %mul3A_36 = arith.constant 640 : i32
      %mul3A_37 = arith.muli %arg1, %mul3A_36 : i32
      %mul3A_38 = arith.constant 80 : i32
      %mul3A_39 = arith.muli %add3A_35, %mul3A_38 : i32
      %add3A_40 = arith.addi %mul3A_37, %mul3A_39 : i32
      %scan3A_41 = arith.constant 0 : i32
      %scan3A_42 = arith.constant 5 : i32
      %scan3A_43 = arith.addi %scan3A_41, %scan3A_42 : i32
      %scan3A_44 = arith.constant 1 : i32
      scf.for %scan3A_51 = %scan3A_41 to %scan3A_43 step %scan3A_44  : i32 {
        %mul3A_52 = arith.constant 1 : i32
        %mul3A_53 = arith.muli %scan3A_51, %mul3A_52 : i32
        %add3A_54 = arith.constant 0 : i32
        %add3A_55 = arith.addi %add3A_54, %mul3A_53 : i32
        %mul3A_56 = arith.constant 16 : i32
        %mul3A_57 = arith.muli %add3A_55, %mul3A_56 : i32
        %add3A_58 = arith.addi %add3A_40, %mul3A_57 : i32
        %add3A_59 = vector.broadcast %add3A_58 : i32 to vector<16xi32>
        %add3A_60 = arith.addi %iota3A, %add3A_59 : vector<16xi32>
        %mul3A_61 = arith.constant 16 : i32
        %mul3A_62 = arith.muli %add3A_55, %mul3A_61 : i32
        %swap3A = arith.index_cast %mul3A_62 : i32 to index
        %swap3A_63 = tpu.vector_load %arg5[%swap3A] {strides = array<i32>} : memref<80xi32, #tpu.memory_space<vmem>>, vector<16xi32>,
        %swap3A_64 = vector.shape_cast %swap3A_63 : vector<16xi32> to vector<16xi32>
        %swap3A_65 = vector.shape_cast %add3A_60 : vector<16xi32> to vector<16xi32>
        tpu.vector_store %arg5[%swap3A], %swap3A_65 {strides = array<i32>} : memref<80xi32, #tpu.memory_space<vmem>>, vector<16xi32>,
      }
      %scan3A_45 = arith.constant 5 : i32
      "tpu.region"() ({
        %run_scoped3A = tpu.sem_alloc : memref<!tpu.dma_semaphore, #tpu.memory_space<semaphore_mem>>
        %dma_start3A = arith.constant 0 : i32
        %dma_start3A_51 = arith.constant 0 : i32
        %dma_start3A_52 = tpu.memref_slice %arg8[%dma_start3A, %dma_start3A_51] : memref<10240x16xf32, #tpu.memory_space<vmem_shared>> -> memref<10240x16xf32, #tpu.memory_space<vmem_shared>>
        tpu.enqueue_indirect_dma source(%dma_start3A_52 : memref<10240x16xf32, #tpu.memory_space<vmem_shared>>) target(%arg7 : memref<80x16xf32, #tpu.memory_space<vmem>>) offsets(%arg5 : memref<80xi32, #tpu.memory_space<vmem>>) semaphore(%run_scoped3A : memref<!tpu.dma_semaphore, #tpu.memory_space<semaphore_mem>>)
        %dma_wait3A = arith.constant 0 : i32
        %dma_wait3A_53 = arith.constant 0 : i32
        %dma_wait3A_54 = tpu.memref_slice %arg8[%dma_wait3A, %dma_wait3A_53] : memref<10240x16xf32, #tpu.memory_space<vmem_shared>> -> memref<10240x16xf32, #tpu.memory_space<vmem_shared>>
        tpu.wait_indirect_dma semaphore(%run_scoped3A : memref<!tpu.dma_semaphore, #tpu.memory_space<semaphore_mem>>) src(%dma_wait3A_54 : memref<10240x16xf32, #tpu.memory_space<vmem_shared>>) dst(%arg7 : memref<80x16xf32, #tpu.memory_space<vmem>>)
        tpu.yield
      }) : () -> ()
      %mul3A_46 = arith.constant 640 : i32
      %mul3A_47 = arith.muli %arg1, %mul3A_46 : i32
      %mul3A_48 = arith.constant 80 : i32
      %mul3A_49 = arith.muli %add3A_35, %mul3A_48 : i32
      %add3A_50 = arith.addi %mul3A_47, %mul3A_49 : i32
      "tpu.region"() ({
        %run_scoped3A = tpu.sem_alloc : memref<!tpu.dma_semaphore, #tpu.memory_space<semaphore_mem>>
        %dma_start3A = arith.constant 0 : i32
        %dma_start3A_51 = tpu.memref_slice %arg3[%arg0, %add3A_50, %dma_start3A] : memref<2x10240x16xf32, #tpu.memory_space<hbm>> -> memref<1x80x16xf32, #tpu.memory_space<hbm>>
        %dma_start3A_52 = tpu.memref_squeeze %dma_start3A_51 : memref<1x80x16xf32, #tpu.memory_space<hbm>> -> memref<80x16xf32, #tpu.memory_space<hbm>>
        %dma_start3A_53 = arith.constant 0 : i32
        %dma_start3A_54 = tpu.memref_slice %arg3[%arg0, %add3A_50, %dma_start3A_53] : memref<2x10240x16xf32, #tpu.memory_space<hbm>> -> memref<1x80x16xf32, #tpu.memory_space<hbm>>
        %dma_start3A_55 = tpu.memref_squeeze %dma_start3A_54 : memref<1x80x16xf32, #tpu.memory_space<hbm>> -> memref<80x16xf32, #tpu.memory_space<hbm>>
        tpu.enqueue_dma source(%arg7 : memref<80x16xf32, #tpu.memory_space<vmem>>) target(%dma_start3A_55 : memref<80x16xf32, #tpu.memory_space<hbm>>) target_semaphore(%run_scoped3A : memref<!tpu.dma_semaphore, #tpu.memory_space<semaphore_mem>>)
        %dma_wait3A = arith.constant 0 : i32
        %dma_wait3A_56 = tpu.memref_slice %arg3[%arg0, %add3A_50, %dma_wait3A] : memref<2x10240x16xf32, #tpu.memory_space<hbm>> -> memref<1x80x16xf32, #tpu.memory_space<hbm>>
        %dma_wait3A_57 = tpu.memref_squeeze %dma_wait3A_56 : memref<1x80x16xf32, #tpu.memory_space<hbm>> -> memref<80x16xf32, #tpu.memory_space<hbm>>
        %dma_wait3A_58 = arith.constant 0 : i32
        %dma_wait3A_59 = tpu.memref_slice %arg3[%arg0, %add3A_50, %dma_wait3A_58] : memref<2x10240x16xf32, #tpu.memory_space<hbm>> -> memref<1x80x16xf32, #tpu.memory_space<hbm>>
        %dma_wait3A_60 = tpu.memref_squeeze %dma_wait3A_59 : memref<1x80x16xf32, #tpu.memory_space<hbm>> -> memref<80x16xf32, #tpu.memory_space<hbm>>
        tpu.wait_dma2 semaphore(%run_scoped3A : memref<!tpu.dma_semaphore, #tpu.memory_space<semaphore_mem>>) src(%arg7 : memref<80x16xf32, #tpu.memory_space<vmem>>) dst(%dma_wait3A_60 : memref<80x16xf32, #tpu.memory_space<hbm>>)
        tpu.yield
      }) : () -> ()
    }
    %scan3A_30 = arith.constant 8 : i32
    return
  }
}

#map = affine_map<(d0, d1) -> (0, 0, 0)>
#map1 = affine_map<(d0, d1) -> (0, 0)>
module attributes {stable_mosaic.version = 14 : i64} {
  func.func @_push_kernel(%arg0: i32, %arg1: i32, %arg2: memref<2530x2x128xi32, #tpu.memory_space<hbm>>, %arg3: memref<2530x128xf32, #tpu.memory_space<hbm>>, %arg4: memref<10000x128xf32, #tpu.memory_space<hbm>>, %arg5: memref<2x10240x128xf32, #tpu.memory_space<hbm>>, %arg6: memref<2x128xi32, #tpu.memory_space<vmem>>, %arg7: memref<2x128xi32, #tpu.memory_space<vmem>>, %arg8: memref<128xf32, #tpu.memory_space<vmem>>, %arg9: memref<128xf32, #tpu.memory_space<vmem>>, %arg10: memref<128xi32, #tpu.memory_space<vmem>>, %arg11: memref<128xf32, #tpu.memory_space<vmem>>, %arg12: memref<128x128xf32, #tpu.memory_space<vmem>>, %arg13: memref<128x128xf32, #tpu.memory_space<vmem>>, %arg14: memref<10240x128xf32, #tpu.memory_space<vmem_shared>>, %arg15: memref<!tpu.dma_semaphore, #tpu.memory_space<semaphore_mem>>, %arg16: memref<!tpu.dma_semaphore, #tpu.memory_space<semaphore_mem>>, %arg17: memref<!tpu.dma_semaphore, #tpu.memory_space<semaphore_mem>>, %arg18: memref<!tpu.dma_semaphore, #tpu.memory_space<semaphore_mem>>) attributes {dimension_semantics = [#tpu.dimension_semantics<core_parallel>, #tpu.dimension_semantics<subcore_parallel>], iteration_bounds = array<i64: 2, 16>, scalar_prefetch = 0 : i64, scratch_operands = 13 : i64, tpu.core_type = #tpu.core_type<sc_vector_subcore>, window_params = [{transform_indices = #map}, {transform_indices = #map1}, {transform_indices = #map1}, {transform_indices = #map}]} {
    %mul3A = arith.constant 2 : i32
    %mul3A_0 = arith.muli %arg1, %mul3A : i32
    %add3A = arith.addi %mul3A_0, %arg0 : i32
    %broadcast_in_dim3A = arith.constant 0.000000e+00 : f32
    %broadcast_in_dim3A_1 = vector.broadcast %broadcast_in_dim3A : f32 to vector<16xf32>
    %iota3A = tpu.iota {dimensions = array<i32: 0>} : vector<16xi32>
    %scan3A = arith.constant 0 : i32
    %scan3A_2 = arith.constant 128 : i32
    %scan3A_3 = arith.addi %scan3A, %scan3A_2 : i32
    %scan3A_4 = arith.constant 1 : i32
    scf.for %scan3A_105 = %scan3A to %scan3A_3 step %scan3A_4  : i32 {
      %mul3A_106 = arith.constant 1 : i32
      %mul3A_107 = arith.muli %scan3A_105, %mul3A_106 : i32
      %add3A_108 = arith.constant 0 : i32
      %add3A_109 = arith.addi %add3A_108, %mul3A_107 : i32
      %swap3A = arith.index_cast %add3A_109 : i32 to index
      %swap3A_110 = arith.constant 0 : index
      %swap3A_111 = tpu.vector_load %arg12[%swap3A, %swap3A_110] {strides = array<i32>} : memref<128x128xf32, #tpu.memory_space<vmem>>, vector<16xf32>,
      tpu.vector_store %arg12[%swap3A, %swap3A_110], %broadcast_in_dim3A_1 {strides = array<i32>} : memref<128x128xf32, #tpu.memory_space<vmem>>, vector<16xf32>,
      %swap3A_112 = arith.index_cast %add3A_109 : i32 to index
      %swap3A_113 = arith.constant 16 : index
      %swap3A_114 = tpu.vector_load %arg12[%swap3A_112, %swap3A_113] {strides = array<i32>} : memref<128x128xf32, #tpu.memory_space<vmem>>, vector<16xf32>,
      tpu.vector_store %arg12[%swap3A_112, %swap3A_113], %broadcast_in_dim3A_1 {strides = array<i32>} : memref<128x128xf32, #tpu.memory_space<vmem>>, vector<16xf32>,
      %swap3A_115 = arith.index_cast %add3A_109 : i32 to index
      %swap3A_116 = arith.constant 32 : index
      %swap3A_117 = tpu.vector_load %arg12[%swap3A_115, %swap3A_116] {strides = array<i32>} : memref<128x128xf32, #tpu.memory_space<vmem>>, vector<16xf32>,
      tpu.vector_store %arg12[%swap3A_115, %swap3A_116], %broadcast_in_dim3A_1 {strides = array<i32>} : memref<128x128xf32, #tpu.memory_space<vmem>>, vector<16xf32>,
      %swap3A_118 = arith.index_cast %add3A_109 : i32 to index
      %swap3A_119 = arith.constant 48 : index
      %swap3A_120 = tpu.vector_load %arg12[%swap3A_118, %swap3A_119] {strides = array<i32>} : memref<128x128xf32, #tpu.memory_space<vmem>>, vector<16xf32>,
      tpu.vector_store %arg12[%swap3A_118, %swap3A_119], %broadcast_in_dim3A_1 {strides = array<i32>} : memref<128x128xf32, #tpu.memory_space<vmem>>, vector<16xf32>,
      %swap3A_121 = arith.index_cast %add3A_109 : i32 to index
      %swap3A_122 = arith.constant 64 : index
      %swap3A_123 = tpu.vector_load %arg12[%swap3A_121, %swap3A_122] {strides = array<i32>} : memref<128x128xf32, #tpu.memory_space<vmem>>, vector<16xf32>,
      tpu.vector_store %arg12[%swap3A_121, %swap3A_122], %broadcast_in_dim3A_1 {strides = array<i32>} : memref<128x128xf32, #tpu.memory_space<vmem>>, vector<16xf32>,
      %swap3A_124 = arith.index_cast %add3A_109 : i32 to index
      %swap3A_125 = arith.constant 80 : index
      %swap3A_126 = tpu.vector_load %arg12[%swap3A_124, %swap3A_125] {strides = array<i32>} : memref<128x128xf32, #tpu.memory_space<vmem>>, vector<16xf32>,
      tpu.vector_store %arg12[%swap3A_124, %swap3A_125], %broadcast_in_dim3A_1 {strides = array<i32>} : memref<128x128xf32, #tpu.memory_space<vmem>>, vector<16xf32>,
      %swap3A_127 = arith.index_cast %add3A_109 : i32 to index
      %swap3A_128 = arith.constant 96 : index
      %swap3A_129 = tpu.vector_load %arg12[%swap3A_127, %swap3A_128] {strides = array<i32>} : memref<128x128xf32, #tpu.memory_space<vmem>>, vector<16xf32>,
      tpu.vector_store %arg12[%swap3A_127, %swap3A_128], %broadcast_in_dim3A_1 {strides = array<i32>} : memref<128x128xf32, #tpu.memory_space<vmem>>, vector<16xf32>,
      %swap3A_130 = arith.index_cast %add3A_109 : i32 to index
      %swap3A_131 = arith.constant 112 : index
      %swap3A_132 = tpu.vector_load %arg12[%swap3A_130, %swap3A_131] {strides = array<i32>} : memref<128x128xf32, #tpu.memory_space<vmem>>, vector<16xf32>,
      tpu.vector_store %arg12[%swap3A_130, %swap3A_131], %broadcast_in_dim3A_1 {strides = array<i32>} : memref<128x128xf32, #tpu.memory_space<vmem>>, vector<16xf32>,
    }
    %scan3A_5 = arith.constant 128 : i32
    %scan3A_6 = arith.constant 0 : i32
    %scan3A_7 = arith.constant 5 : i32
    %scan3A_8 = arith.addi %scan3A_6, %scan3A_7 : i32
    %scan3A_9 = arith.constant 1 : i32
    scf.for %scan3A_105 = %scan3A_6 to %scan3A_8 step %scan3A_9  : i32 {
      %mul3A_106 = arith.constant 1 : i32
      %mul3A_107 = arith.muli %scan3A_105, %mul3A_106 : i32
      %add3A_108 = arith.constant 0 : i32
      %add3A_109 = arith.addi %add3A_108, %mul3A_107 : i32
      %mul3A_110 = arith.constant 640 : i32
      %mul3A_111 = arith.muli %arg1, %mul3A_110 : i32
      %mul3A_112 = arith.constant 128 : i32
      %mul3A_113 = arith.muli %add3A_109, %mul3A_112 : i32
      %add3A_114 = arith.addi %mul3A_111, %mul3A_113 : i32
      %scan3A_115 = arith.constant 0 : i32
      %scan3A_116 = arith.constant 8 : i32
      %scan3A_117 = arith.addi %scan3A_115, %scan3A_116 : i32
      %scan3A_118 = arith.constant 1 : i32
      scf.for %scan3A_120 = %scan3A_115 to %scan3A_117 step %scan3A_118  : i32 {
        %mul3A_121 = arith.constant 1 : i32
        %mul3A_122 = arith.muli %scan3A_120, %mul3A_121 : i32
        %add3A_123 = arith.constant 0 : i32
        %add3A_124 = arith.addi %add3A_123, %mul3A_122 : i32
        %mul3A_125 = arith.constant 16 : i32
        %mul3A_126 = arith.muli %add3A_124, %mul3A_125 : i32
        %add3A_127 = arith.addi %add3A_114, %mul3A_126 : i32
        %add3A_128 = vector.broadcast %add3A_127 : i32 to vector<16xi32>
        %add3A_129 = arith.addi %iota3A, %add3A_128 : vector<16xi32>
        %mul3A_130 = arith.constant 16 : i32
        %mul3A_131 = arith.muli %add3A_124, %mul3A_130 : i32
        %swap3A = arith.index_cast %mul3A_131 : i32 to index
        %swap3A_132 = tpu.vector_load %arg10[%swap3A] {strides = array<i32>} : memref<128xi32, #tpu.memory_space<vmem>>, vector<16xi32>,
        tpu.vector_store %arg10[%swap3A], %add3A_129 {strides = array<i32>} : memref<128xi32, #tpu.memory_space<vmem>>, vector<16xi32>,
      }
      %scan3A_119 = arith.constant 8 : i32
      "tpu.region"() ({
        %run_scoped3A_120 = tpu.sem_alloc : memref<!tpu.dma_semaphore, #tpu.memory_space<semaphore_mem>>
        %dma_start3A_121 = arith.constant 0 : i32
        %dma_start3A_122 = arith.constant 0 : i32
        %dma_start3A_123 = tpu.memref_slice %arg14[%dma_start3A_121, %dma_start3A_122] : memref<10240x128xf32, #tpu.memory_space<vmem_shared>> -> memref<10240x128xf32, #tpu.memory_space<vmem_shared>>
        tpu.enqueue_indirect_dma source(%arg12 : memref<128x128xf32, #tpu.memory_space<vmem>>) target(%dma_start3A_123 : memref<10240x128xf32, #tpu.memory_space<vmem_shared>>) offsets(%arg10 : memref<128xi32, #tpu.memory_space<vmem>>) semaphore(%run_scoped3A_120 : memref<!tpu.dma_semaphore, #tpu.memory_space<semaphore_mem>>)
        %dma_wait3A_124 = arith.constant 0 : i32
        %dma_wait3A_125 = arith.constant 0 : i32
        %dma_wait3A_126 = tpu.memref_slice %arg14[%dma_wait3A_124, %dma_wait3A_125] : memref<10240x128xf32, #tpu.memory_space<vmem_shared>> -> memref<10240x128xf32, #tpu.memory_space<vmem_shared>>
        tpu.wait_indirect_dma semaphore(%run_scoped3A_120 : memref<!tpu.dma_semaphore, #tpu.memory_space<semaphore_mem>>) src(%arg12 : memref<128x128xf32, #tpu.memory_space<vmem>>) dst(%dma_wait3A_126 : memref<10240x128xf32, #tpu.memory_space<vmem_shared>>)
        tpu.yield
      }) : () -> ()
    }
    %scan3A_10 = arith.constant 5 : i32
    %barrier3A = arith.constant 0 : index
    tpu.barrier barrier_id(%barrier3A)
    %mul3A_11 = arith.constant 79 : i32
    %mul3A_12 = arith.muli %add3A, %mul3A_11 : i32
    %dma_start3A = arith.constant 0 : i32
    %dma_start3A_13 = arith.constant 0 : i32
    %dma_start3A_14 = tpu.memref_slice %arg2[%mul3A_12, %dma_start3A, %dma_start3A_13] : memref<2530x2x128xi32, #tpu.memory_space<hbm>> -> memref<1x2x128xi32, #tpu.memory_space<hbm>>
    %dma_start3A_15 = tpu.memref_squeeze %dma_start3A_14 : memref<1x2x128xi32, #tpu.memory_space<hbm>> -> memref<2x128xi32, #tpu.memory_space<hbm>>
    %dma_start3A_16 = arith.constant 0 : i32
    %dma_start3A_17 = arith.constant 0 : i32
    %dma_start3A_18 = tpu.memref_slice %arg2[%mul3A_12, %dma_start3A_16, %dma_start3A_17] : memref<2530x2x128xi32, #tpu.memory_space<hbm>> -> memref<1x2x128xi32, #tpu.memory_space<hbm>>
    %dma_start3A_19 = tpu.memref_squeeze %dma_start3A_18 : memref<1x2x128xi32, #tpu.memory_space<hbm>> -> memref<2x128xi32, #tpu.memory_space<hbm>>
    tpu.enqueue_dma source(%dma_start3A_19 : memref<2x128xi32, #tpu.memory_space<hbm>>) target(%arg6 : memref<2x128xi32, #tpu.memory_space<vmem>>) target_semaphore(%arg15 : memref<!tpu.dma_semaphore, #tpu.memory_space<semaphore_mem>>)
    %dma_start3A_20 = arith.constant 0 : i32
    %dma_start3A_21 = tpu.memref_slice %arg3[%mul3A_12, %dma_start3A_20] : memref<2530x128xf32, #tpu.memory_space<hbm>> -> memref<1x128xf32, #tpu.memory_space<hbm>>
    %dma_start3A_22 = tpu.memref_squeeze %dma_start3A_21 : memref<1x128xf32, #tpu.memory_space<hbm>> -> memref<128xf32, #tpu.memory_space<hbm>>
    %dma_start3A_23 = arith.constant 0 : i32
    %dma_start3A_24 = tpu.memref_slice %arg3[%mul3A_12, %dma_start3A_23] : memref<2530x128xf32, #tpu.memory_space<hbm>> -> memref<1x128xf32, #tpu.memory_space<hbm>>
    %dma_start3A_25 = tpu.memref_squeeze %dma_start3A_24 : memref<1x128xf32, #tpu.memory_space<hbm>> -> memref<128xf32, #tpu.memory_space<hbm>>
    tpu.enqueue_dma source(%dma_start3A_25 : memref<128xf32, #tpu.memory_space<hbm>>) target(%arg8 : memref<128xf32, #tpu.memory_space<vmem>>) target_semaphore(%arg15 : memref<!tpu.dma_semaphore, #tpu.memory_space<semaphore_mem>>)
    %dma_wait3A = arith.constant 0 : i32
    %dma_wait3A_26 = arith.constant 0 : i32
    %dma_wait3A_27 = arith.constant 0 : i32
    %dma_wait3A_28 = tpu.memref_slice %arg2[%dma_wait3A, %dma_wait3A_26, %dma_wait3A_27] : memref<2530x2x128xi32, #tpu.memory_space<hbm>> -> memref<1x2x128xi32, #tpu.memory_space<hbm>>
    %dma_wait3A_29 = tpu.memref_squeeze %dma_wait3A_28 : memref<1x2x128xi32, #tpu.memory_space<hbm>> -> memref<2x128xi32, #tpu.memory_space<hbm>>
    %dma_wait3A_30 = arith.constant 0 : i32
    %dma_wait3A_31 = arith.constant 0 : i32
    %dma_wait3A_32 = tpu.memref_slice %arg2[%dma_wait3A, %dma_wait3A_30, %dma_wait3A_31] : memref<2530x2x128xi32, #tpu.memory_space<hbm>> -> memref<1x2x128xi32, #tpu.memory_space<hbm>>
    %dma_wait3A_33 = tpu.memref_squeeze %dma_wait3A_32 : memref<1x2x128xi32, #tpu.memory_space<hbm>> -> memref<2x128xi32, #tpu.memory_space<hbm>>
    tpu.wait_dma2 semaphore(%arg15 : memref<!tpu.dma_semaphore, #tpu.memory_space<semaphore_mem>>) src(%dma_wait3A_33 : memref<2x128xi32, #tpu.memory_space<hbm>>) dst(%arg6 : memref<2x128xi32, #tpu.memory_space<vmem>>)
    %dma_wait3A_34 = arith.constant 0 : i32
    %dma_wait3A_35 = arith.constant 0 : i32
    %dma_wait3A_36 = tpu.memref_slice %arg3[%dma_wait3A_34, %dma_wait3A_35] : memref<2530x128xf32, #tpu.memory_space<hbm>> -> memref<1x128xf32, #tpu.memory_space<hbm>>
    %dma_wait3A_37 = tpu.memref_squeeze %dma_wait3A_36 : memref<1x128xf32, #tpu.memory_space<hbm>> -> memref<128xf32, #tpu.memory_space<hbm>>
    %dma_wait3A_38 = arith.constant 0 : i32
    %dma_wait3A_39 = tpu.memref_slice %arg3[%dma_wait3A_34, %dma_wait3A_38] : memref<2530x128xf32, #tpu.memory_space<hbm>> -> memref<1x128xf32, #tpu.memory_space<hbm>>
    %dma_wait3A_40 = tpu.memref_squeeze %dma_wait3A_39 : memref<1x128xf32, #tpu.memory_space<hbm>> -> memref<128xf32, #tpu.memory_space<hbm>>
    tpu.wait_dma2 semaphore(%arg15 : memref<!tpu.dma_semaphore, #tpu.memory_space<semaphore_mem>>) src(%dma_wait3A_40 : memref<128xf32, #tpu.memory_space<hbm>>) dst(%arg8 : memref<128xf32, #tpu.memory_space<vmem>>)
    %add3A_41 = arith.constant 1 : i32
    %add3A_42 = arith.addi %mul3A_12, %add3A_41 : i32
    %dma_start3A_43 = arith.constant 0 : i32
    %dma_start3A_44 = arith.constant 0 : i32
    %dma_start3A_45 = tpu.memref_slice %arg2[%add3A_42, %dma_start3A_43, %dma_start3A_44] : memref<2530x2x128xi32, #tpu.memory_space<hbm>> -> memref<1x2x128xi32, #tpu.memory_space<hbm>>
    %dma_start3A_46 = tpu.memref_squeeze %dma_start3A_45 : memref<1x2x128xi32, #tpu.memory_space<hbm>> -> memref<2x128xi32, #tpu.memory_space<hbm>>
    %dma_start3A_47 = arith.constant 0 : i32
    %dma_start3A_48 = arith.constant 0 : i32
    %dma_start3A_49 = tpu.memref_slice %arg2[%add3A_42, %dma_start3A_47, %dma_start3A_48] : memref<2530x2x128xi32, #tpu.memory_space<hbm>> -> memref<1x2x128xi32, #tpu.memory_space<hbm>>
    %dma_start3A_50 = tpu.memref_squeeze %dma_start3A_49 : memref<1x2x128xi32, #tpu.memory_space<hbm>> -> memref<2x128xi32, #tpu.memory_space<hbm>>
    tpu.enqueue_dma source(%dma_start3A_50 : memref<2x128xi32, #tpu.memory_space<hbm>>) target(%arg7 : memref<2x128xi32, #tpu.memory_space<vmem>>) target_semaphore(%arg16 : memref<!tpu.dma_semaphore, #tpu.memory_space<semaphore_mem>>)
    %dma_start3A_51 = arith.constant 0 : i32
    %dma_start3A_52 = tpu.memref_slice %arg3[%add3A_42, %dma_start3A_51] : memref<2530x128xf32, #tpu.memory_space<hbm>> -> memref<1x128xf32, #tpu.memory_space<hbm>>
    %dma_start3A_53 = tpu.memref_squeeze %dma_start3A_52 : memref<1x128xf32, #tpu.memory_space<hbm>> -> memref<128xf32, #tpu.memory_space<hbm>>
    %dma_start3A_54 = arith.constant 0 : i32
    %dma_start3A_55 = tpu.memref_slice %arg3[%add3A_42, %dma_start3A_54] : memref<2530x128xf32, #tpu.memory_space<hbm>> -> memref<1x128xf32, #tpu.memory_space<hbm>>
    %dma_start3A_56 = tpu.memref_squeeze %dma_start3A_55 : memref<1x128xf32, #tpu.memory_space<hbm>> -> memref<128xf32, #tpu.memory_space<hbm>>
    tpu.enqueue_dma source(%dma_start3A_56 : memref<128xf32, #tpu.memory_space<hbm>>) target(%arg9 : memref<128xf32, #tpu.memory_space<vmem>>) target_semaphore(%arg16 : memref<!tpu.dma_semaphore, #tpu.memory_space<semaphore_mem>>)
    %dma_start3A_57 = arith.constant 1 : i32
    %dma_start3A_58 = arith.constant 0 : i32
    %dma_start3A_59 = tpu.memref_slice %arg6[%dma_start3A_57, %dma_start3A_58] : memref<2x128xi32, #tpu.memory_space<vmem>> -> memref<1x128xi32, #tpu.memory_space<vmem>>
    %dma_start3A_60 = tpu.memref_squeeze %dma_start3A_59 : memref<1x128xi32, #tpu.memory_space<vmem>> -> memref<128xi32, #tpu.memory_space<vmem>>
    %dma_start3A_61 = arith.constant 0 : i32
    %dma_start3A_62 = arith.constant 0 : i32
    %dma_start3A_63 = tpu.memref_slice %arg4[%dma_start3A_61, %dma_start3A_62] : memref<10000x128xf32, #tpu.memory_space<hbm>> -> memref<10000x128xf32, #tpu.memory_space<hbm>>
    tpu.enqueue_indirect_dma source(%dma_start3A_63 : memref<10000x128xf32, #tpu.memory_space<hbm>>) target(%arg12 : memref<128x128xf32, #tpu.memory_space<vmem>>) offsets(%dma_start3A_60 : memref<128xi32, #tpu.memory_space<vmem>>) semaphore(%arg17 : memref<!tpu.dma_semaphore, #tpu.memory_space<semaphore_mem>>)
    %scan3A_64 = arith.constant 0 : i32
    %scan3A_65 = arith.constant 39 : i32
    %scan3A_66 = arith.addi %scan3A_64, %scan3A_65 : i32
    %scan3A_67 = arith.constant 1 : i32
    scf.for %scan3A_105 = %scan3A_64 to %scan3A_66 step %scan3A_67  : i32 {
      %mul3A_106 = arith.constant 1 : i32
      %mul3A_107 = arith.muli %scan3A_105, %mul3A_106 : i32
      %add3A_108 = arith.constant 0 : i32
      %add3A_109 = arith.addi %add3A_108, %mul3A_107 : i32
      %mul3A_110 = arith.constant 2 : i32
      %mul3A_111 = arith.muli %mul3A_110, %add3A_109 : i32
      %dma_wait3A_112 = arith.constant 0 : i32
      %dma_wait3A_113 = arith.constant 0 : i32
      %dma_wait3A_114 = arith.constant 0 : i32
      %dma_wait3A_115 = tpu.memref_slice %arg2[%dma_wait3A_112, %dma_wait3A_113, %dma_wait3A_114] : memref<2530x2x128xi32, #tpu.memory_space<hbm>> -> memref<1x2x128xi32, #tpu.memory_space<hbm>>
      %dma_wait3A_116 = tpu.memref_squeeze %dma_wait3A_115 : memref<1x2x128xi32, #tpu.memory_space<hbm>> -> memref<2x128xi32, #tpu.memory_space<hbm>>
      %dma_wait3A_117 = arith.constant 0 : i32
      %dma_wait3A_118 = arith.constant 0 : i32
      %dma_wait3A_119 = tpu.memref_slice %arg2[%dma_wait3A_112, %dma_wait3A_117, %dma_wait3A_118] : memref<2530x2x128xi32, #tpu.memory_space<hbm>> -> memref<1x2x128xi32, #tpu.memory_space<hbm>>
      %dma_wait3A_120 = tpu.memref_squeeze %dma_wait3A_119 : memref<1x2x128xi32, #tpu.memory_space<hbm>> -> memref<2x128xi32, #tpu.memory_space<hbm>>
      tpu.wait_dma2 semaphore(%arg16 : memref<!tpu.dma_semaphore, #tpu.memory_space<semaphore_mem>>) src(%dma_wait3A_120 : memref<2x128xi32, #tpu.memory_space<hbm>>) dst(%arg7 : memref<2x128xi32, #tpu.memory_space<vmem>>)
      %dma_wait3A_121 = arith.constant 0 : i32
      %dma_wait3A_122 = arith.constant 0 : i32
      %dma_wait3A_123 = tpu.memref_slice %arg3[%dma_wait3A_121, %dma_wait3A_122] : memref<2530x128xf32, #tpu.memory_space<hbm>> -> memref<1x128xf32, #tpu.memory_space<hbm>>
      %dma_wait3A_124 = tpu.memref_squeeze %dma_wait3A_123 : memref<1x128xf32, #tpu.memory_space<hbm>> -> memref<128xf32, #tpu.memory_space<hbm>>
      %dma_wait3A_125 = arith.constant 0 : i32
      %dma_wait3A_126 = tpu.memref_slice %arg3[%dma_wait3A_121, %dma_wait3A_125] : memref<2530x128xf32, #tpu.memory_space<hbm>> -> memref<1x128xf32, #tpu.memory_space<hbm>>
      %dma_wait3A_127 = tpu.memref_squeeze %dma_wait3A_126 : memref<1x128xf32, #tpu.memory_space<hbm>> -> memref<128xf32, #tpu.memory_space<hbm>>
      tpu.wait_dma2 semaphore(%arg16 : memref<!tpu.dma_semaphore, #tpu.memory_space<semaphore_mem>>) src(%dma_wait3A_127 : memref<128xf32, #tpu.memory_space<hbm>>) dst(%arg9 : memref<128xf32, #tpu.memory_space<vmem>>)
      %dma_start3A_128 = arith.constant 1 : i32
      %dma_start3A_129 = arith.constant 0 : i32
      %dma_start3A_130 = tpu.memref_slice %arg7[%dma_start3A_128, %dma_start3A_129] : memref<2x128xi32, #tpu.memory_space<vmem>> -> memref<1x128xi32, #tpu.memory_space<vmem>>
      %dma_start3A_131 = tpu.memref_squeeze %dma_start3A_130 : memref<1x128xi32, #tpu.memory_space<vmem>> -> memref<128xi32, #tpu.memory_space<vmem>>
      %dma_start3A_132 = arith.constant 0 : i32
      %dma_start3A_133 = arith.constant 0 : i32
      %dma_start3A_134 = tpu.memref_slice %arg4[%dma_start3A_132, %dma_start3A_133] : memref<10000x128xf32, #tpu.memory_space<hbm>> -> memref<10000x128xf32, #tpu.memory_space<hbm>>
      tpu.enqueue_indirect_dma source(%dma_start3A_134 : memref<10000x128xf32, #tpu.memory_space<hbm>>) target(%arg13 : memref<128x128xf32, #tpu.memory_space<vmem>>) offsets(%dma_start3A_131 : memref<128xi32, #tpu.memory_space<vmem>>) semaphore(%arg18 : memref<!tpu.dma_semaphore, #tpu.memory_space<semaphore_mem>>)
      %dma_wait3A_135 = arith.constant 1 : i32
      %dma_wait3A_136 = arith.constant 0 : i32
      %dma_wait3A_137 = tpu.memref_slice %arg6[%dma_wait3A_135, %dma_wait3A_136] : memref<2x128xi32, #tpu.memory_space<vmem>> -> memref<1x128xi32, #tpu.memory_space<vmem>>
      %dma_wait3A_138 = tpu.memref_squeeze %dma_wait3A_137 : memref<1x128xi32, #tpu.memory_space<vmem>> -> memref<128xi32, #tpu.memory_space<vmem>>
      %dma_wait3A_139 = arith.constant 0 : i32
      %dma_wait3A_140 = arith.constant 0 : i32
      %dma_wait3A_141 = tpu.memref_slice %arg4[%dma_wait3A_139, %dma_wait3A_140] : memref<10000x128xf32, #tpu.memory_space<hbm>> -> memref<10000x128xf32, #tpu.memory_space<hbm>>
      tpu.wait_indirect_dma semaphore(%arg17 : memref<!tpu.dma_semaphore, #tpu.memory_space<semaphore_mem>>) src(%dma_wait3A_141 : memref<10000x128xf32, #tpu.memory_space<hbm>>) dst(%arg12 : memref<128x128xf32, #tpu.memory_space<vmem>>)
      %scan3A_142 = arith.constant 0 : i32
      %scan3A_143 = arith.constant 8 : i32
      %scan3A_144 = arith.addi %scan3A_142, %scan3A_143 : i32
      %scan3A_145 = arith.constant 1 : i32
      scf.for %scan3A_224 = %scan3A_142 to %scan3A_144 step %scan3A_145  : i32 {
        %mul3A_225 = arith.constant 1 : i32
        %mul3A_226 = arith.muli %scan3A_224, %mul3A_225 : i32
        %add3A_227 = arith.constant 0 : i32
        %add3A_228 = arith.addi %add3A_227, %mul3A_226 : i32
        %mul3A_229 = arith.constant 16 : i32
        %mul3A_230 = arith.muli %add3A_228, %mul3A_229 : i32
        %get3A = arith.index_cast %mul3A_230 : i32 to index
        %get3A_231 = tpu.vector_load %arg8[%get3A] {strides = array<i32>} : memref<128xf32, #tpu.memory_space<vmem>>, vector<16xf32>,
        %mul3A_232 = arith.mulf %get3A_231, %get3A_231 : vector<16xf32>
        %neg3A = arith.constant 0.000000e+00 : f32
        %neg3A_233 = vector.broadcast %neg3A : f32 to vector<16xf32>
        %neg3A_234 = arith.subf %neg3A_233, %mul3A_232 : vector<16xf32>
        %exp3A = math.exp %neg3A_234 : vector<16xf32>
        %mul3A_235 = arith.constant 16 : i32
        %mul3A_236 = arith.muli %add3A_228, %mul3A_235 : i32
        %swap3A = arith.index_cast %mul3A_236 : i32 to index
        %swap3A_237 = tpu.vector_load %arg11[%swap3A] {strides = array<i32>} : memref<128xf32, #tpu.memory_space<vmem>>, vector<16xf32>,
        tpu.vector_store %arg11[%swap3A], %exp3A {strides = array<i32>} : memref<128xf32, #tpu.memory_space<vmem>>, vector<16xf32>,
      }
      %scan3A_146 = arith.constant 8 : i32
      %parallel_loop3A_147 = arith.constant 0 : i32
      %parallel_loop3A_148 = arith.constant 128 : i32
      %parallel_loop3A_149 = arith.constant 1 : i32
      scf.for %parallel_loop3A_224 = %parallel_loop3A_147 to %parallel_loop3A_148 step %parallel_loop3A_149  : i32 {
        %parallel_loop3A_225 = vector.broadcast %parallel_loop3A_224 : i32 to vector<16xi32>
        %parallel_loop3A_226 = tpu.vector_load_idx %arg11[%parallel_loop3A_225] : memref<128xf32, #tpu.memory_space<vmem>>[vector<16xi32>], vector<16xf32>,
        %parallel_loop3A_227 = arith.index_cast %parallel_loop3A_224 : i32 to index
        %parallel_loop3A_228 = arith.constant 0 : index
        %parallel_loop3A_229 = tpu.vector_load %arg12[%parallel_loop3A_227, %parallel_loop3A_228] {strides = array<i32>} : memref<128x128xf32, #tpu.memory_space<vmem>>, vector<16xf32>,
        %parallel_loop3A_230 = arith.mulf %parallel_loop3A_229, %parallel_loop3A_226 : vector<16xf32>
        %parallel_loop3A_231 = arith.index_cast %parallel_loop3A_224 : i32 to index
        %parallel_loop3A_232 = arith.constant 0 : index
        %parallel_loop3A_233 = tpu.vector_load %arg12[%parallel_loop3A_231, %parallel_loop3A_232] {strides = array<i32>} : memref<128x128xf32, #tpu.memory_space<vmem>>, vector<16xf32>,
        tpu.vector_store %arg12[%parallel_loop3A_231, %parallel_loop3A_232], %parallel_loop3A_230 {strides = array<i32>} : memref<128x128xf32, #tpu.memory_space<vmem>>, vector<16xf32>,
        %parallel_loop3A_234 = arith.index_cast %parallel_loop3A_224 : i32 to index
        %parallel_loop3A_235 = arith.constant 16 : index
        %parallel_loop3A_236 = tpu.vector_load %arg12[%parallel_loop3A_234, %parallel_loop3A_235] {strides = array<i32>} : memref<128x128xf32, #tpu.memory_space<vmem>>, vector<16xf32>,
        %parallel_loop3A_237 = arith.mulf %parallel_loop3A_236, %parallel_loop3A_226 : vector<16xf32>
        %parallel_loop3A_238 = arith.index_cast %parallel_loop3A_224 : i32 to index
        %parallel_loop3A_239 = arith.constant 16 : index
        %parallel_loop3A_240 = tpu.vector_load %arg12[%parallel_loop3A_238, %parallel_loop3A_239] {strides = array<i32>} : memref<128x128xf32, #tpu.memory_space<vmem>>, vector<16xf32>,
        tpu.vector_store %arg12[%parallel_loop3A_238, %parallel_loop3A_239], %parallel_loop3A_237 {strides = array<i32>} : memref<128x128xf32, #tpu.memory_space<vmem>>, vector<16xf32>,
        %parallel_loop3A_241 = arith.index_cast %parallel_loop3A_224 : i32 to index
        %parallel_loop3A_242 = arith.constant 32 : index
        %parallel_loop3A_243 = tpu.vector_load %arg12[%parallel_loop3A_241, %parallel_loop3A_242] {strides = array<i32>} : memref<128x128xf32, #tpu.memory_space<vmem>>, vector<16xf32>,
        %parallel_loop3A_244 = arith.mulf %parallel_loop3A_243, %parallel_loop3A_226 : vector<16xf32>
        %parallel_loop3A_245 = arith.index_cast %parallel_loop3A_224 : i32 to index
        %parallel_loop3A_246 = arith.constant 32 : index
        %parallel_loop3A_247 = tpu.vector_load %arg12[%parallel_loop3A_245, %parallel_loop3A_246] {strides = array<i32>} : memref<128x128xf32, #tpu.memory_space<vmem>>, vector<16xf32>,
        tpu.vector_store %arg12[%parallel_loop3A_245, %parallel_loop3A_246], %parallel_loop3A_244 {strides = array<i32>} : memref<128x128xf32, #tpu.memory_space<vmem>>, vector<16xf32>,
        %parallel_loop3A_248 = arith.index_cast %parallel_loop3A_224 : i32 to index
        %parallel_loop3A_249 = arith.constant 48 : index
        %parallel_loop3A_250 = tpu.vector_load %arg12[%parallel_loop3A_248, %parallel_loop3A_249] {strides = array<i32>} : memref<128x128xf32, #tpu.memory_space<vmem>>, vector<16xf32>,
        %parallel_loop3A_251 = arith.mulf %parallel_loop3A_250, %parallel_loop3A_226 : vector<16xf32>
        %parallel_loop3A_252 = arith.index_cast %parallel_loop3A_224 : i32 to index
        %parallel_loop3A_253 = arith.constant 48 : index
        %parallel_loop3A_254 = tpu.vector_load %arg12[%parallel_loop3A_252, %parallel_loop3A_253] {strides = array<i32>} : memref<128x128xf32, #tpu.memory_space<vmem>>, vector<16xf32>,
        tpu.vector_store %arg12[%parallel_loop3A_252, %parallel_loop3A_253], %parallel_loop3A_251 {strides = array<i32>} : memref<128x128xf32, #tpu.memory_space<vmem>>, vector<16xf32>,
        %parallel_loop3A_255 = arith.index_cast %parallel_loop3A_224 : i32 to index
        %parallel_loop3A_256 = arith.constant 64 : index
        %parallel_loop3A_257 = tpu.vector_load %arg12[%parallel_loop3A_255, %parallel_loop3A_256] {strides = array<i32>} : memref<128x128xf32, #tpu.memory_space<vmem>>, vector<16xf32>,
        %parallel_loop3A_258 = arith.mulf %parallel_loop3A_257, %parallel_loop3A_226 : vector<16xf32>
        %parallel_loop3A_259 = arith.index_cast %parallel_loop3A_224 : i32 to index
        %parallel_loop3A_260 = arith.constant 64 : index
        %parallel_loop3A_261 = tpu.vector_load %arg12[%parallel_loop3A_259, %parallel_loop3A_260] {strides = array<i32>} : memref<128x128xf32, #tpu.memory_space<vmem>>, vector<16xf32>,
        tpu.vector_store %arg12[%parallel_loop3A_259, %parallel_loop3A_260], %parallel_loop3A_258 {strides = array<i32>} : memref<128x128xf32, #tpu.memory_space<vmem>>, vector<16xf32>,
        %parallel_loop3A_262 = arith.index_cast %parallel_loop3A_224 : i32 to index
        %parallel_loop3A_263 = arith.constant 80 : index
        %parallel_loop3A_264 = tpu.vector_load %arg12[%parallel_loop3A_262, %parallel_loop3A_263] {strides = array<i32>} : memref<128x128xf32, #tpu.memory_space<vmem>>, vector<16xf32>,
        %parallel_loop3A_265 = arith.mulf %parallel_loop3A_264, %parallel_loop3A_226 : vector<16xf32>
        %parallel_loop3A_266 = arith.index_cast %parallel_loop3A_224 : i32 to index
        %parallel_loop3A_267 = arith.constant 80 : index
        %parallel_loop3A_268 = tpu.vector_load %arg12[%parallel_loop3A_266, %parallel_loop3A_267] {strides = array<i32>} : memref<128x128xf32, #tpu.memory_space<vmem>>, vector<16xf32>,
        tpu.vector_store %arg12[%parallel_loop3A_266, %parallel_loop3A_267], %parallel_loop3A_265 {strides = array<i32>} : memref<128x128xf32, #tpu.memory_space<vmem>>, vector<16xf32>,
        %parallel_loop3A_269 = arith.index_cast %parallel_loop3A_224 : i32 to index
        %parallel_loop3A_270 = arith.constant 96 : index
        %parallel_loop3A_271 = tpu.vector_load %arg12[%parallel_loop3A_269, %parallel_loop3A_270] {strides = array<i32>} : memref<128x128xf32, #tpu.memory_space<vmem>>, vector<16xf32>,
        %parallel_loop3A_272 = arith.mulf %parallel_loop3A_271, %parallel_loop3A_226 : vector<16xf32>
        %parallel_loop3A_273 = arith.index_cast %parallel_loop3A_224 : i32 to index
        %parallel_loop3A_274 = arith.constant 96 : index
        %parallel_loop3A_275 = tpu.vector_load %arg12[%parallel_loop3A_273, %parallel_loop3A_274] {strides = array<i32>} : memref<128x128xf32, #tpu.memory_space<vmem>>, vector<16xf32>,
        tpu.vector_store %arg12[%parallel_loop3A_273, %parallel_loop3A_274], %parallel_loop3A_272 {strides = array<i32>} : memref<128x128xf32, #tpu.memory_space<vmem>>, vector<16xf32>,
        %parallel_loop3A_276 = arith.index_cast %parallel_loop3A_224 : i32 to index
        %parallel_loop3A_277 = arith.constant 112 : index
        %parallel_loop3A_278 = tpu.vector_load %arg12[%parallel_loop3A_276, %parallel_loop3A_277] {strides = array<i32>} : memref<128x128xf32, #tpu.memory_space<vmem>>, vector<16xf32>,
        %parallel_loop3A_279 = arith.mulf %parallel_loop3A_278, %parallel_loop3A_226 : vector<16xf32>
        %parallel_loop3A_280 = arith.index_cast %parallel_loop3A_224 : i32 to index
        %parallel_loop3A_281 = arith.constant 112 : index
        %parallel_loop3A_282 = tpu.vector_load %arg12[%parallel_loop3A_280, %parallel_loop3A_281] {strides = array<i32>} : memref<128x128xf32, #tpu.memory_space<vmem>>, vector<16xf32>,
        tpu.vector_store %arg12[%parallel_loop3A_280, %parallel_loop3A_281], %parallel_loop3A_279 {strides = array<i32>} : memref<128x128xf32, #tpu.memory_space<vmem>>, vector<16xf32>,
      } {sc.loop_unroll_factor = 4 : i64, sc.parallel_access}
      %run_scoped3A_150 = arith.constant 0 : i32
      "tpu.region"() ({
        %run_scoped3A_224 = tpu.sem_alloc : memref<!tpu.dma_semaphore, #tpu.memory_space<semaphore_mem>>
        %dma_start3A_225 = arith.constant 0 : i32
        %dma_start3A_226 = tpu.memref_slice %arg6[%run_scoped3A_150, %dma_start3A_225] : memref<2x128xi32, #tpu.memory_space<vmem>> -> memref<1x128xi32, #tpu.memory_space<vmem>>
        %dma_start3A_227 = tpu.memref_squeeze %dma_start3A_226 : memref<1x128xi32, #tpu.memory_space<vmem>> -> memref<128xi32, #tpu.memory_space<vmem>>
        %dma_start3A_228 = arith.constant 0 : i32
        %dma_start3A_229 = arith.constant 0 : i32
        %dma_start3A_230 = tpu.memref_slice %arg14[%dma_start3A_228, %dma_start3A_229] : memref<10240x128xf32, #tpu.memory_space<vmem_shared>> -> memref<10240x128xf32, #tpu.memory_space<vmem_shared>>
        tpu.enqueue_indirect_dma source(%arg12 : memref<128x128xf32, #tpu.memory_space<vmem>>) target(%dma_start3A_230 : memref<10240x128xf32, #tpu.memory_space<vmem_shared>>) offsets(%dma_start3A_227 : memref<128xi32, #tpu.memory_space<vmem>>) semaphore(%run_scoped3A_224 : memref<!tpu.dma_semaphore, #tpu.memory_space<semaphore_mem>>) {add = true}
        %dma_wait3A_231 = arith.constant 0 : i32
        %dma_wait3A_232 = tpu.memref_slice %arg6[%run_scoped3A_150, %dma_wait3A_231] : memref<2x128xi32, #tpu.memory_space<vmem>> -> memref<1x128xi32, #tpu.memory_space<vmem>>
        %dma_wait3A_233 = tpu.memref_squeeze %dma_wait3A_232 : memref<1x128xi32, #tpu.memory_space<vmem>> -> memref<128xi32, #tpu.memory_space<vmem>>
        %dma_wait3A_234 = arith.constant 0 : i32
        %dma_wait3A_235 = arith.constant 0 : i32
        %dma_wait3A_236 = tpu.memref_slice %arg14[%dma_wait3A_234, %dma_wait3A_235] : memref<10240x128xf32, #tpu.memory_space<vmem_shared>> -> memref<10240x128xf32, #tpu.memory_space<vmem_shared>>
        tpu.wait_indirect_dma semaphore(%run_scoped3A_224 : memref<!tpu.dma_semaphore, #tpu.memory_space<semaphore_mem>>) src(%arg12 : memref<128x128xf32, #tpu.memory_space<vmem>>) dst(%dma_wait3A_236 : memref<10240x128xf32, #tpu.memory_space<vmem_shared>>)
        tpu.yield
      }) : () -> ()
      %add3A_151 = arith.addi %mul3A_12, %mul3A_111 : i32
      %add3A_152 = arith.constant 2 : i32
      %add3A_153 = arith.addi %add3A_151, %add3A_152 : i32
      %dma_start3A_154 = arith.constant 0 : i32
      %dma_start3A_155 = arith.constant 0 : i32
      %dma_start3A_156 = tpu.memref_slice %arg2[%add3A_153, %dma_start3A_154, %dma_start3A_155] : memref<2530x2x128xi32, #tpu.memory_space<hbm>> -> memref<1x2x128xi32, #tpu.memory_space<hbm>>
      %dma_start3A_157 = tpu.memref_squeeze %dma_start3A_156 : memref<1x2x128xi32, #tpu.memory_space<hbm>> -> memref<2x128xi32, #tpu.memory_space<hbm>>
      %dma_start3A_158 = arith.constant 0 : i32
      %dma_start3A_159 = arith.constant 0 : i32
      %dma_start3A_160 = tpu.memref_slice %arg2[%add3A_153, %dma_start3A_158, %dma_start3A_159] : memref<2530x2x128xi32, #tpu.memory_space<hbm>> -> memref<1x2x128xi32, #tpu.memory_space<hbm>>
      %dma_start3A_161 = tpu.memref_squeeze %dma_start3A_160 : memref<1x2x128xi32, #tpu.memory_space<hbm>> -> memref<2x128xi32, #tpu.memory_space<hbm>>
      tpu.enqueue_dma source(%dma_start3A_161 : memref<2x128xi32, #tpu.memory_space<hbm>>) target(%arg6 : memref<2x128xi32, #tpu.memory_space<vmem>>) target_semaphore(%arg15 : memref<!tpu.dma_semaphore, #tpu.memory_space<semaphore_mem>>)
      %dma_start3A_162 = arith.constant 0 : i32
      %dma_start3A_163 = tpu.memref_slice %arg3[%add3A_153, %dma_start3A_162] : memref<2530x128xf32, #tpu.memory_space<hbm>> -> memref<1x128xf32, #tpu.memory_space<hbm>>
      %dma_start3A_164 = tpu.memref_squeeze %dma_start3A_163 : memref<1x128xf32, #tpu.memory_space<hbm>> -> memref<128xf32, #tpu.memory_space<hbm>>
      %dma_start3A_165 = arith.constant 0 : i32
      %dma_start3A_166 = tpu.memref_slice %arg3[%add3A_153, %dma_start3A_165] : memref<2530x128xf32, #tpu.memory_space<hbm>> -> memref<1x128xf32, #tpu.memory_space<hbm>>
      %dma_start3A_167 = tpu.memref_squeeze %dma_start3A_166 : memref<1x128xf32, #tpu.memory_space<hbm>> -> memref<128xf32, #tpu.memory_space<hbm>>
      tpu.enqueue_dma source(%dma_start3A_167 : memref<128xf32, #tpu.memory_space<hbm>>) target(%arg8 : memref<128xf32, #tpu.memory_space<vmem>>) target_semaphore(%arg15 : memref<!tpu.dma_semaphore, #tpu.memory_space<semaphore_mem>>)
      %dma_wait3A_168 = arith.constant 0 : i32
      %dma_wait3A_169 = arith.constant 0 : i32
      %dma_wait3A_170 = arith.constant 0 : i32
      %dma_wait3A_171 = tpu.memref_slice %arg2[%dma_wait3A_168, %dma_wait3A_169, %dma_wait3A_170] : memref<2530x2x128xi32, #tpu.memory_space<hbm>> -> memref<1x2x128xi32, #tpu.memory_space<hbm>>
      %dma_wait3A_172 = tpu.memref_squeeze %dma_wait3A_171 : memref<1x2x128xi32, #tpu.memory_space<hbm>> -> memref<2x128xi32, #tpu.memory_space<hbm>>
      %dma_wait3A_173 = arith.constant 0 : i32
      %dma_wait3A_174 = arith.constant 0 : i32
      %dma_wait3A_175 = tpu.memref_slice %arg2[%dma_wait3A_168, %dma_wait3A_173, %dma_wait3A_174] : memref<2530x2x128xi32, #tpu.memory_space<hbm>> -> memref<1x2x128xi32, #tpu.memory_space<hbm>>
      %dma_wait3A_176 = tpu.memref_squeeze %dma_wait3A_175 : memref<1x2x128xi32, #tpu.memory_space<hbm>> -> memref<2x128xi32, #tpu.memory_space<hbm>>
      tpu.wait_dma2 semaphore(%arg15 : memref<!tpu.dma_semaphore, #tpu.memory_space<semaphore_mem>>) src(%dma_wait3A_176 : memref<2x128xi32, #tpu.memory_space<hbm>>) dst(%arg6 : memref<2x128xi32, #tpu.memory_space<vmem>>)
      %dma_wait3A_177 = arith.constant 0 : i32
      %dma_wait3A_178 = arith.constant 0 : i32
      %dma_wait3A_179 = tpu.memref_slice %arg3[%dma_wait3A_177, %dma_wait3A_178] : memref<2530x128xf32, #tpu.memory_space<hbm>> -> memref<1x128xf32, #tpu.memory_space<hbm>>
      %dma_wait3A_180 = tpu.memref_squeeze %dma_wait3A_179 : memref<1x128xf32, #tpu.memory_space<hbm>> -> memref<128xf32, #tpu.memory_space<hbm>>
      %dma_wait3A_181 = arith.constant 0 : i32
      %dma_wait3A_182 = tpu.memref_slice %arg3[%dma_wait3A_177, %dma_wait3A_181] : memref<2530x128xf32, #tpu.memory_space<hbm>> -> memref<1x128xf32, #tpu.memory_space<hbm>>
      %dma_wait3A_183 = tpu.memref_squeeze %dma_wait3A_182 : memref<1x128xf32, #tpu.memory_space<hbm>> -> memref<128xf32, #tpu.memory_space<hbm>>
      tpu.wait_dma2 semaphore(%arg15 : memref<!tpu.dma_semaphore, #tpu.memory_space<semaphore_mem>>) src(%dma_wait3A_183 : memref<128xf32, #tpu.memory_space<hbm>>) dst(%arg8 : memref<128xf32, #tpu.memory_space<vmem>>)
      %dma_start3A_184 = arith.constant 1 : i32
      %dma_start3A_185 = arith.constant 0 : i32
      %dma_start3A_186 = tpu.memref_slice %arg6[%dma_start3A_184, %dma_start3A_185] : memref<2x128xi32, #tpu.memory_space<vmem>> -> memref<1x128xi32, #tpu.memory_space<vmem>>
      %dma_start3A_187 = tpu.memref_squeeze %dma_start3A_186 : memref<1x128xi32, #tpu.memory_space<vmem>> -> memref<128xi32, #tpu.memory_space<vmem>>
      %dma_start3A_188 = arith.constant 0 : i32
      %dma_start3A_189 = arith.constant 0 : i32
      %dma_start3A_190 = tpu.memref_slice %arg4[%dma_start3A_188, %dma_start3A_189] : memref<10000x128xf32, #tpu.memory_space<hbm>> -> memref<10000x128xf32, #tpu.memory_space<hbm>>
      tpu.enqueue_indirect_dma source(%dma_start3A_190 : memref<10000x128xf32, #tpu.memory_space<hbm>>) target(%arg12 : memref<128x128xf32, #tpu.memory_space<vmem>>) offsets(%dma_start3A_187 : memref<128xi32, #tpu.memory_space<vmem>>) semaphore(%arg17 : memref<!tpu.dma_semaphore, #tpu.memory_space<semaphore_mem>>)
      %dma_wait3A_191 = arith.constant 1 : i32
      %dma_wait3A_192 = arith.constant 0 : i32
      %dma_wait3A_193 = tpu.memref_slice %arg7[%dma_wait3A_191, %dma_wait3A_192] : memref<2x128xi32, #tpu.memory_space<vmem>> -> memref<1x128xi32, #tpu.memory_space<vmem>>
      %dma_wait3A_194 = tpu.memref_squeeze %dma_wait3A_193 : memref<1x128xi32, #tpu.memory_space<vmem>> -> memref<128xi32, #tpu.memory_space<vmem>>
      %dma_wait3A_195 = arith.constant 0 : i32
      %dma_wait3A_196 = arith.constant 0 : i32
      %dma_wait3A_197 = tpu.memref_slice %arg4[%dma_wait3A_195, %dma_wait3A_196] : memref<10000x128xf32, #tpu.memory_space<hbm>> -> memref<10000x128xf32, #tpu.memory_space<hbm>>
      tpu.wait_indirect_dma semaphore(%arg18 : memref<!tpu.dma_semaphore, #tpu.memory_space<semaphore_mem>>) src(%dma_wait3A_197 : memref<10000x128xf32, #tpu.memory_space<hbm>>) dst(%arg13 : memref<128x128xf32, #tpu.memory_space<vmem>>)
      %scan3A_198 = arith.constant 0 : i32
      %scan3A_199 = arith.constant 8 : i32
      %scan3A_200 = arith.addi %scan3A_198, %scan3A_199 : i32
      %scan3A_201 = arith.constant 1 : i32
      scf.for %scan3A_224 = %scan3A_198 to %scan3A_200 step %scan3A_201  : i32 {
        %mul3A_225 = arith.constant 1 : i32
        %mul3A_226 = arith.muli %scan3A_224, %mul3A_225 : i32
        %add3A_227 = arith.constant 0 : i32
        %add3A_228 = arith.addi %add3A_227, %mul3A_226 : i32
        %mul3A_229 = arith.constant 16 : i32
        %mul3A_230 = arith.muli %add3A_228, %mul3A_229 : i32
        %get3A = arith.index_cast %mul3A_230 : i32 to index
        %get3A_231 = tpu.vector_load %arg9[%get3A] {strides = array<i32>} : memref<128xf32, #tpu.memory_space<vmem>>, vector<16xf32>,
        %mul3A_232 = arith.mulf %get3A_231, %get3A_231 : vector<16xf32>
        %neg3A = arith.constant 0.000000e+00 : f32
        %neg3A_233 = vector.broadcast %neg3A : f32 to vector<16xf32>
        %neg3A_234 = arith.subf %neg3A_233, %mul3A_232 : vector<16xf32>
        %exp3A = math.exp %neg3A_234 : vector<16xf32>
        %mul3A_235 = arith.constant 16 : i32
        %mul3A_236 = arith.muli %add3A_228, %mul3A_235 : i32
        %swap3A = arith.index_cast %mul3A_236 : i32 to index
        %swap3A_237 = tpu.vector_load %arg11[%swap3A] {strides = array<i32>} : memref<128xf32, #tpu.memory_space<vmem>>, vector<16xf32>,
        tpu.vector_store %arg11[%swap3A], %exp3A {strides = array<i32>} : memref<128xf32, #tpu.memory_space<vmem>>, vector<16xf32>,
      }
      %scan3A_202 = arith.constant 8 : i32
      %parallel_loop3A_203 = arith.constant 0 : i32
      %parallel_loop3A_204 = arith.constant 128 : i32
      %parallel_loop3A_205 = arith.constant 1 : i32
      scf.for %parallel_loop3A_224 = %parallel_loop3A_203 to %parallel_loop3A_204 step %parallel_loop3A_205  : i32 {
        %parallel_loop3A_225 = vector.broadcast %parallel_loop3A_224 : i32 to vector<16xi32>
        %parallel_loop3A_226 = tpu.vector_load_idx %arg11[%parallel_loop3A_225] : memref<128xf32, #tpu.memory_space<vmem>>[vector<16xi32>], vector<16xf32>,
        %parallel_loop3A_227 = arith.index_cast %parallel_loop3A_224 : i32 to index
        %parallel_loop3A_228 = arith.constant 0 : index
        %parallel_loop3A_229 = tpu.vector_load %arg13[%parallel_loop3A_227, %parallel_loop3A_228] {strides = array<i32>} : memref<128x128xf32, #tpu.memory_space<vmem>>, vector<16xf32>,
        %parallel_loop3A_230 = arith.mulf %parallel_loop3A_229, %parallel_loop3A_226 : vector<16xf32>
        %parallel_loop3A_231 = arith.index_cast %parallel_loop3A_224 : i32 to index
        %parallel_loop3A_232 = arith.constant 0 : index
        %parallel_loop3A_233 = tpu.vector_load %arg13[%parallel_loop3A_231, %parallel_loop3A_232] {strides = array<i32>} : memref<128x128xf32, #tpu.memory_space<vmem>>, vector<16xf32>,
        tpu.vector_store %arg13[%parallel_loop3A_231, %parallel_loop3A_232], %parallel_loop3A_230 {strides = array<i32>} : memref<128x128xf32, #tpu.memory_space<vmem>>, vector<16xf32>,
        %parallel_loop3A_234 = arith.index_cast %parallel_loop3A_224 : i32 to index
        %parallel_loop3A_235 = arith.constant 16 : index
        %parallel_loop3A_236 = tpu.vector_load %arg13[%parallel_loop3A_234, %parallel_loop3A_235] {strides = array<i32>} : memref<128x128xf32, #tpu.memory_space<vmem>>, vector<16xf32>,
        %parallel_loop3A_237 = arith.mulf %parallel_loop3A_236, %parallel_loop3A_226 : vector<16xf32>
        %parallel_loop3A_238 = arith.index_cast %parallel_loop3A_224 : i32 to index
        %parallel_loop3A_239 = arith.constant 16 : index
        %parallel_loop3A_240 = tpu.vector_load %arg13[%parallel_loop3A_238, %parallel_loop3A_239] {strides = array<i32>} : memref<128x128xf32, #tpu.memory_space<vmem>>, vector<16xf32>,
        tpu.vector_store %arg13[%parallel_loop3A_238, %parallel_loop3A_239], %parallel_loop3A_237 {strides = array<i32>} : memref<128x128xf32, #tpu.memory_space<vmem>>, vector<16xf32>,
        %parallel_loop3A_241 = arith.index_cast %parallel_loop3A_224 : i32 to index
        %parallel_loop3A_242 = arith.constant 32 : index
        %parallel_loop3A_243 = tpu.vector_load %arg13[%parallel_loop3A_241, %parallel_loop3A_242] {strides = array<i32>} : memref<128x128xf32, #tpu.memory_space<vmem>>, vector<16xf32>,
        %parallel_loop3A_244 = arith.mulf %parallel_loop3A_243, %parallel_loop3A_226 : vector<16xf32>
        %parallel_loop3A_245 = arith.index_cast %parallel_loop3A_224 : i32 to index
        %parallel_loop3A_246 = arith.constant 32 : index
        %parallel_loop3A_247 = tpu.vector_load %arg13[%parallel_loop3A_245, %parallel_loop3A_246] {strides = array<i32>} : memref<128x128xf32, #tpu.memory_space<vmem>>, vector<16xf32>,
        tpu.vector_store %arg13[%parallel_loop3A_245, %parallel_loop3A_246], %parallel_loop3A_244 {strides = array<i32>} : memref<128x128xf32, #tpu.memory_space<vmem>>, vector<16xf32>,
        %parallel_loop3A_248 = arith.index_cast %parallel_loop3A_224 : i32 to index
        %parallel_loop3A_249 = arith.constant 48 : index
        %parallel_loop3A_250 = tpu.vector_load %arg13[%parallel_loop3A_248, %parallel_loop3A_249] {strides = array<i32>} : memref<128x128xf32, #tpu.memory_space<vmem>>, vector<16xf32>,
        %parallel_loop3A_251 = arith.mulf %parallel_loop3A_250, %parallel_loop3A_226 : vector<16xf32>
        %parallel_loop3A_252 = arith.index_cast %parallel_loop3A_224 : i32 to index
        %parallel_loop3A_253 = arith.constant 48 : index
        %parallel_loop3A_254 = tpu.vector_load %arg13[%parallel_loop3A_252, %parallel_loop3A_253] {strides = array<i32>} : memref<128x128xf32, #tpu.memory_space<vmem>>, vector<16xf32>,
        tpu.vector_store %arg13[%parallel_loop3A_252, %parallel_loop3A_253], %parallel_loop3A_251 {strides = array<i32>} : memref<128x128xf32, #tpu.memory_space<vmem>>, vector<16xf32>,
        %parallel_loop3A_255 = arith.index_cast %parallel_loop3A_224 : i32 to index
        %parallel_loop3A_256 = arith.constant 64 : index
        %parallel_loop3A_257 = tpu.vector_load %arg13[%parallel_loop3A_255, %parallel_loop3A_256] {strides = array<i32>} : memref<128x128xf32, #tpu.memory_space<vmem>>, vector<16xf32>,
        %parallel_loop3A_258 = arith.mulf %parallel_loop3A_257, %parallel_loop3A_226 : vector<16xf32>
        %parallel_loop3A_259 = arith.index_cast %parallel_loop3A_224 : i32 to index
        %parallel_loop3A_260 = arith.constant 64 : index
        %parallel_loop3A_261 = tpu.vector_load %arg13[%parallel_loop3A_259, %parallel_loop3A_260] {strides = array<i32>} : memref<128x128xf32, #tpu.memory_space<vmem>>, vector<16xf32>,
        tpu.vector_store %arg13[%parallel_loop3A_259, %parallel_loop3A_260], %parallel_loop3A_258 {strides = array<i32>} : memref<128x128xf32, #tpu.memory_space<vmem>>, vector<16xf32>,
        %parallel_loop3A_262 = arith.index_cast %parallel_loop3A_224 : i32 to index
        %parallel_loop3A_263 = arith.constant 80 : index
        %parallel_loop3A_264 = tpu.vector_load %arg13[%parallel_loop3A_262, %parallel_loop3A_263] {strides = array<i32>} : memref<128x128xf32, #tpu.memory_space<vmem>>, vector<16xf32>,
        %parallel_loop3A_265 = arith.mulf %parallel_loop3A_264, %parallel_loop3A_226 : vector<16xf32>
        %parallel_loop3A_266 = arith.index_cast %parallel_loop3A_224 : i32 to index
        %parallel_loop3A_267 = arith.constant 80 : index
        %parallel_loop3A_268 = tpu.vector_load %arg13[%parallel_loop3A_266, %parallel_loop3A_267] {strides = array<i32>} : memref<128x128xf32, #tpu.memory_space<vmem>>, vector<16xf32>,
        tpu.vector_store %arg13[%parallel_loop3A_266, %parallel_loop3A_267], %parallel_loop3A_265 {strides = array<i32>} : memref<128x128xf32, #tpu.memory_space<vmem>>, vector<16xf32>,
        %parallel_loop3A_269 = arith.index_cast %parallel_loop3A_224 : i32 to index
        %parallel_loop3A_270 = arith.constant 96 : index
        %parallel_loop3A_271 = tpu.vector_load %arg13[%parallel_loop3A_269, %parallel_loop3A_270] {strides = array<i32>} : memref<128x128xf32, #tpu.memory_space<vmem>>, vector<16xf32>,
        %parallel_loop3A_272 = arith.mulf %parallel_loop3A_271, %parallel_loop3A_226 : vector<16xf32>
        %parallel_loop3A_273 = arith.index_cast %parallel_loop3A_224 : i32 to index
        %parallel_loop3A_274 = arith.constant 96 : index
        %parallel_loop3A_275 = tpu.vector_load %arg13[%parallel_loop3A_273, %parallel_loop3A_274] {strides = array<i32>} : memref<128x128xf32, #tpu.memory_space<vmem>>, vector<16xf32>,
        tpu.vector_store %arg13[%parallel_loop3A_273, %parallel_loop3A_274], %parallel_loop3A_272 {strides = array<i32>} : memref<128x128xf32, #tpu.memory_space<vmem>>, vector<16xf32>,
        %parallel_loop3A_276 = arith.index_cast %parallel_loop3A_224 : i32 to index
        %parallel_loop3A_277 = arith.constant 112 : index
        %parallel_loop3A_278 = tpu.vector_load %arg13[%parallel_loop3A_276, %parallel_loop3A_277] {strides = array<i32>} : memref<128x128xf32, #tpu.memory_space<vmem>>, vector<16xf32>,
        %parallel_loop3A_279 = arith.mulf %parallel_loop3A_278, %parallel_loop3A_226 : vector<16xf32>
        %parallel_loop3A_280 = arith.index_cast %parallel_loop3A_224 : i32 to index
        %parallel_loop3A_281 = arith.constant 112 : index
        %parallel_loop3A_282 = tpu.vector_load %arg13[%parallel_loop3A_280, %parallel_loop3A_281] {strides = array<i32>} : memref<128x128xf32, #tpu.memory_space<vmem>>, vector<16xf32>,
        tpu.vector_store %arg13[%parallel_loop3A_280, %parallel_loop3A_281], %parallel_loop3A_279 {strides = array<i32>} : memref<128x128xf32, #tpu.memory_space<vmem>>, vector<16xf32>,
      } {sc.loop_unroll_factor = 4 : i64, sc.parallel_access}
      %run_scoped3A_206 = arith.constant 0 : i32
      "tpu.region"() ({
        %run_scoped3A_224 = tpu.sem_alloc : memref<!tpu.dma_semaphore, #tpu.memory_space<semaphore_mem>>
        %dma_start3A_225 = arith.constant 0 : i32
        %dma_start3A_226 = tpu.memref_slice %arg7[%run_scoped3A_206, %dma_start3A_225] : memref<2x128xi32, #tpu.memory_space<vmem>> -> memref<1x128xi32, #tpu.memory_space<vmem>>
        %dma_start3A_227 = tpu.memref_squeeze %dma_start3A_226 : memref<1x128xi32, #tpu.memory_space<vmem>> -> memref<128xi32, #tpu.memory_space<vmem>>
        %dma_start3A_228 = arith.constant 0 : i32
        %dma_start3A_229 = arith.constant 0 : i32
        %dma_start3A_230 = tpu.memref_slice %arg14[%dma_start3A_228, %dma_start3A_229] : memref<10240x128xf32, #tpu.memory_space<vmem_shared>> -> memref<10240x128xf32, #tpu.memory_space<vmem_shared>>
        tpu.enqueue_indirect_dma source(%arg13 : memref<128x128xf32, #tpu.memory_space<vmem>>) target(%dma_start3A_230 : memref<10240x128xf32, #tpu.memory_space<vmem_shared>>) offsets(%dma_start3A_227 : memref<128xi32, #tpu.memory_space<vmem>>) semaphore(%run_scoped3A_224 : memref<!tpu.dma_semaphore, #tpu.memory_space<semaphore_mem>>) {add = true}
        %dma_wait3A_231 = arith.constant 0 : i32
        %dma_wait3A_232 = tpu.memref_slice %arg7[%run_scoped3A_206, %dma_wait3A_231] : memref<2x128xi32, #tpu.memory_space<vmem>> -> memref<1x128xi32, #tpu.memory_space<vmem>>
        %dma_wait3A_233 = tpu.memref_squeeze %dma_wait3A_232 : memref<1x128xi32, #tpu.memory_space<vmem>> -> memref<128xi32, #tpu.memory_space<vmem>>
        %dma_wait3A_234 = arith.constant 0 : i32
        %dma_wait3A_235 = arith.constant 0 : i32
        %dma_wait3A_236 = tpu.memref_slice %arg14[%dma_wait3A_234, %dma_wait3A_235] : memref<10240x128xf32, #tpu.memory_space<vmem_shared>> -> memref<10240x128xf32, #tpu.memory_space<vmem_shared>>
        tpu.wait_indirect_dma semaphore(%run_scoped3A_224 : memref<!tpu.dma_semaphore, #tpu.memory_space<semaphore_mem>>) src(%arg13 : memref<128x128xf32, #tpu.memory_space<vmem>>) dst(%dma_wait3A_236 : memref<10240x128xf32, #tpu.memory_space<vmem_shared>>)
        tpu.yield
      }) : () -> ()
      %add3A_207 = arith.addi %mul3A_12, %mul3A_111 : i32
      %add3A_208 = arith.constant 3 : i32
      %add3A_209 = arith.addi %add3A_207, %add3A_208 : i32
      %dma_start3A_210 = arith.constant 0 : i32
      %dma_start3A_211 = arith.constant 0 : i32
      %dma_start3A_212 = tpu.memref_slice %arg2[%add3A_209, %dma_start3A_210, %dma_start3A_211] : memref<2530x2x128xi32, #tpu.memory_space<hbm>> -> memref<1x2x128xi32, #tpu.memory_space<hbm>>
      %dma_start3A_213 = tpu.memref_squeeze %dma_start3A_212 : memref<1x2x128xi32, #tpu.memory_space<hbm>> -> memref<2x128xi32, #tpu.memory_space<hbm>>
      %dma_start3A_214 = arith.constant 0 : i32
      %dma_start3A_215 = arith.constant 0 : i32
      %dma_start3A_216 = tpu.memref_slice %arg2[%add3A_209, %dma_start3A_214, %dma_start3A_215] : memref<2530x2x128xi32, #tpu.memory_space<hbm>> -> memref<1x2x128xi32, #tpu.memory_space<hbm>>
      %dma_start3A_217 = tpu.memref_squeeze %dma_start3A_216 : memref<1x2x128xi32, #tpu.memory_space<hbm>> -> memref<2x128xi32, #tpu.memory_space<hbm>>
      tpu.enqueue_dma source(%dma_start3A_217 : memref<2x128xi32, #tpu.memory_space<hbm>>) target(%arg7 : memref<2x128xi32, #tpu.memory_space<vmem>>) target_semaphore(%arg16 : memref<!tpu.dma_semaphore, #tpu.memory_space<semaphore_mem>>)
      %dma_start3A_218 = arith.constant 0 : i32
      %dma_start3A_219 = tpu.memref_slice %arg3[%add3A_209, %dma_start3A_218] : memref<2530x128xf32, #tpu.memory_space<hbm>> -> memref<1x128xf32, #tpu.memory_space<hbm>>
      %dma_start3A_220 = tpu.memref_squeeze %dma_start3A_219 : memref<1x128xf32, #tpu.memory_space<hbm>> -> memref<128xf32, #tpu.memory_space<hbm>>
      %dma_start3A_221 = arith.constant 0 : i32
      %dma_start3A_222 = tpu.memref_slice %arg3[%add3A_209, %dma_start3A_221] : memref<2530x128xf32, #tpu.memory_space<hbm>> -> memref<1x128xf32, #tpu.memory_space<hbm>>
      %dma_start3A_223 = tpu.memref_squeeze %dma_start3A_222 : memref<1x128xf32, #tpu.memory_space<hbm>> -> memref<128xf32, #tpu.memory_space<hbm>>
      tpu.enqueue_dma source(%dma_start3A_223 : memref<128xf32, #tpu.memory_space<hbm>>) target(%arg9 : memref<128xf32, #tpu.memory_space<vmem>>) target_semaphore(%arg16 : memref<!tpu.dma_semaphore, #tpu.memory_space<semaphore_mem>>)
    }
    %scan3A_68 = arith.constant 39 : i32
    %dma_wait3A_69 = arith.constant 1 : i32
    %dma_wait3A_70 = arith.constant 0 : i32
    %dma_wait3A_71 = tpu.memref_slice %arg6[%dma_wait3A_69, %dma_wait3A_70] : memref<2x128xi32, #tpu.memory_space<vmem>> -> memref<1x128xi32, #tpu.memory_space<vmem>>
    %dma_wait3A_72 = tpu.memref_squeeze %dma_wait3A_71 : memref<1x128xi32, #tpu.memory_space<vmem>> -> memref<128xi32, #tpu.memory_space<vmem>>
    %dma_wait3A_73 = arith.constant 0 : i32
    %dma_wait3A_74 = arith.constant 0 : i32
    %dma_wait3A_75 = tpu.memref_slice %arg4[%dma_wait3A_73, %dma_wait3A_74] : memref<10000x128xf32, #tpu.memory_space<hbm>> -> memref<10000x128xf32, #tpu.memory_space<hbm>>
    tpu.wait_indirect_dma semaphore(%arg17 : memref<!tpu.dma_semaphore, #tpu.memory_space<semaphore_mem>>) src(%dma_wait3A_75 : memref<10000x128xf32, #tpu.memory_space<hbm>>) dst(%arg12 : memref<128x128xf32, #tpu.memory_space<vmem>>)
    %scan3A_76 = arith.constant 0 : i32
    %scan3A_77 = arith.constant 8 : i32
    %scan3A_78 = arith.addi %scan3A_76, %scan3A_77 : i32
    %scan3A_79 = arith.constant 1 : i32
    scf.for %scan3A_105 = %scan3A_76 to %scan3A_78 step %scan3A_79  : i32 {
      %mul3A_106 = arith.constant 1 : i32
      %mul3A_107 = arith.muli %scan3A_105, %mul3A_106 : i32
      %add3A_108 = arith.constant 0 : i32
      %add3A_109 = arith.addi %add3A_108, %mul3A_107 : i32
      %mul3A_110 = arith.constant 16 : i32
      %mul3A_111 = arith.muli %add3A_109, %mul3A_110 : i32
      %get3A = arith.index_cast %mul3A_111 : i32 to index
      %get3A_112 = tpu.vector_load %arg8[%get3A] {strides = array<i32>} : memref<128xf32, #tpu.memory_space<vmem>>, vector<16xf32>,
      %mul3A_113 = arith.mulf %get3A_112, %get3A_112 : vector<16xf32>
      %neg3A = arith.constant 0.000000e+00 : f32
      %neg3A_114 = vector.broadcast %neg3A : f32 to vector<16xf32>
      %neg3A_115 = arith.subf %neg3A_114, %mul3A_113 : vector<16xf32>
      %exp3A = math.exp %neg3A_115 : vector<16xf32>
      %mul3A_116 = arith.constant 16 : i32
      %mul3A_117 = arith.muli %add3A_109, %mul3A_116 : i32
      %swap3A = arith.index_cast %mul3A_117 : i32 to index
      %swap3A_118 = tpu.vector_load %arg11[%swap3A] {strides = array<i32>} : memref<128xf32, #tpu.memory_space<vmem>>, vector<16xf32>,
      tpu.vector_store %arg11[%swap3A], %exp3A {strides = array<i32>} : memref<128xf32, #tpu.memory_space<vmem>>, vector<16xf32>,
    }
    %scan3A_80 = arith.constant 8 : i32
    %parallel_loop3A = arith.constant 0 : i32
    %parallel_loop3A_81 = arith.constant 128 : i32
    %parallel_loop3A_82 = arith.constant 1 : i32
    scf.for %parallel_loop3A_105 = %parallel_loop3A to %parallel_loop3A_81 step %parallel_loop3A_82  : i32 {
      %parallel_loop3A_106 = vector.broadcast %parallel_loop3A_105 : i32 to vector<16xi32>
      %parallel_loop3A_107 = tpu.vector_load_idx %arg11[%parallel_loop3A_106] : memref<128xf32, #tpu.memory_space<vmem>>[vector<16xi32>], vector<16xf32>,
      %parallel_loop3A_108 = arith.index_cast %parallel_loop3A_105 : i32 to index
      %parallel_loop3A_109 = arith.constant 0 : index
      %parallel_loop3A_110 = tpu.vector_load %arg12[%parallel_loop3A_108, %parallel_loop3A_109] {strides = array<i32>} : memref<128x128xf32, #tpu.memory_space<vmem>>, vector<16xf32>,
      %parallel_loop3A_111 = arith.mulf %parallel_loop3A_110, %parallel_loop3A_107 : vector<16xf32>
      %parallel_loop3A_112 = arith.index_cast %parallel_loop3A_105 : i32 to index
      %parallel_loop3A_113 = arith.constant 0 : index
      %parallel_loop3A_114 = tpu.vector_load %arg12[%parallel_loop3A_112, %parallel_loop3A_113] {strides = array<i32>} : memref<128x128xf32, #tpu.memory_space<vmem>>, vector<16xf32>,
      tpu.vector_store %arg12[%parallel_loop3A_112, %parallel_loop3A_113], %parallel_loop3A_111 {strides = array<i32>} : memref<128x128xf32, #tpu.memory_space<vmem>>, vector<16xf32>,
      %parallel_loop3A_115 = arith.index_cast %parallel_loop3A_105 : i32 to index
      %parallel_loop3A_116 = arith.constant 16 : index
      %parallel_loop3A_117 = tpu.vector_load %arg12[%parallel_loop3A_115, %parallel_loop3A_116] {strides = array<i32>} : memref<128x128xf32, #tpu.memory_space<vmem>>, vector<16xf32>,
      %parallel_loop3A_118 = arith.mulf %parallel_loop3A_117, %parallel_loop3A_107 : vector<16xf32>
      %parallel_loop3A_119 = arith.index_cast %parallel_loop3A_105 : i32 to index
      %parallel_loop3A_120 = arith.constant 16 : index
      %parallel_loop3A_121 = tpu.vector_load %arg12[%parallel_loop3A_119, %parallel_loop3A_120] {strides = array<i32>} : memref<128x128xf32, #tpu.memory_space<vmem>>, vector<16xf32>,
      tpu.vector_store %arg12[%parallel_loop3A_119, %parallel_loop3A_120], %parallel_loop3A_118 {strides = array<i32>} : memref<128x128xf32, #tpu.memory_space<vmem>>, vector<16xf32>,
      %parallel_loop3A_122 = arith.index_cast %parallel_loop3A_105 : i32 to index
      %parallel_loop3A_123 = arith.constant 32 : index
      %parallel_loop3A_124 = tpu.vector_load %arg12[%parallel_loop3A_122, %parallel_loop3A_123] {strides = array<i32>} : memref<128x128xf32, #tpu.memory_space<vmem>>, vector<16xf32>,
      %parallel_loop3A_125 = arith.mulf %parallel_loop3A_124, %parallel_loop3A_107 : vector<16xf32>
      %parallel_loop3A_126 = arith.index_cast %parallel_loop3A_105 : i32 to index
      %parallel_loop3A_127 = arith.constant 32 : index
      %parallel_loop3A_128 = tpu.vector_load %arg12[%parallel_loop3A_126, %parallel_loop3A_127] {strides = array<i32>} : memref<128x128xf32, #tpu.memory_space<vmem>>, vector<16xf32>,
      tpu.vector_store %arg12[%parallel_loop3A_126, %parallel_loop3A_127], %parallel_loop3A_125 {strides = array<i32>} : memref<128x128xf32, #tpu.memory_space<vmem>>, vector<16xf32>,
      %parallel_loop3A_129 = arith.index_cast %parallel_loop3A_105 : i32 to index
      %parallel_loop3A_130 = arith.constant 48 : index
      %parallel_loop3A_131 = tpu.vector_load %arg12[%parallel_loop3A_129, %parallel_loop3A_130] {strides = array<i32>} : memref<128x128xf32, #tpu.memory_space<vmem>>, vector<16xf32>,
      %parallel_loop3A_132 = arith.mulf %parallel_loop3A_131, %parallel_loop3A_107 : vector<16xf32>
      %parallel_loop3A_133 = arith.index_cast %parallel_loop3A_105 : i32 to index
      %parallel_loop3A_134 = arith.constant 48 : index
      %parallel_loop3A_135 = tpu.vector_load %arg12[%parallel_loop3A_133, %parallel_loop3A_134] {strides = array<i32>} : memref<128x128xf32, #tpu.memory_space<vmem>>, vector<16xf32>,
      tpu.vector_store %arg12[%parallel_loop3A_133, %parallel_loop3A_134], %parallel_loop3A_132 {strides = array<i32>} : memref<128x128xf32, #tpu.memory_space<vmem>>, vector<16xf32>,
      %parallel_loop3A_136 = arith.index_cast %parallel_loop3A_105 : i32 to index
      %parallel_loop3A_137 = arith.constant 64 : index
      %parallel_loop3A_138 = tpu.vector_load %arg12[%parallel_loop3A_136, %parallel_loop3A_137] {strides = array<i32>} : memref<128x128xf32, #tpu.memory_space<vmem>>, vector<16xf32>,
      %parallel_loop3A_139 = arith.mulf %parallel_loop3A_138, %parallel_loop3A_107 : vector<16xf32>
      %parallel_loop3A_140 = arith.index_cast %parallel_loop3A_105 : i32 to index
      %parallel_loop3A_141 = arith.constant 64 : index
      %parallel_loop3A_142 = tpu.vector_load %arg12[%parallel_loop3A_140, %parallel_loop3A_141] {strides = array<i32>} : memref<128x128xf32, #tpu.memory_space<vmem>>, vector<16xf32>,
      tpu.vector_store %arg12[%parallel_loop3A_140, %parallel_loop3A_141], %parallel_loop3A_139 {strides = array<i32>} : memref<128x128xf32, #tpu.memory_space<vmem>>, vector<16xf32>,
      %parallel_loop3A_143 = arith.index_cast %parallel_loop3A_105 : i32 to index
      %parallel_loop3A_144 = arith.constant 80 : index
      %parallel_loop3A_145 = tpu.vector_load %arg12[%parallel_loop3A_143, %parallel_loop3A_144] {strides = array<i32>} : memref<128x128xf32, #tpu.memory_space<vmem>>, vector<16xf32>,
      %parallel_loop3A_146 = arith.mulf %parallel_loop3A_145, %parallel_loop3A_107 : vector<16xf32>
      %parallel_loop3A_147 = arith.index_cast %parallel_loop3A_105 : i32 to index
      %parallel_loop3A_148 = arith.constant 80 : index
      %parallel_loop3A_149 = tpu.vector_load %arg12[%parallel_loop3A_147, %parallel_loop3A_148] {strides = array<i32>} : memref<128x128xf32, #tpu.memory_space<vmem>>, vector<16xf32>,
      tpu.vector_store %arg12[%parallel_loop3A_147, %parallel_loop3A_148], %parallel_loop3A_146 {strides = array<i32>} : memref<128x128xf32, #tpu.memory_space<vmem>>, vector<16xf32>,
      %parallel_loop3A_150 = arith.index_cast %parallel_loop3A_105 : i32 to index
      %parallel_loop3A_151 = arith.constant 96 : index
      %parallel_loop3A_152 = tpu.vector_load %arg12[%parallel_loop3A_150, %parallel_loop3A_151] {strides = array<i32>} : memref<128x128xf32, #tpu.memory_space<vmem>>, vector<16xf32>,
      %parallel_loop3A_153 = arith.mulf %parallel_loop3A_152, %parallel_loop3A_107 : vector<16xf32>
      %parallel_loop3A_154 = arith.index_cast %parallel_loop3A_105 : i32 to index
      %parallel_loop3A_155 = arith.constant 96 : index
      %parallel_loop3A_156 = tpu.vector_load %arg12[%parallel_loop3A_154, %parallel_loop3A_155] {strides = array<i32>} : memref<128x128xf32, #tpu.memory_space<vmem>>, vector<16xf32>,
      tpu.vector_store %arg12[%parallel_loop3A_154, %parallel_loop3A_155], %parallel_loop3A_153 {strides = array<i32>} : memref<128x128xf32, #tpu.memory_space<vmem>>, vector<16xf32>,
      %parallel_loop3A_157 = arith.index_cast %parallel_loop3A_105 : i32 to index
      %parallel_loop3A_158 = arith.constant 112 : index
      %parallel_loop3A_159 = tpu.vector_load %arg12[%parallel_loop3A_157, %parallel_loop3A_158] {strides = array<i32>} : memref<128x128xf32, #tpu.memory_space<vmem>>, vector<16xf32>,
      %parallel_loop3A_160 = arith.mulf %parallel_loop3A_159, %parallel_loop3A_107 : vector<16xf32>
      %parallel_loop3A_161 = arith.index_cast %parallel_loop3A_105 : i32 to index
      %parallel_loop3A_162 = arith.constant 112 : index
      %parallel_loop3A_163 = tpu.vector_load %arg12[%parallel_loop3A_161, %parallel_loop3A_162] {strides = array<i32>} : memref<128x128xf32, #tpu.memory_space<vmem>>, vector<16xf32>,
      tpu.vector_store %arg12[%parallel_loop3A_161, %parallel_loop3A_162], %parallel_loop3A_160 {strides = array<i32>} : memref<128x128xf32, #tpu.memory_space<vmem>>, vector<16xf32>,
    } {sc.loop_unroll_factor = 4 : i64, sc.parallel_access}
    %run_scoped3A = arith.constant 0 : i32
    "tpu.region"() ({
      %run_scoped3A_105 = tpu.sem_alloc : memref<!tpu.dma_semaphore, #tpu.memory_space<semaphore_mem>>
      %dma_start3A_106 = arith.constant 0 : i32
      %dma_start3A_107 = tpu.memref_slice %arg6[%run_scoped3A, %dma_start3A_106] : memref<2x128xi32, #tpu.memory_space<vmem>> -> memref<1x128xi32, #tpu.memory_space<vmem>>
      %dma_start3A_108 = tpu.memref_squeeze %dma_start3A_107 : memref<1x128xi32, #tpu.memory_space<vmem>> -> memref<128xi32, #tpu.memory_space<vmem>>
      %dma_start3A_109 = arith.constant 0 : i32
      %dma_start3A_110 = arith.constant 0 : i32
      %dma_start3A_111 = tpu.memref_slice %arg14[%dma_start3A_109, %dma_start3A_110] : memref<10240x128xf32, #tpu.memory_space<vmem_shared>> -> memref<10240x128xf32, #tpu.memory_space<vmem_shared>>
      tpu.enqueue_indirect_dma source(%arg12 : memref<128x128xf32, #tpu.memory_space<vmem>>) target(%dma_start3A_111 : memref<10240x128xf32, #tpu.memory_space<vmem_shared>>) offsets(%dma_start3A_108 : memref<128xi32, #tpu.memory_space<vmem>>) semaphore(%run_scoped3A_105 : memref<!tpu.dma_semaphore, #tpu.memory_space<semaphore_mem>>) {add = true}
      %dma_wait3A_112 = arith.constant 0 : i32
      %dma_wait3A_113 = tpu.memref_slice %arg6[%run_scoped3A, %dma_wait3A_112] : memref<2x128xi32, #tpu.memory_space<vmem>> -> memref<1x128xi32, #tpu.memory_space<vmem>>
      %dma_wait3A_114 = tpu.memref_squeeze %dma_wait3A_113 : memref<1x128xi32, #tpu.memory_space<vmem>> -> memref<128xi32, #tpu.memory_space<vmem>>
      %dma_wait3A_115 = arith.constant 0 : i32
      %dma_wait3A_116 = arith.constant 0 : i32
      %dma_wait3A_117 = tpu.memref_slice %arg14[%dma_wait3A_115, %dma_wait3A_116] : memref<10240x128xf32, #tpu.memory_space<vmem_shared>> -> memref<10240x128xf32, #tpu.memory_space<vmem_shared>>
      tpu.wait_indirect_dma semaphore(%run_scoped3A_105 : memref<!tpu.dma_semaphore, #tpu.memory_space<semaphore_mem>>) src(%arg12 : memref<128x128xf32, #tpu.memory_space<vmem>>) dst(%dma_wait3A_117 : memref<10240x128xf32, #tpu.memory_space<vmem_shared>>)
      tpu.yield
    }) : () -> ()
    %dma_wait3A_83 = arith.constant 0 : i32
    %dma_wait3A_84 = arith.constant 0 : i32
    %dma_wait3A_85 = arith.constant 0 : i32
    %dma_wait3A_86 = tpu.memref_slice %arg2[%dma_wait3A_83, %dma_wait3A_84, %dma_wait3A_85] : memref<2530x2x128xi32, #tpu.memory_space<hbm>> -> memref<1x2x128xi32, #tpu.memory_space<hbm>>
    %dma_wait3A_87 = tpu.memref_squeeze %dma_wait3A_86 : memref<1x2x128xi32, #tpu.memory_space<hbm>> -> memref<2x128xi32, #tpu.memory_space<hbm>>
    %dma_wait3A_88 = arith.constant 0 : i32
    %dma_wait3A_89 = arith.constant 0 : i32
    %dma_wait3A_90 = tpu.memref_slice %arg2[%dma_wait3A_83, %dma_wait3A_88, %dma_wait3A_89] : memref<2530x2x128xi32, #tpu.memory_space<hbm>> -> memref<1x2x128xi32, #tpu.memory_space<hbm>>
    %dma_wait3A_91 = tpu.memref_squeeze %dma_wait3A_90 : memref<1x2x128xi32, #tpu.memory_space<hbm>> -> memref<2x128xi32, #tpu.memory_space<hbm>>
    tpu.wait_dma2 semaphore(%arg16 : memref<!tpu.dma_semaphore, #tpu.memory_space<semaphore_mem>>) src(%dma_wait3A_91 : memref<2x128xi32, #tpu.memory_space<hbm>>) dst(%arg7 : memref<2x128xi32, #tpu.memory_space<vmem>>)
    %dma_wait3A_92 = arith.constant 0 : i32
    %dma_wait3A_93 = arith.constant 0 : i32
    %dma_wait3A_94 = tpu.memref_slice %arg3[%dma_wait3A_92, %dma_wait3A_93] : memref<2530x128xf32, #tpu.memory_space<hbm>> -> memref<1x128xf32, #tpu.memory_space<hbm>>
    %dma_wait3A_95 = tpu.memref_squeeze %dma_wait3A_94 : memref<1x128xf32, #tpu.memory_space<hbm>> -> memref<128xf32, #tpu.memory_space<hbm>>
    %dma_wait3A_96 = arith.constant 0 : i32
    %dma_wait3A_97 = tpu.memref_slice %arg3[%dma_wait3A_92, %dma_wait3A_96] : memref<2530x128xf32, #tpu.memory_space<hbm>> -> memref<1x128xf32, #tpu.memory_space<hbm>>
    %dma_wait3A_98 = tpu.memref_squeeze %dma_wait3A_97 : memref<1x128xf32, #tpu.memory_space<hbm>> -> memref<128xf32, #tpu.memory_space<hbm>>
    tpu.wait_dma2 semaphore(%arg16 : memref<!tpu.dma_semaphore, #tpu.memory_space<semaphore_mem>>) src(%dma_wait3A_98 : memref<128xf32, #tpu.memory_space<hbm>>) dst(%arg9 : memref<128xf32, #tpu.memory_space<vmem>>)
    %barrier3A_99 = arith.constant 0 : index
    tpu.barrier barrier_id(%barrier3A_99)
    %scan3A_100 = arith.constant 0 : i32
    %scan3A_101 = arith.constant 5 : i32
    %scan3A_102 = arith.addi %scan3A_100, %scan3A_101 : i32
    %scan3A_103 = arith.constant 1 : i32
    scf.for %scan3A_105 = %scan3A_100 to %scan3A_102 step %scan3A_103  : i32 {
      %mul3A_106 = arith.constant 1 : i32
      %mul3A_107 = arith.muli %scan3A_105, %mul3A_106 : i32
      %add3A_108 = arith.constant 0 : i32
      %add3A_109 = arith.addi %add3A_108, %mul3A_107 : i32
      %mul3A_110 = arith.constant 640 : i32
      %mul3A_111 = arith.muli %arg1, %mul3A_110 : i32
      %mul3A_112 = arith.constant 128 : i32
      %mul3A_113 = arith.muli %add3A_109, %mul3A_112 : i32
      %add3A_114 = arith.addi %mul3A_111, %mul3A_113 : i32
      %scan3A_115 = arith.constant 0 : i32
      %scan3A_116 = arith.constant 8 : i32
      %scan3A_117 = arith.addi %scan3A_115, %scan3A_116 : i32
      %scan3A_118 = arith.constant 1 : i32
      scf.for %scan3A_125 = %scan3A_115 to %scan3A_117 step %scan3A_118  : i32 {
        %mul3A_126 = arith.constant 1 : i32
        %mul3A_127 = arith.muli %scan3A_125, %mul3A_126 : i32
        %add3A_128 = arith.constant 0 : i32
        %add3A_129 = arith.addi %add3A_128, %mul3A_127 : i32
        %mul3A_130 = arith.constant 16 : i32
        %mul3A_131 = arith.muli %add3A_129, %mul3A_130 : i32
        %add3A_132 = arith.addi %add3A_114, %mul3A_131 : i32
        %add3A_133 = vector.broadcast %add3A_132 : i32 to vector<16xi32>
        %add3A_134 = arith.addi %iota3A, %add3A_133 : vector<16xi32>
        %mul3A_135 = arith.constant 16 : i32
        %mul3A_136 = arith.muli %add3A_129, %mul3A_135 : i32
        %swap3A = arith.index_cast %mul3A_136 : i32 to index
        %swap3A_137 = tpu.vector_load %arg10[%swap3A] {strides = array<i32>} : memref<128xi32, #tpu.memory_space<vmem>>, vector<16xi32>,
        tpu.vector_store %arg10[%swap3A], %add3A_134 {strides = array<i32>} : memref<128xi32, #tpu.memory_space<vmem>>, vector<16xi32>,
      }
      %scan3A_119 = arith.constant 8 : i32
      "tpu.region"() ({
        %run_scoped3A_125 = tpu.sem_alloc : memref<!tpu.dma_semaphore, #tpu.memory_space<semaphore_mem>>
        %dma_start3A_126 = arith.constant 0 : i32
        %dma_start3A_127 = arith.constant 0 : i32
        %dma_start3A_128 = tpu.memref_slice %arg14[%dma_start3A_126, %dma_start3A_127] : memref<10240x128xf32, #tpu.memory_space<vmem_shared>> -> memref<10240x128xf32, #tpu.memory_space<vmem_shared>>
        tpu.enqueue_indirect_dma source(%dma_start3A_128 : memref<10240x128xf32, #tpu.memory_space<vmem_shared>>) target(%arg12 : memref<128x128xf32, #tpu.memory_space<vmem>>) offsets(%arg10 : memref<128xi32, #tpu.memory_space<vmem>>) semaphore(%run_scoped3A_125 : memref<!tpu.dma_semaphore, #tpu.memory_space<semaphore_mem>>)
        %dma_wait3A_129 = arith.constant 0 : i32
        %dma_wait3A_130 = arith.constant 0 : i32
        %dma_wait3A_131 = tpu.memref_slice %arg14[%dma_wait3A_129, %dma_wait3A_130] : memref<10240x128xf32, #tpu.memory_space<vmem_shared>> -> memref<10240x128xf32, #tpu.memory_space<vmem_shared>>
        tpu.wait_indirect_dma semaphore(%run_scoped3A_125 : memref<!tpu.dma_semaphore, #tpu.memory_space<semaphore_mem>>) src(%dma_wait3A_131 : memref<10240x128xf32, #tpu.memory_space<vmem_shared>>) dst(%arg12 : memref<128x128xf32, #tpu.memory_space<vmem>>)
        tpu.yield
      }) : () -> ()
      %mul3A_120 = arith.constant 640 : i32
      %mul3A_121 = arith.muli %arg1, %mul3A_120 : i32
      %mul3A_122 = arith.constant 128 : i32
      %mul3A_123 = arith.muli %add3A_109, %mul3A_122 : i32
      %add3A_124 = arith.addi %mul3A_121, %mul3A_123 : i32
      "tpu.region"() ({
        %run_scoped3A_125 = tpu.sem_alloc : memref<!tpu.dma_semaphore, #tpu.memory_space<semaphore_mem>>
        %dma_start3A_126 = arith.constant 0 : i32
        %dma_start3A_127 = tpu.memref_slice %arg5[%arg0, %add3A_124, %dma_start3A_126] : memref<2x10240x128xf32, #tpu.memory_space<hbm>> -> memref<1x128x128xf32, #tpu.memory_space<hbm>>
        %dma_start3A_128 = tpu.memref_squeeze %dma_start3A_127 : memref<1x128x128xf32, #tpu.memory_space<hbm>> -> memref<128x128xf32, #tpu.memory_space<hbm>>
        %dma_start3A_129 = arith.constant 0 : i32
        %dma_start3A_130 = tpu.memref_slice %arg5[%arg0, %add3A_124, %dma_start3A_129] : memref<2x10240x128xf32, #tpu.memory_space<hbm>> -> memref<1x128x128xf32, #tpu.memory_space<hbm>>
        %dma_start3A_131 = tpu.memref_squeeze %dma_start3A_130 : memref<1x128x128xf32, #tpu.memory_space<hbm>> -> memref<128x128xf32, #tpu.memory_space<hbm>>
        tpu.enqueue_dma source(%arg12 : memref<128x128xf32, #tpu.memory_space<vmem>>) target(%dma_start3A_131 : memref<128x128xf32, #tpu.memory_space<hbm>>) target_semaphore(%run_scoped3A_125 : memref<!tpu.dma_semaphore, #tpu.memory_space<semaphore_mem>>)
        %dma_wait3A_132 = arith.constant 0 : i32
        %dma_wait3A_133 = tpu.memref_slice %arg5[%arg0, %add3A_124, %dma_wait3A_132] : memref<2x10240x128xf32, #tpu.memory_space<hbm>> -> memref<1x128x128xf32, #tpu.memory_space<hbm>>
        %dma_wait3A_134 = tpu.memref_squeeze %dma_wait3A_133 : memref<1x128x128xf32, #tpu.memory_space<hbm>> -> memref<128x128xf32, #tpu.memory_space<hbm>>
        %dma_wait3A_135 = arith.constant 0 : i32
        %dma_wait3A_136 = tpu.memref_slice %arg5[%arg0, %add3A_124, %dma_wait3A_135] : memref<2x10240x128xf32, #tpu.memory_space<hbm>> -> memref<1x128x128xf32, #tpu.memory_space<hbm>>
        %dma_wait3A_137 = tpu.memref_squeeze %dma_wait3A_136 : memref<1x128x128xf32, #tpu.memory_space<hbm>> -> memref<128x128xf32, #tpu.memory_space<hbm>>
        tpu.wait_dma2 semaphore(%run_scoped3A_125 : memref<!tpu.dma_semaphore, #tpu.memory_space<semaphore_mem>>) src(%arg12 : memref<128x128xf32, #tpu.memory_space<vmem>>) dst(%dma_wait3A_137 : memref<128x128xf32, #tpu.memory_space<hbm>>)
        tpu.yield
      }) : () -> ()
    }
    %scan3A_104 = arith.constant 5 : i32
    return
  }
}

module attributes {stable_mosaic.version = 14 : i64} {
  func.func @_mm_body(%arg0: i32, %arg1: memref<400x128xf32, #tpu.memory_space<vmem>>, %arg2: memref<128x128xf32, #tpu.memory_space<vmem>>, %arg3: memref<1x128xf32, #tpu.memory_space<vmem>>, %arg4: memref<400x128xf32, #tpu.memory_space<vmem>>) attributes {dimension_semantics = [#tpu.dimension_semantics<arbitrary>], iteration_bounds = array<i64: 25>, scalar_prefetch = 0 : i64, scratch_operands = 0 : i64, tpu.core_type = #tpu.core_type<tc>, window_params = [{transform_indices = @transform_0, window_bounds = array<i64: 400, 128>}, {pipeline_mode = #tpu.pipeline_mode<synchronous>, transform_indices = @transform_1, window_bounds = array<i64: 128, 128>}, {pipeline_mode = #tpu.pipeline_mode<synchronous>, transform_indices = @transform_2, window_bounds = array<i64: 1, 128>}, {transform_indices = @transform_3, window_bounds = array<i64: 400, 128>}]} {
    %get3A = arith.constant 0 : index
    %get3A_0 = arith.constant 0 : index
    %get3A_1 = vector.load %arg1[%get3A, %get3A_0] : memref<400x128xf32, #tpu.memory_space<vmem>>, vector<400x128xf32>
    %get3A_2 = arith.constant 0 : index
    %get3A_3 = arith.constant 0 : index
    %get3A_4 = vector.load %arg2[%get3A_2, %get3A_3] : memref<128x128xf32, #tpu.memory_space<vmem>>, vector<128x128xf32>
    %dot_general3A = arith.constant dense<0.000000e+00> : vector<400x128xf32>
    %dot_general3A_5 = tpu.matmul %get3A_1, %get3A_4, %dot_general3A {dimension_numbers = #tpu.dot_dimension_numbers<[1], [0], [0], [1], [0, 0, 1, 1], [], []>, precision = #tpu.contract_precision<fp32>, transpose_lhs_hint = false} : vector<400x128xf32>, vector<128x128xf32>, vector<400x128xf32> -> vector<400x128xf32>
    %get3A_6 = arith.constant 0 : index
    %get3A_7 = arith.constant 0 : index
    %get3A_8 = vector.load %arg3[%get3A_6, %get3A_7] : memref<1x128xf32, #tpu.memory_space<vmem>>, vector<1x128xf32>
    %add3A = vector.broadcast %get3A_8 : vector<1x128xf32> to vector<400x128xf32>
    %add3A_9 = arith.addf %dot_general3A_5, %add3A : vector<400x128xf32>
    %swap3A = arith.constant 0 : index
    %swap3A_10 = arith.constant 0 : index
    %swap3A_11 = vector.load %arg4[%swap3A, %swap3A_10] : memref<400x128xf32, #tpu.memory_space<vmem>>, vector<400x128xf32>
    tpu.vector_store %arg4[%swap3A, %swap3A_10], %add3A_9 {strides = array<i32>} : memref<400x128xf32, #tpu.memory_space<vmem>>, vector<400x128xf32>,
    return
  }
  func.func @transform_0(%arg0: i32) -> (i32, i32) {
    %c0_i32 = arith.constant 0 : i32
    %c0_i32_0 = arith.constant 0 : i32
    return %arg0, %c0_i32 : i32, i32
  }
  func.func @transform_1(%arg0: i32) -> (i32, i32) {
    %c0_i32 = arith.constant 0 : i32
    %c0_i32_0 = arith.constant 0 : i32
    %c0_i32_1 = arith.constant 0 : i32
    return %c0_i32, %c0_i32_0 : i32, i32
  }
  func.func @transform_2(%arg0: i32) -> (i32, i32) {
    %c0_i32 = arith.constant 0 : i32
    %c0_i32_0 = arith.constant 0 : i32
    %c0_i32_1 = arith.constant 0 : i32
    return %c0_i32, %c0_i32_0 : i32, i32
  }
  func.func @transform_3(%arg0: i32) -> (i32, i32) {
    %c0_i32 = arith.constant 0 : i32
    %c0_i32_0 = arith.constant 0 : i32
    return %arg0, %c0_i32 : i32, i32
  }
}

module attributes {stable_mosaic.version = 14 : i64} {
  func.func @_scale_body(%arg0: i32, %arg1: memref<400x128xf32, #tpu.memory_space<vmem>>, %arg2: memref<2x400x16xf32, #tpu.memory_space<vmem>>, %arg3: memref<400x128xf32, #tpu.memory_space<vmem>>) attributes {dimension_semantics = [#tpu.dimension_semantics<arbitrary>], iteration_bounds = array<i64: 25>, scalar_prefetch = 0 : i64, scratch_operands = 0 : i64, tpu.core_type = #tpu.core_type<tc>, window_params = [{transform_indices = @transform_0, window_bounds = array<i64: 400, 128>}, {transform_indices = @transform_1, window_bounds = array<i64: 2, 400, 16>}, {transform_indices = @transform_2, window_bounds = array<i64: 400, 128>}]} {
    %get3A = arith.constant 0 : index
    %get3A_0 = arith.constant 0 : index
    %get3A_1 = arith.constant 0 : index
    %get3A_2 = vector.load %arg2[%get3A, %get3A_0, %get3A_1] : memref<2x400x16xf32, #tpu.memory_space<vmem>>, vector<1x400x16xf32>
    %get3A_3 = vector.shape_cast %get3A_2 : vector<1x400x16xf32> to vector<400x16xf32>
    %get3A_4 = arith.constant 1 : index
    %get3A_5 = arith.constant 0 : index
    %get3A_6 = arith.constant 0 : index
    %get3A_7 = vector.load %arg2[%get3A_4, %get3A_5, %get3A_6] : memref<2x400x16xf32, #tpu.memory_space<vmem>>, vector<1x400x16xf32>
    %get3A_8 = vector.shape_cast %get3A_7 : vector<1x400x16xf32> to vector<400x16xf32>
    %add3A = arith.addf %get3A_3, %get3A_8 : vector<400x16xf32>
    %slice3A = vector.extract_strided_slice %add3A {offsets = [0, 0], sizes = [400, 1], strides = [1, 1]} : vector<400x16xf32> to vector<400x1xf32>
    %rsqrt3A = math.rsqrt %slice3A : vector<400x1xf32>
    %get3A_9 = arith.constant 0 : index
    %get3A_10 = arith.constant 0 : index
    %get3A_11 = vector.load %arg1[%get3A_9, %get3A_10] : memref<400x128xf32, #tpu.memory_space<vmem>>, vector<400x128xf32>
    %mul3A = vector.broadcast %rsqrt3A : vector<400x1xf32> to vector<400x128xf32>
    %mul3A_12 = arith.mulf %get3A_11, %mul3A : vector<400x128xf32>
    %swap3A = arith.constant 0 : index
    %swap3A_13 = arith.constant 0 : index
    %swap3A_14 = vector.load %arg3[%swap3A, %swap3A_13] : memref<400x128xf32, #tpu.memory_space<vmem>>, vector<400x128xf32>
    tpu.vector_store %arg3[%swap3A, %swap3A_13], %mul3A_12 {strides = array<i32>} : memref<400x128xf32, #tpu.memory_space<vmem>>, vector<400x128xf32>,
    return
  }
  func.func @transform_0(%arg0: i32) -> (i32, i32) {
    %c0_i32 = arith.constant 0 : i32
    %c0_i32_0 = arith.constant 0 : i32
    return %arg0, %c0_i32 : i32, i32
  }
  func.func @transform_1(%arg0: i32) -> (i32, i32, i32) {
    %c0_i32 = arith.constant 0 : i32
    %c0_i32_0 = arith.constant 0 : i32
    %c0_i32_1 = arith.constant 0 : i32
    return %c0_i32, %arg0, %c0_i32_0 : i32, i32, i32
  }
  func.func @transform_2(%arg0: i32) -> (i32, i32) {
    %c0_i32 = arith.constant 0 : i32
    %c0_i32_0 = arith.constant 0 : i32
    return %arg0, %c0_i32 : i32, i32
  }
}

module attributes {stable_mosaic.version = 14 : i64} {
  func.func @_fin_body(%arg0: i32, %arg1: memref<2x400x128xf32, #tpu.memory_space<vmem>>, %arg2: memref<400x128xf32, #tpu.memory_space<vmem>>) attributes {dimension_semantics = [#tpu.dimension_semantics<arbitrary>], iteration_bounds = array<i64: 25>, scalar_prefetch = 0 : i64, scratch_operands = 0 : i64, tpu.core_type = #tpu.core_type<tc>, window_params = [{transform_indices = @transform_0, window_bounds = array<i64: 2, 400, 128>}, {transform_indices = @transform_1, window_bounds = array<i64: 400, 128>}]} {
    %get3A = arith.constant 0 : index
    %get3A_0 = arith.constant 0 : index
    %get3A_1 = arith.constant 0 : index
    %get3A_2 = vector.load %arg1[%get3A, %get3A_0, %get3A_1] : memref<2x400x128xf32, #tpu.memory_space<vmem>>, vector<1x400x128xf32>
    %get3A_3 = vector.shape_cast %get3A_2 : vector<1x400x128xf32> to vector<400x128xf32>
    %get3A_4 = arith.constant 1 : index
    %get3A_5 = arith.constant 0 : index
    %get3A_6 = arith.constant 0 : index
    %get3A_7 = vector.load %arg1[%get3A_4, %get3A_5, %get3A_6] : memref<2x400x128xf32, #tpu.memory_space<vmem>>, vector<1x400x128xf32>
    %get3A_8 = vector.shape_cast %get3A_7 : vector<1x400x128xf32> to vector<400x128xf32>
    %add3A = arith.addf %get3A_3, %get3A_8 : vector<400x128xf32>
    %ge3A = arith.constant 0.000000e+00 : f32
    %ge3A_9 = vector.broadcast %ge3A : f32 to vector<400x128xf32>
    %ge3A_10 = arith.cmpf oge, %add3A, %ge3A_9 : vector<400x128xf32>
    %mul3A = arith.constant 0.00999999977 : f32
    %mul3A_11 = vector.broadcast %mul3A : f32 to vector<400x128xf32>
    %mul3A_12 = arith.mulf %mul3A_11, %add3A : vector<400x128xf32>
    %select_n3A = arith.select %ge3A_10, %add3A, %mul3A_12 : vector<400x128xi1>, vector<400x128xf32>
    %mul3A_13 = arith.mulf %select_n3A, %select_n3A : vector<400x128xf32>
    %reduce_sum3A = arith.constant dense<0.000000e+00> : vector<400xf32>
    %reduce_sum3A_14 = vector.multi_reduction <add>, %mul3A_13, %reduce_sum3A [1] : vector<400x128xf32> to vector<400xf32>
    %broadcast_in_dim3A = vector.shape_cast %reduce_sum3A_14 : vector<400xf32> to vector<400x1xf32>
    %sqrt3A = math.sqrt %broadcast_in_dim3A : vector<400x1xf32>
    %max3A = arith.constant 9.99999996E-13 : f32
    %max3A_15 = vector.broadcast %max3A : f32 to vector<400x1xf32>
    %max3A_16 = arith.maximumf %sqrt3A, %max3A_15 : vector<400x1xf32>
    %div3A = vector.broadcast %max3A_16 : vector<400x1xf32> to vector<400x128xf32>
    %div3A_17 = arith.divf %select_n3A, %div3A : vector<400x128xf32>
    %swap3A = arith.constant 0 : index
    %swap3A_18 = arith.constant 0 : index
    %swap3A_19 = vector.load %arg2[%swap3A, %swap3A_18] : memref<400x128xf32, #tpu.memory_space<vmem>>, vector<400x128xf32>
    tpu.vector_store %arg2[%swap3A, %swap3A_18], %div3A_17 {strides = array<i32>} : memref<400x128xf32, #tpu.memory_space<vmem>>, vector<400x128xf32>,
    return
  }
  func.func @transform_0(%arg0: i32) -> (i32, i32, i32) {
    %c0_i32 = arith.constant 0 : i32
    %c0_i32_0 = arith.constant 0 : i32
    %c0_i32_1 = arith.constant 0 : i32
    return %c0_i32, %arg0, %c0_i32_0 : i32, i32, i32
  }
  func.func @transform_1(%arg0: i32) -> (i32, i32) {
    %c0_i32 = arith.constant 0 : i32
    %c0_i32_0 = arith.constant 0 : i32
    return %arg0, %c0_i32 : i32, i32
  }
}

</mosaic_0001>

<sc_bundles>
// kernel: kernel.10.cloned.1.call-start
scs
__scs_entry_jumppad:
0x0: {  	(pc) =	sbr.rel $0x88, $3  }
0x1: {  	(tag) =	ssettag $0x0;
	lr =	simm.s32 $0x1  }
0x2: {  	[smem:$0x3F9C] =	sst lr;
	_ =	strace $0xD0000000  }
0x3: {  	_ = 	snop  }
0x4: {  	_ = 	snop  }
0x5: {  	_ = 	snop  }
0x6: {  	_ = 	snop  }
0x7: {  	_ = 	snop  }
__scs_overlays_trampoline_lowered:
0x8: {  	[smem:$0x3FAB] =	sst s0  }
0x9: {  	[smem:$0x3FAC] =	sst s1  }
0xa: {  	[smem:$0x3FAD] =	sst s2  }
0xb: {  	[smem:$0x3FAE] =	sst s3  }
0xc: {  	[smem:$0x3FAF] =	sst s4  }
0xd: {  	[smem:$0x3FB0] =	sst s5  }
0xe: {  	[smem:$0x3FB1] =	sst s6  }
0xf: {  	[smem:$0x3FB2] =	sst s7  }
0x10: {  	[smem:$0x3FB3] =	sst s8  }
0x11: {  	[smem:$0x3FB4] =	sst s9;
	s0 =	simm.s32 @!p0 $0x0  }
0x12: {  	s1 =	sld [smem:$0x3F9A];
	s0 =	simm.s32 @p0 $0x1  }
0x13: {  	[smem:$0x3FB5] =	sst s0;
	s0 =	simm.s32 @!p1 $0x0  }
0x14: {  	s2 =	sld [smem:$0x3F99];
	s0 =	simm.s32 @p1 $0x1  }
0x15: {  	[smem:$0x3FB6] =	sst s0;
	s0 =	simm.s32 @!p2 $0x0  }
0x16: {  	s3 =	sld [smem:$0x3FDB];
	s0 =	simm.s32 @p2 $0x1  }
0x17: {  	s4 =	simm.s32 $0x1BF5;
	[smem:$0x3FB8] =	sst s0  }
0x18: {  	s0 =	sld [smem:$0x3F9B];
	_ =	swait.ge [sflag:s4], $0x0  }
0x19: {  	s7 =	sld [smem:$0x3F9C]  }
0x1a: {  	s8 =	sadd.s32 $0xFFFFE003, lr  }
0x1b: {  	s9 =	sadd.s32 $0xFFFFFEF7, lr;
	s5 =	simm.s32 $0xFFFFFFFF;
	p2 =	slt.u32 s8, $0xFFFFF086  }
0x1c: {  	p1 =	slt.u32 s9, $0xF7A;
	s5 =	simm.s32 @!p2 $0x0  }
0x1d: {  	s5 =	simm.s32 @p1 $0x1;
	p0 =	seq.s32 s7, s2  }
0x1e: {  	s7 =	smul.u32 @!p0 $0xF7A, s2;
	p2 =	seq.s32 @!p0 s5, $0x0  }
0x1f: {  	s9 =	smul.u32 $0xF7A, s1;
	s8 =	simm.s32 @!p0 $0x1BF5;
	p2 =	por !p2, p0  }
0x20: {  	[sflag:s8] =	ssyncset.s32 @!p0 $0xFFFFF086;
	s6 =	sadd.s32 @!p0 s3, s7;
	s7 =	simm.s32 @!p0 $0x108  }
0x21: {  	s3 =	sadd.s32 s3, s9;
	s6 =	sadd.s32 @!p0 $0x88, s6;
	s7 =	simm.s32 @p2 $0x1082  }
0x22: {  	[simem:s7], [sflag:s8] =	dma.local @!p0 [hbm:s6], $0xF7A  }
0x23: {  	s9 =	sor.u32 $0xD0000000, s2;
	s6 =	simm.s32 $0x108;
	_ =	swait.ge @!p0 [sflag:s8], $0x0  }
0x24: {  	s3 =	sadd.s32 $0x88, s3;
	s6 =	simm.s32 @!p1 $0x1082;
	[sflag:s4] =	ssyncset.s32 $0xFFFFF086  }
0x25: {  	[simem:s6], [sflag:s4] =	dma.local [hbm:s3], $0xF7A  }
0x26: {  	[smem:$0x3F9C] =	sst s1;
	(tag) =	ssettag s2;
	_ =	strace s9  }
0x27: {  	s1 =	sld [smem:$0x3FAC]  }
0x28: {  	s2 =	sld [smem:$0x3FAD]  }
0x29: {  	s4 =	sld [smem:$0x3FAF]  }
0x2a: {  	p0 =	seq.s32 s5, $0x0;
	s5 =	sld [smem:$0x3FB0]  }
0x2b: {  	s6 =	sld [smem:$0x3FB1]  }
0x2c: {  	s7 =	sld [smem:$0x3FB2]  }
0x2d: {  	s3 =	simm.s32 $0x108;
	s8 =	sld [smem:$0x3FB3]  }
0x2e: {  	s3 =	simm.s32 @!p0 $0x1082;
	s9 =	sld [smem:$0x3FB4]  }
0x2f: {  	lr =	sadd.s32 s0, s3;
	s0 =	sld [smem:$0x3FAB]  }
0x30: {  	s3 =	sld [smem:$0x3FAE]  }
0x31: {  	[smem:$0x3FB7] =	sst s10  }
0x32: {  	s10 =	sld [smem:$0x3FB5];
	_ =	sdelay $0x3  }
0x33: {  	p0 =	seq.s32 s10, $0x1;
	s10 =	sld [smem:$0x3FB7];
	_ =	sdelay $0x3  }
0x34: {  	[smem:$0x3FB7] =	sst s10  }
0x35: {  	s10 =	sld [smem:$0x3FB6];
	_ =	sdelay $0x3  }
0x36: {  	p1 =	seq.s32 s10, $0x1;
	s10 =	sld [smem:$0x3FB7];
	_ =	sdelay $0x3  }
0x37: {  	[smem:$0x3FB7] =	sst s10  }
0x38: {  	s10 =	sld [smem:$0x3FB8]  }
0x39: {  	_ = 	snop;
	(pc) =	sbr.ind lr, $3  }
0x3a: {  	_ = 	snop  }
0x3b: {  	_ = 	snop  }
0x3c: {  	p2 =	seq.s32 s10, $0x1;
	s10 =	sld [smem:$0x3FB7]  }
0x3d: {  	_ =	shalt  }
0x3e: {  	_ =	shalt  }
0x3f: {  	_ =	shalt  }
0x40: {  	_ =	shalt  }
0x41: {  	_ =	shalt  }
0x42: {  	_ =	shalt  }
0x43: {  	_ =	shalt  }
0x44: {  	_ =	shalt  }
0x45: {  	_ =	shalt  }
0x46: {  	_ =	shalt  }
0x47: {  	_ =	shalt  }
0x48: {  	_ =	shalt  }
0x49: {  	_ =	shalt  }
0x4a: {  	_ =	shalt  }
0x4b: {  	_ =	shalt  }
0x4c: {  	_ =	shalt  }
0x4d: {  	_ =	shalt  }
0x4e: {  	_ =	shalt  }
0x4f: {  	_ =	shalt  }
0x50: {  	_ =	shalt  }
0x51: {  	_ =	shalt  }
0x52: {  	_ =	shalt  }
0x53: {  	_ =	shalt  }
0x54: {  	_ =	shalt  }
0x55: {  	_ =	shalt  }
0x56: {  	_ =	shalt  }
0x57: {  	_ =	shalt  }
0x58: {  	_ =	shalt  }
0x59: {  	_ =	shalt  }
0x5a: {  	_ =	shalt  }
0x5b: {  	_ =	shalt  }
0x5c: {  	_ =	shalt  }
0x5d: {  	_ =	shalt  }
0x5e: {  	_ =	shalt  }
0x5f: {  	_ =	shalt  }
0x60: {  	_ =	shalt  }
0x61: {  	_ =	shalt  }
0x62: {  	_ =	shalt  }
0x63: {  	_ =	shalt  }
0x64: {  	_ =	shalt  }
0x65: {  	_ =	shalt  }
0x66: {  	_ =	shalt  }
0x67: {  	_ =	shalt  }
0x68: {  	_ =	shalt  }
0x69: {  	_ =	shalt  }
0x6a: {  	_ =	shalt  }
0x6b: {  	_ =	shalt  }
0x6c: {  	_ =	shalt  }
0x6d: {  	_ =	shalt  }
0x6e: {  	_ =	shalt  }
0x6f: {  	_ =	shalt  }
0x70: {  	_ =	shalt  }
0x71: {  	_ =	shalt  }
0x72: {  	_ =	shalt  }
0x73: {  	_ =	shalt  }
0x74: {  	_ =	shalt  }
0x75: {  	_ =	shalt  }
0x76: {  	_ =	shalt  }
0x77: {  	_ =	shalt  }
0x78: {  	_ =	shalt  }
0x79: {  	_ =	shalt  }
0x7a: {  	_ =	shalt  }
0x7b: {  	_ =	shalt  }
0x7c: {  	_ =	shalt  }
0x7d: {  	_ =	shalt  }
0x7e: {  	_ =	shalt  }
0x7f: {  	_ =	shalt  }
0x80: {  	_ =	shalt  }
0x81: {  	_ =	shalt  }
0x82: {  	_ =	shalt  }
0x83: {  	_ =	shalt  }
0x84: {  	_ =	shalt  }
0x85: {  	_ =	shalt  }
0x86: {  	_ =	shalt  }
0x87: {  	_ =	shalt  }
.Lfunc_end0:
.L_simem_size_0:
called_computation.1_lowered:
.L_overlay_start_0:
0x88: {  	s2 =	sld [smem:$0x3FD9]  }
0x89: {  	s3 =	sld [smem:$0x3FFE];
	_ =	sdelay $0x1  }
0x8a: {  	s1 =	srdreg.scid  }
0x8b: {  	s0 =	sand.u32 $0x1, s1  }
0x8c: {  	s17 =	sshll.u32 s0, $0xA;
	s2 =	sadd.s32 s3, s2  }
0x8d: {  	s2 =	sadd.s32 s2, s17  }
0x8e: {  	[smem:$0x3FC3] =	sst s2  }
0x8f: {  	_ = 	snop  }
0x90: {  	s2 =	sld [smem:$0x3FD0];
	(tm) =	ssettm $0x1  }
0x91: {  	s18 =	sld [smem:$0x3FFB];
	_ =	sdelay $0x3  }
0x92: {  	_ =	strace s18  }
0x93: {  	s3 =	sld [smem:$0x3FFC];
	_ =	sdelay $0x3  }
0x94: {  	_ =	strace s3  }
0x95: {  	s3 =	sld [smem:$0x3FFD];
	_ =	sdelay $0x3  }
0x96: {  	_ =	strace s3  }
0x97: {  	_ =	strace $0x8FFFFFFF  }
0x98: {  	s19 =	sld [smem:$0x3FDB];
	_ =	sdelay $0x1  }
0x99: {  	s4 =	simm.s32 $_scs_section_size  }
0x9a: {  	s5 =	simm.s32 $_size__tile_overlayer_lowered;
	s6 =	simm.s32 $_tile_overlayer_lowered  }
0x9b: {  	s22 =	simm.s32 $0x1BFF;
	s21 =	sshll.u32 s6, $0x1;
	s3 =	sadd.s32 s4, s19  }
0x9c: {  	s7 =	simm.s32 $0x0;
	s20 =	sshll.u32 s5, $0x1;
	s5 =	sadd.s32 s21, s3  }
0x9d: {  	[timem:s7], [sflag:s22] =	dma.local [hbm:s5], s20  }
0x9e: {  	_ =	swait.ge [sflag:s22], s20  }
0x9f: {  	s4 =	ssub.s32 $0x0, s20;
	[sflag:s22] =	ssyncset.done $0x0  }
0xa0: {  	[sflag:s22] =	ssyncadd.s32 s4;
	_ =	sdelay $0x1  }
0xa1: {  	s23 =	simm.s32 $0x1B8B  }
0xa2: {  	_ =	swait.ge [sflag:s23], $0x1  }
0xa3: {  	[sflag:s23] =	ssyncset.done $0x0  }
0xa4: {  	s25 =	simm.s32 $0x1B8E;
	s24 =	sld [smem:$0x3FFE];
	[sflag:s23] =	ssyncadd.s32 $0xFFFFFFFF  }
0xa5: {  	s26 =	simm.s32 $execute0_lowered;
	[smem:$0x3FD2] =	sst s25  }
0xa6: {  	s5 =	sshll.u32 s26, $0x1;
	_ =	strace $0x80000049;
	[dreg:$0x1] =	wrdreg $0xFFFFFFFF  }
0xa7: {  	s28 =	simm.s32 $_size_execute0_lowered;
	s3 =	sadd.s32 s3, s5;
	[dreg:$0x0] =	wrdreg $0x0  }
0xa8: {  	s5 =	sshll.u32 s28, $0x1;
	[dreg:$0x2] =	wrdreg s3  }
0xa9: {  	[dreg:$0x3] =	wrdreg s5  }
0xaa: {  	[dreg:$0x4] =	wrdreg $0xC0  }
0xab: {  	_ =	task [dreg:s7], $0x5FFFF  }
0xac: {  	[dreg:$0x1] =	wrdreg $0xFFFFFFFF  }
0xad: {  	[dreg:$0x0] =	wrdreg $0x60  }
0xae: {  	[dreg:$0x2] =	wrdreg s24  }
0xaf: {  	[dreg:$0x3] =	wrdreg s2  }
0xb0: {  	[dreg:$0x4] =	wrdreg $0x84000  }
0xb1: {  	[dreg:$0x5] =	wrdreg $0x9  }
0xb2: {  	_ =	task.clear_ibuf [dreg:s7], $0x6FFFF;
	_ =	strace $0x90000049  }
0xb3: {  	s29 =	simm.s32 $0x9;
	_ =	strace $0x8000004B  }
0xb4: {  	_ =	swait.ge [sflag:s29], $0x1  }
0xb5: {  	[sflag:s29] =	ssyncadd.s32 $0xFFFFFFFF  }
0xb6: {  	_ =	strace $0x9000004B  }
0xb7: {  	_ =	sfence  }
0xb8: {  	s30 =	sld [smem:$0x0];
	_ =	sdelay $0x2  }
0xb9: {  	s31 =	sshll.u32 s1, $0xD;
	s1 =	sshrl.u32 s1, $0x2  }
0xba: {  	s3 =	sand.u32 $0x4000, s31;
	s1 =	sadd.s32 s1, s30  }
0xbb: {  	s0 =	sor.u32 s3, s0;
	s1 =	sshll.u32 s1, $0x11  }
0xbc: {  	s0 =	sor.u32 s1, s0  }
0xbd: {  	s0 =	sadd.s32 $0x8F2B, s0  }
0xbe: {  	[sflag:s0] =	ssyncadd.remote.s32 $0x1  }
0xbf: {  	_ =	sfence.sel $0xFFFF  }
0xc0: {  	[dreg:$0x0] =	wrdreg $0xFFFFFFFF;
	(pc) =	sbr.abs _section_cstart, $3  }
0xc1: {  	[dreg:$0x1] =	wrdreg $0xFFFFFFFF  }
0xc2: {  	_ =	task.clear_ibuf [dreg:s7], $0x2FFFF;
	_ =	strace $0x9FFFFFFF  }
0xc3: {  	(tm) =	ssettm $0x7FFFFFFF  }
tec
execute0_lowered:
.L_overlay_start_1:
0x0: {  	(tag) =	ssettag $0x1  }
0x1: {  	s0 =	rddreg [dreg:$0x0]  }
0x2: {  	s1 =	rddreg [dreg:$0x1]  }
0x3: {  	s2 =	rddreg [dreg:$0x2];
	s4 =	simm.s32 $0x0;
	s3 =	srdreg.scid  }
0x4: {  	s12 =	stileid.u32;
	s15 =	simm.s32 $0x80;
	s16 =	simm.s32 $0x300  }
0x5: {  	s17 =	simm.s32 $0x400;
	s18 =	simm.s32 $0x5;
	s19 =	simm.s32 $0x200  }
0x6: {  	s20 =	simm.s32 $0x1;
	s28 =	simm.s32 $0x380;
	s29 =	simm.s32 $0x4  }
0x7: {  	s30 =	simm.s32 $0x0;
	[smem:$0x7FF] =	sst s4;
	s3 =	sand.u32 $0x1, s3  }
0x8: {  	s8 =	smul.u32 $0x14000, s12;
	s9 =	sshll.u32 s12, $0x1;
	s5 =	sadd.s32 $0x51600, s0  }
0x9: {  	s6 =	sadd.s32 $0x65400, s0;
	s7 =	smul.u32 $0x140000, s3;
	s9 =	sor.u32 s3, s9  }
0xa: {  	_ =	strace $0x8000004A;
	s3 =	ssub.s32 $0x2, s3;
	s21 =	smul.u32 $0x2780, s9  }
0xb: {  	s10 =	sshrl.u32 s3, $0x1;
	s11 =	smul.u32 $0x380, s9;
	s7 =	sadd.s32 s8, s7  }
0xc: {  	s3 =	ssub.s32 s3, s10;
	s8 =	smul.u32 $0x280, s12;
	s7 =	sshrl.u32 s7, $0x3  }
0xd: {  	s22 =	sand.u32 $0x7FC00, s21;
	s0 =	sadd.s32 s7, s0;
	s7 =	smul.u32 $0x4F, s9  }
0xe: {  	s11 =	sand.u32 $0x380, s11;
	s3 =	smax.u32 s3, $0x1;
	s9 =	smul.u32 $0x9E0, s9  }
0xf: {  	s21 =	simm.s32 $0x100;
	s10 =	sor.u32 s11, s22;
	[dreg:$0x8] =	wrdreg s3  }
0x10: {  	s22 =	simm.s32 $0x280;
	s24 =	sshrl.u32 s10, $0x3;
	s9 =	sadd.s32 s5, s9  }
0x11: {  	s14 =	sadd.s32 $0x1600, s0;
	s23 =	sadd.s32 $0x1, s7;
	[dreg:$0x4] =	wrdreg s9  }
0x12: {  	s25 =	sshll.u32 s23, $0x5;
	s9 =	sadd.s32 s6, s24;
	s31 =	sshll.u32 s23, $0x4  }
0x13: {  	s23 =	simm.s32 $0x2;
	[dreg:$0x5] =	wrdreg s9;
	s26 =	sadd.s32 s5, s25  }
0x14: {  	s24 =	simm.s32 $0x180;
	s9 =	sadd.s32 s6, s31;
	[dreg:$0x6] =	wrdreg s26  }
0x15: {  	v0 =	vimm.f32 $0.0e+00;
	v1 =	vlaneseq.u32;
	s25 =	simm.s32 $0x4400;
	[dreg:$0x7] =	wrdreg s9;
	s26 =	simm.s32 $0x3  }
.LBB2_1:
0x16: {  	s0 =	simm.s32 $0x0;
	s3 =	simm.s32 $0x200  }
.LBB2_2:
0x17: {  	p0 =	sne.s32 s3, $0xFE00;
	[tilespmem:s0+$0x470] =	vst v0  }
0x18: {  	[tilespmem:s0+$0x400] =	vst v0  }
0x19: {  	[tilespmem:s0+$0x410] =	vst v0  }
.Ltmp0:
0x1a: {  	[tilespmem:s0+$0x420] =	vst v0;
	(pc) =	sbr.rel @p0 .LBB2_2-.Ltmp0, $4  }
0x1b: {  	[tilespmem:s0+$0x430] =	vst v0  }
0x1c: {  	[tilespmem:s0+$0x440] =	vst v0  }
0x1d: {  	[tilespmem:s0+$0x450] =	vst v0  }
0x1e: {  	[tilespmem:s0+$0x460] =	vst v0;
	s0 =	sshra.s32 s3, $0x2;
	s3 =	sadd.s32 $0x200, s3  }
0x1f: {  	[tilespmem:s0+$0x470] =	vst v0  }
0x20: {  	[tilespmem:s0+$0x400] =	vst v0  }
0x21: {  	[tilespmem:s0+$0x410] =	vst v0  }
0x22: {  	[tilespmem:s0+$0x420] =	vst v0  }
0x23: {  	[tilespmem:s0+$0x430] =	vst v0  }
0x24: {  	[tilespmem:s0+$0x440] =	vst v0  }
0x25: {  	[tilespmem:s0+$0x450] =	vst v0;
	s3 =	sadd.s32 $0x0, s8  }
0x26: {  	[tilespmem:s0+$0x460] =	vst v0;
	v2 =	vor.u32 s3, v1;
	s10 =	sadd.s32 $0x70, s3  }
0x27: {  	s9 =	sadd.s32 $0x60, s3;
	[tilespmem:$0x300] =	vst v2;
	v2 =	vor.u32 s10, v1  }
0x28: {  	s13 =	sadd.s32 $0x30, s3;
	v3 =	vor.u32 s9, v1;
	[tilespmem:$0x370] =	vst v2  }
0x29: {  	s11 =	sadd.s32 $0x50, s3;
	v4 =	vor.u32 s13, v1;
	[tilespmem:$0x360] =	vst v3  }
0x2a: {  	s12 =	sadd.s32 $0x40, s3;
	v2 =	vor.u32 s11, v1;
	[tilespmem:$0x330] =	vst v4  }
0x2b: {  	s31 =	sadd.s32 $0x20, s3;
	v3 =	vor.u32 s12, v1;
	[tilespmem:$0x350] =	vst v2  }
0x2c: {  	s0 =	simm.s32 $0x80;
	s3 =	sadd.s32 $0x10, s3;
	[tilespmem:$0x340] =	vst v3;
	v2 =	vor.u32 s31, v1  }
.LBB2_4:
0x2d: {  	p0 =	sne.s32 s0, $0x200;
	v3 =	vor.u32 s3, v1;
	[tilespmem:$0x320] =	vst v2  }
0x2e: {  	[tilespmem:$0x310] =	vst v3;
	[spmem:s2] =	stream.indirect.scatter [tilespmem:s17], [sflag:$0x5], $0x80, s16, s15, $0xb8  }
0x2f: {  	_ =	swait.ge [sflag:s18], $0x4000  }
0x30: {  	s3 =	sadd.s32 s0, s8;
	[sflag:s18] =	ssyncset.done $0x0  }
0x31: {  	v2 =	vor.u32 s3, v1;
	s9 =	sadd.s32 $0x70, s3;
	[sflag:s18] =	ssyncadd.s32 $0xFFFFC000  }
0x32: {  	s10 =	sadd.s32 $0x60, s3;
	[tilespmem:$0x300] =	vst v2;
	v2 =	vor.u32 s9, v1  }
.Ltmp1:
0x33: {  	v3 =	vor.u32 s10, v1;
	s9 =	sadd.s32 $0x50, s3;
	[tilespmem:$0x370] =	vst v2;
	(pc) =	sbr.rel @p0 .LBB2_4-.Ltmp1, $4  }
0x34: {  	s10 =	sadd.s32 $0x40, s3;
	v2 =	vor.u32 s9, v1;
	[tilespmem:$0x360] =	vst v3  }
0x35: {  	s9 =	sadd.s32 $0x30, s3;
	v3 =	vor.u32 s10, v1;
	[tilespmem:$0x350] =	vst v2  }
0x36: {  	s10 =	sadd.s32 $0x20, s3;
	v4 =	vor.u32 s9, v1;
	[tilespmem:$0x340] =	vst v3  }
0x37: {  	s0 =	sadd.s32 $0x80, s0;
	s3 =	sadd.s32 $0x10, s3;
	v2 =	vor.u32 s10, v1;
	[tilespmem:$0x330] =	vst v4  }
0x38: {  	v3 =	vor.u32 s3, v1;
	[tilespmem:$0x320] =	vst v2  }
0x39: {  	[tilespmem:$0x310] =	vst v3  }
0x3a: {  	[spmem:s2] =	stream.indirect.scatter [tilespmem:s17], [sflag:$0x5], $0x80, s16, s15, $0xb8;
	[tilespmem:$0x1C400] =	vst v63  }
0x3b: {  	_ =	swait.ge [sflag:s18], $0x4000  }
0x3c: {  	[sflag:s18] =	ssyncset.done $0x0  }
0x3d: {  	[sflag:s18] =	ssyncadd.s32 $0xFFFFC000  }
0x3e: {  	[bflag:$0x0] =	sbarrier.arrive $0xFFFF  }
0x3f: {  	s31 =	simm.s32 $0x0;
	s0 =	rddreg [dreg:$0x4]  }
0x40: {  	[tilespmem:s31], [sflag:$0x1] =	stream.linear.gather [hbm4b:s0+s31], $0x100, $0x38;
	[tilespmem:$0x1C400] =	vst v63  }
0x41: {  	s11 =	rddreg [dreg:$0x5]  }
0x42: {  	[tilespmem:s19], [sflag:$0x1] =	stream.linear.gather [hbm4b:s11+s31], $0x80, $0x38;
	[tilespmem:$0x1C400] =	vst v63  }
0x43: {  	_ =	swait.ge [sflag:s20], $0x100  }
0x44: {  	[sflag:s20] =	ssyncset.done $0x0  }
0x45: {  	[sflag:s20] =	ssyncadd.s32 $0xFFFFFF00  }
0x46: {  	_ =	swait.ge [sflag:s20], $0x80  }
0x47: {  	[sflag:s20] =	ssyncset.done $0x0  }
0x48: {  	s12 =	rddreg [dreg:$0x6];
	[sflag:s20] =	ssyncadd.s32 $0xFFFFFF80  }
0x49: {  	[tilespmem:s21], [sflag:$0x2] =	stream.linear.gather [hbm4b:s12+s31], $0x100, $0x38;
	[tilespmem:$0x1C400] =	vst v63  }
0x4a: {  	s13 =	rddreg [dreg:$0x7]  }
0x4b: {  	[tilespmem:s22], [sflag:$0x2] =	stream.linear.gather [hbm4b:s13+s31], $0x80, $0x38;
	[tilespmem:$0x1C400] =	vst v63  }
0x4c: {  	s0 =	simm.s32 $0x0  }
0x4d: {  	[tilespmem:s17], [sflag:$0x3] =	stream.indirect.gather [hbm4b:s1+s15], $0x80, s15, s15, $0xb8;
	[tilespmem:$0x1C400] =	vst v63  }
.LBB2_6:
0x4e: {  	_ =	swait.ge [sflag:s23], $0x100  }
0x4f: {  	[sflag:s23] =	ssyncset.done $0x0  }
0x50: {  	[sflag:s23] =	ssyncadd.s32 $0xFFFFFF00  }
0x51: {  	_ =	swait.ge [sflag:s23], $0x80  }
0x52: {  	[sflag:s23] =	ssyncset.done $0x0  }
0x53: {  	[sflag:s23] =	ssyncadd.s32 $0xFFFFFF80  }
0x54: {  	[tilespmem:s25], [sflag:$0x4] =	stream.indirect.gather [hbm4b:s1+s15], $0x80, s24, s15, $0xb8;
	[tilespmem:$0x1C400] =	vst v63  }
0x55: {  	_ =	swait.ge [sflag:s26], $0x4000  }
0x56: {  	[sflag:s26] =	ssyncset.done $0x0  }
0x57: {  	[sflag:s26] =	ssyncadd.s32 $0xFFFFC000  }
0x58: {  	v2 =	vld [tilespmem:$0x200]  }
0x59: {  	v3 =	vld [tilespmem:$0x210];
	_ =	sdelay $0x2  }
0x5a: {  	v4 =	vld [tilespmem:$0x220]  }
0x5b: {  	v5 =	vld [tilespmem:$0x230];
	v2 =	vmul.f32 v2, v2  }
0x5c: {  	v6 =	vld [tilespmem:$0x240];
	v3 =	vmul.f32 v3, v3  }
0x5d: {  	v7 =	vld [tilespmem:$0x250];
	v2 =	vsub.f32 $0.0e+00, v2  }
0x5e: {  	v8 =	vld [tilespmem:$0x260];
	v3 =	vsub.f32 $0.0e+00, v3  }
0x5f: {  	v9 =	vld [tilespmem:$0x270];
	v4 =	vmul.f32 v4, v4;
	v2 =	vmul.f32 $1.442695020e+00, v2  }
0x60: {  	v5 =	vmul.f32 v5, v5;
	v3 =	vmul.f32 $1.442695020e+00, v3  }
0x61: {  	(erf) = vpow2.f32 v2;
	v2 =	vsub.f32 $0.0e+00, v4;
	v4 =	vmul.f32 v6, v6  }
0x62: {  	(erf) = vpow2.f32 v3;
	v3 =	vsub.f32 $0.0e+00, v5;
	v5 =	vmul.f32 v7, v7  }
0x63: {  	v6 =	vmul.f32 v8, v8;
	v2 =	vmul.f32 $1.442695020e+00, v2;
	v4 =	vsub.f32 $0.0e+00, v4  }
0x64: {  	v7 =	vmul.f32 v9, v9;
	v3 =	vmul.f32 $1.442695020e+00, v3;
	v5 =	vsub.f32 $0.0e+00, v5  }
0x65: {  	(erf) = vpow2.f32 v2;
	v2 =	vmul.f32 $1.442695020e+00, v4;
	v4 =	vsub.f32 $0.0e+00, v6  }
0x66: {  	(erf) = vpow2.f32 v3;
	v3 =	vmul.f32 $1.442695020e+00, v5;
	v5 =	vsub.f32 $0.0e+00, v7  }
0x67: {  	(erf) = vpow2.f32 v2;
	v2 =	vmul.f32 $1.442695020e+00, v4  }
0x68: {  	(erf) = vpow2.f32 v3;
	v3 =	vmul.f32 $1.442695020e+00, v5  }
0x69: {  	(erf) = vpow2.f32 v2  }
0x6a: {  	(erf) = vpow2.f32 v3;
	_ =	sdelay $0x1  }
0x6b: {  	v2 =	vpop (erf)  }
0x6c: {  	s3 =	simm.s32 $0x2;
	v3 =	vpop (erf);
	[tilespmem:$0x380] =	vst v2;
	v2 =	vmov s31  }
0x6d: {  	[tilespmem:$0x390] =	vst v3;
	v2 =	vand.u32 $0xFFFFFFFC, v2;
	v3 =	vmov s3;
	v4 =	vpop (erf)  }
0x6e: {  	v2 =	vbroadcast v2, $0x0;
	v3 =	vand.u32 $0xFFFFFFFE, v3;
	v5 =	vpop (erf);
	[tilespmem:$0x3A0] =	vst v4  }
0x6f: {  	v3 =	vbroadcast v3, $0x0;
	v4 =	vpop (erf);
	[tilespmem:$0x3B0] =	vst v5  }
0x70: {  	v5 =	vpop (erf);
	[tilespmem:$0x3C0] =	vst v4  }
0x71: {  	v4 =	vpop (erf);
	[tilespmem:$0x3D0] =	vst v5  }
0x72: {  	[tilespmem:$0x3E0] =	vst v4;
	v4 =	vpop (erf)  }
0x73: {  	[tilespmem:$0x3F0] =	vst v4  }
0x74: {  	v2 =	vld.idx.msk [tilespmem:v2+s28+$0x0], $0xffff  }
0x75: {  	s3 =	simm.s32 $0x500;
	v3 =	vld.idx.msk [tilespmem:v3+s28+$0x0], $0xffff  }
0x76: {  	s9 =	simm.s32 $0x1;
	v5 =	vld [tilespmem:s3+$0x70]  }
0x77: {  	v4 =	vmov s9;
	v6 =	vld [tilespmem:s3+$0xFFFFFF00]  }
0x78: {  	v4 =	vand.u32 $0xFFFFFFFD, v4;
	v7 =	vld [tilespmem:s3+$0xFFFFFF10]  }
0x79: {  	v8 =	vld [tilespmem:s3+$0xFFFFFF20];
	v4 =	vbroadcast v4, $0x0  }
0x7a: {  	v9 =	vld [tilespmem:s3+$0xFFFFFF30]  }
0x7b: {  	v10 =	vld [tilespmem:s3+$0xFFFFFF40]  }
0x7c: {  	v11 =	vld [tilespmem:s3+$0xFFFFFF50]  }
0x7d: {  	v12 =	vld [tilespmem:s3+$0xFFFFFF60];
	v6 =	vmul.f32 v6, v2  }
0x7e: {  	v14 =	vld [tilespmem:s3+$0x40];
	v5 =	vmul.f32 v5, v3  }
0x7f: {  	v4 =	vld.idx.msk [tilespmem:v4+s28+$0x0], $0xffff;
	[tilespmem:s3+$0xFFFFFF00] =	vst v6;
	v6 =	vmul.f32 v7, v2  }
0x80: {  	v7 =	vld [tilespmem:s3+$0xFFFFFF70];
	[tilespmem:s3+$0x70] =	vst v5;
	v5 =	vmul.f32 v8, v2  }
0x81: {  	v8 =	vld [tilespmem:s3+$0xFFFFFF80];
	[tilespmem:s3+$0xFFFFFF10] =	vst v6;
	v6 =	vmul.f32 v9, v2  }
0x82: {  	v9 =	vld [tilespmem:s3+$0xFFFFFF90];
	[tilespmem:s3+$0xFFFFFF20] =	vst v5;
	v5 =	vmul.f32 v10, v2  }
0x83: {  	v10 =	vld [tilespmem:s3+$0xFFFFFFA0];
	[tilespmem:s3+$0xFFFFFF30] =	vst v6;
	v6 =	vmul.f32 v11, v2  }
0x84: {  	v11 =	vld [tilespmem:s3+$0xFFFFFFB0];
	[tilespmem:s3+$0xFFFFFF40] =	vst v5;
	v5 =	vmul.f32 v12, v2  }
0x85: {  	v12 =	vld [tilespmem:s3+$0xFFFFFFC0];
	v7 =	vmul.f32 v7, v2;
	[tilespmem:s3+$0xFFFFFF50] =	vst v6  }
0x86: {  	v6 =	vmul.f32 v8, v4;
	v8 =	vld [tilespmem:s3+$0xFFFFFFD0];
	[tilespmem:s3+$0xFFFFFF60] =	vst v5  }
0x87: {  	s11 =	simm.s32 $0x3;
	v5 =	vld [tilespmem:s3+$0xFFFFFFE0];
	v9 =	vmul.f32 v9, v4;
	[tilespmem:s3+$0xFFFFFF70] =	vst v7  }
0x88: {  	v13 =	vmov s11;
	v7 =	vld [tilespmem:s3+$0xFFFFFFF0];
	[tilespmem:s3+$0xFFFFFF80] =	vst v6;
	v6 =	vmul.f32 v10, v4  }
0x89: {  	v10 =	vld [tilespmem:s3+$0x0];
	[tilespmem:s3+$0xFFFFFF90] =	vst v9;
	v9 =	vmul.f32 v11, v4  }
0x8a: {  	v11 =	vld [tilespmem:s3+$0x10];
	[tilespmem:s3+$0xFFFFFFA0] =	vst v6;
	v6 =	vmul.f32 v12, v4  }
0x8b: {  	[tilespmem:s3+$0xFFFFFFB0] =	vst v9;
	v8 =	vmul.f32 v8, v4;
	v9 =	vld [tilespmem:s3+$0x20]  }
0x8c: {  	v12 =	vld [tilespmem:s3+$0x30];
	v5 =	vmul.f32 v5, v4;
	[tilespmem:s3+$0xFFFFFFC0] =	vst v6  }
0x8d: {  	v2 =	vld.idx.msk [tilespmem:v13+s28+$0x0], $0xffff;
	v4 =	vmul.f32 v7, v4;
	[tilespmem:s3+$0xFFFFFFD0] =	vst v8  }
0x8e: {  	[tilespmem:s3+$0xFFFFFFE0] =	vst v5;
	v6 =	vmul.f32 v10, v3;
	v5 =	vld [tilespmem:s3+$0x50]  }
0x8f: {  	s12 =	simm.s32 $0x4;
	[tilespmem:s3+$0xFFFFFFF0] =	vst v4;
	v7 =	vmul.f32 v11, v3;
	v4 =	vld [tilespmem:s3+$0x60]  }
0x90: {  	s13 =	simm.s32 $0x7;
	v8 =	vmov s12;
	[tilespmem:s3+$0x0] =	vst v6;
	v10 =	vmul.f32 v9, v3;
	v9 =	vld [tilespmem:s3+$0x80]  }
0x91: {  	s10 =	simm.s32 $0x5;
	v13 =	vand.u32 $0xFFFFFFFC, v8;
	v8 =	vld [tilespmem:s3+$0x90];
	v6 =	vmov s13;
	v11 =	vmul.f32 v12, v3;
	[tilespmem:s3+$0x10] =	vst v7  }
0x92: {  	s11 =	simm.s32 $0x6;
	s9 =	simm.s32 $0x500;
	v12 =	vmul.f32 v14, v3;
	v7 =	vbroadcast v13, $0x0;
	v13 =	vmov s10;
	s10 =	simm.s32 $0x8;
	[tilespmem:s3+$0x20] =	vst v10;
	v10 =	vld [tilespmem:s3+$0xA0]  }
.LBB2_7:
0x93: {  	p0 =	slt.u32 s10, $0x7C;
	v13 =	vand.u32 $0xFFFFFFFD, v13;
	v14 =	vmov s11;
	[tilespmem:s3+$0x30] =	vst v11;
	v5 =	vmul.f32 v5, v3;
	v11 =	vld [tilespmem:s3+$0xB0]  }
0x94: {  	v13 =	vbroadcast v13, $0x0;
	v14 =	vand.u32 $0xFFFFFFFE, v14;
	[tilespmem:s3+$0x40] =	vst v12;
	v3 =	vmul.f32 v4, v3;
	v4 =	vld [tilespmem:s3+$0xC0]  }
0x95: {  	v12 =	vbroadcast v14, $0x0;
	[tilespmem:s3+$0x50] =	vst v5;
	v5 =	vmul.f32 v9, v2;
	v9 =	vld [tilespmem:s3+$0xD0]  }
0x96: {  	[tilespmem:s3+$0x60] =	vst v3;
	v3 =	vmul.f32 v8, v2;
	v8 =	vld [tilespmem:s3+$0xE0]  }
0x97: {  	[tilespmem:s3+$0x80] =	vst v5;
	v5 =	vmul.f32 v10, v2;
	v10 =	vld [tilespmem:s3+$0xF0]  }
0x98: {  	v6 =	vld.idx.msk [tilespmem:v6+s28+$0x0], $0xffff;
	[tilespmem:s3+$0x90] =	vst v3;
	v3 =	vmul.f32 v11, v2  }
0x99: {  	v7 =	vld.idx.msk [tilespmem:v7+s28+$0x0], $0xffff;
	[tilespmem:s3+$0xA0] =	vst v5;
	v4 =	vmul.f32 v4, v2  }
0x9a: {  	v5 =	vld.idx.msk [tilespmem:v13+s28+$0x0], $0xffff;
	[tilespmem:s3+$0xB0] =	vst v3;
	v9 =	vmul.f32 v9, v2  }
0x9b: {  	s3 =	sadd.s32 $0x200, s3;
	v3 =	vld.idx.msk [tilespmem:v12+s28+$0x0], $0xffff;
	[tilespmem:s9+$0xC0] =	vst v4;
	v4 =	vmul.f32 v8, v2  }
0x9c: {  	v8 =	vld [tilespmem:s3+$0x70];
	[tilespmem:s9+$0xD0] =	vst v9;
	v10 =	vmul.f32 v10, v2  }
0x9d: {  	v9 =	vld [tilespmem:s3+$0xFFFFFF00];
	[tilespmem:s9+$0xE0] =	vst v4  }
0x9e: {  	v2 =	vmov v6;
	v4 =	vld [tilespmem:s3+$0xFFFFFF10];
	[tilespmem:s9+$0xF0] =	vst v10;
	s9 =	smov.u32 s3  }
0x9f: {  	v6 =	vld [tilespmem:s3+$0xFFFFFF20]  }
0xa0: {  	v10 =	vld [tilespmem:s3+$0xFFFFFF30]  }
0xa1: {  	v11 =	vld [tilespmem:s3+$0xFFFFFF40];
	v8 =	vmul.f32 v8, v3  }
0xa2: {  	v9 =	vmul.f32 v9, v7;
	v12 =	vld [tilespmem:s3+$0xFFFFFF50]  }
0xa3: {  	v4 =	vmul.f32 v4, v7;
	v13 =	vld [tilespmem:s3+$0xFFFFFF60];
	[tilespmem:s3+$0x70] =	vst v8  }
0xa4: {  	[tilespmem:s3+$0xFFFFFF00] =	vst v9;
	v6 =	vmul.f32 v6, v7;
	v8 =	vld [tilespmem:s3+$0xFFFFFF70]  }
0xa5: {  	[tilespmem:s3+$0xFFFFFF10] =	vst v4;
	v4 =	vmul.f32 v10, v7;
	v9 =	vld [tilespmem:s3+$0xFFFFFF80]  }
0xa6: {  	[tilespmem:s3+$0xFFFFFF20] =	vst v6;
	v6 =	vmul.f32 v11, v7;
	v10 =	vld [tilespmem:s3+$0xFFFFFF90]  }
0xa7: {  	[tilespmem:s3+$0xFFFFFF30] =	vst v4;
	v4 =	vmul.f32 v12, v7;
	v11 =	vld [tilespmem:s3+$0xFFFFFFA0]  }
0xa8: {  	[tilespmem:s3+$0xFFFFFF40] =	vst v6;
	v6 =	vmul.f32 v13, v7;
	v12 =	vld [tilespmem:s3+$0xFFFFFFB0]  }
0xa9: {  	[tilespmem:s3+$0xFFFFFF50] =	vst v4;
	v4 =	vmul.f32 v8, v7;
	v7 =	vld [tilespmem:s3+$0xFFFFFFC0]  }
0xaa: {  	[tilespmem:s3+$0xFFFFFF60] =	vst v6;
	v6 =	vmul.f32 v9, v5;
	v8 =	vld [tilespmem:s3+$0xFFFFFFD0]  }
0xab: {  	[tilespmem:s3+$0xFFFFFF70] =	vst v4;
	v4 =	vmul.f32 v10, v5;
	v9 =	vld [tilespmem:s3+$0xFFFFFFE0]  }
0xac: {  	[tilespmem:s3+$0xFFFFFF80] =	vst v6;
	v6 =	vmul.f32 v11, v5;
	v10 =	vld [tilespmem:s3+$0xFFFFFFF0]  }
0xad: {  	[tilespmem:s3+$0xFFFFFF90] =	vst v4;
	v4 =	vmul.f32 v12, v5;
	v11 =	vld [tilespmem:s3+$0x0]  }
0xae: {  	[tilespmem:s3+$0xFFFFFFA0] =	vst v6;
	v6 =	vmul.f32 v7, v5;
	v7 =	vld [tilespmem:s3+$0x10]  }
0xaf: {  	[tilespmem:s3+$0xFFFFFFB0] =	vst v4;
	v4 =	vmul.f32 v8, v5;
	v8 =	vld [tilespmem:s3+$0x20]  }
0xb0: {  	[tilespmem:s3+$0xFFFFFFC0] =	vst v6;
	v6 =	vmul.f32 v9, v5;
	v12 =	vld [tilespmem:s3+$0x30]  }
0xb1: {  	[tilespmem:s3+$0xFFFFFFD0] =	vst v4;
	v4 =	vmul.f32 v10, v5;
	v10 =	vld [tilespmem:s3+$0x40]  }
.Ltmp2:
0xb2: {  	[tilespmem:s3+$0xFFFFFFE0] =	vst v6;
	v6 =	vmul.f32 v11, v3;
	v5 =	vld [tilespmem:s3+$0x50];
	(pc) =	sbr.rel @p0 .LBB2_7-.Ltmp2, $4  }
0xb3: {  	[tilespmem:s3+$0xFFFFFFF0] =	vst v4;
	v7 =	vmul.f32 v7, v3;
	v4 =	vld [tilespmem:s3+$0x60]  }
0xb4: {  	s11 =	sadd.s32 $0x3, s10;
	v11 =	vmov s10;
	[tilespmem:s3+$0x0] =	vst v6;
	v14 =	vmul.f32 v8, v3;
	v9 =	vld [tilespmem:s3+$0x80]  }
0xb5: {  	s12 =	sadd.s32 $0x1, s10;
	v13 =	vand.u32 $0xFFFFFFFC, v11;
	v6 =	vmov s11;
	[tilespmem:s3+$0x10] =	vst v7;
	v11 =	vmul.f32 v12, v3;
	v8 =	vld [tilespmem:s3+$0x90]  }
0xb6: {  	s11 =	sadd.s32 $0x2, s10;
	s10 =	sadd.s32 $0x4, s10;
	v7 =	vbroadcast v13, $0x0;
	v13 =	vmov s12;
	[tilespmem:s3+$0x20] =	vst v14;
	v12 =	vmul.f32 v10, v3;
	v10 =	vld [tilespmem:s3+$0xA0]  }
0xb7: {  	v14 =	vld [tilespmem:s3+$0xB0]  }
0xb8: {  	v16 =	vld [tilespmem:s3+$0xC0]  }
0xb9: {  	v15 =	vmov s11;
	v17 =	vld [tilespmem:s3+$0xD0]  }
0xba: {  	v18 =	vld [tilespmem:s3+$0xE0];
	[tilespmem:s3+$0x30] =	vst v11;
	v5 =	vmul.f32 v5, v3;
	v15 =	vand.u32 $0xFFFFFFFE, v15  }
0xbb: {  	v13 =	vand.u32 $0xFFFFFFFD, v13;
	v6 =	vld.idx.msk [tilespmem:v6+s28+$0x0], $0xffff;
	[tilespmem:s3+$0x40] =	vst v12;
	v3 =	vmul.f32 v4, v3;
	v15 =	vbroadcast v15, $0x0  }
0xbc: {  	s10 =	sadd.s32 $0x200, s3;
	v13 =	vbroadcast v13, $0x0;
	v4 =	vld.idx.msk [tilespmem:v7+s28+$0x0], $0xffff;
	v9 =	vmul.f32 v9, v2;
	[tilespmem:s3+$0x50] =	vst v5  }
0xbd: {  	v11 =	vld [tilespmem:s10+$0xFFFFFF00];
	v5 =	vmul.f32 v8, v2;
	[tilespmem:s3+$0x60] =	vst v3  }
0xbe: {  	[tilespmem:s3+$0x80] =	vst v9;
	v9 =	vld [tilespmem:s3+$0xF0];
	v3 =	vmul.f32 v10, v2  }
0xbf: {  	v12 =	vld [tilespmem:s10+$0xFFFFFF10];
	[tilespmem:s3+$0x90] =	vst v5;
	v5 =	vmul.f32 v14, v2  }
0xc0: {  	v10 =	vld [tilespmem:s10+$0x70];
	[tilespmem:s3+$0xA0] =	vst v3;
	v3 =	vmul.f32 v16, v2  }
0xc1: {  	[tilespmem:s3+$0xB0] =	vst v5;
	v5 =	vmul.f32 v17, v2;
	v8 =	vld.idx.msk [tilespmem:v15+s28+$0x0], $0xffff  }
0xc2: {  	v7 =	vld.idx.msk [tilespmem:v13+s28+$0x0], $0xffff;
	[tilespmem:s9+$0xC0] =	vst v3;
	v3 =	vmul.f32 v18, v2  }
0xc3: {  	v13 =	vld [tilespmem:s10+$0xFFFFFF20];
	[tilespmem:s9+$0xD0] =	vst v5;
	v2 =	vmul.f32 v9, v2  }
0xc4: {  	v5 =	vld [tilespmem:s10+$0xFFFFFF30];
	[tilespmem:s9+$0xE0] =	vst v3  }
0xc5: {  	v3 =	vld [tilespmem:s10+$0xFFFFFF40];
	[tilespmem:s9+$0xF0] =	vst v2;
	v2 =	vmul.f32 v11, v4  }
0xc6: {  	v9 =	vmul.f32 v10, v8;
	v10 =	vld [tilespmem:s10+$0xFFFFFF50]  }
0xc7: {  	v11 =	vmul.f32 v12, v4;
	v12 =	vld [tilespmem:s10+$0xFFFFFF60];
	[tilespmem:s10+$0xFFFFFF00] =	vst v2  }
0xc8: {  	v2 =	vmul.f32 v13, v4;
	[tilespmem:s10+$0x70] =	vst v9;
	v9 =	vld [tilespmem:s10+$0xFFFFFF70]  }
0xc9: {  	[tilespmem:s10+$0xFFFFFF10] =	vst v11;
	v11 =	vld [tilespmem:s10+$0xFFFFFF80];
	v5 =	vmul.f32 v5, v4  }
0xca: {  	[tilespmem:s10+$0xFFFFFF20] =	vst v2;
	v2 =	vmul.f32 v3, v4;
	v3 =	vld [tilespmem:s10+$0xFFFFFF90]  }
0xcb: {  	[tilespmem:s10+$0xFFFFFF30] =	vst v5;
	v5 =	vmul.f32 v10, v4;
	v10 =	vld [tilespmem:s10+$0xFFFFFFA0]  }
0xcc: {  	[tilespmem:s10+$0xFFFFFF40] =	vst v2;
	v2 =	vmul.f32 v12, v4;
	v12 =	vld [tilespmem:s10+$0xFFFFFFB0]  }
0xcd: {  	[tilespmem:s10+$0xFFFFFF50] =	vst v5;
	v4 =	vmul.f32 v9, v4;
	v5 =	vld [tilespmem:s10+$0xFFFFFFC0]  }
0xce: {  	[tilespmem:s10+$0xFFFFFF60] =	vst v2;
	v2 =	vmul.f32 v11, v7;
	v9 =	vld [tilespmem:s10+$0xFFFFFFD0]  }
0xcf: {  	v3 =	vmul.f32 v3, v7;
	[tilespmem:s10+$0xFFFFFF70] =	vst v4;
	v4 =	vld [tilespmem:s10+$0xFFFFFFE0]  }
0xd0: {  	[tilespmem:s10+$0xFFFFFF80] =	vst v2;
	v2 =	vmul.f32 v10, v7;
	v10 =	vld [tilespmem:s10+$0xFFFFFFF0]  }
0xd1: {  	v11 =	vld [tilespmem:s10+$0x0];
	[tilespmem:s10+$0xFFFFFF90] =	vst v3;
	v3 =	vmul.f32 v12, v7  }
0xd2: {  	[tilespmem:s10+$0xFFFFFFA0] =	vst v2;
	v2 =	vmul.f32 v5, v7;
	v5 =	vld [tilespmem:s10+$0x10]  }
0xd3: {  	[tilespmem:s10+$0xFFFFFFB0] =	vst v3;
	v3 =	vmul.f32 v9, v7;
	v9 =	vld [tilespmem:s10+$0x20]  }
0xd4: {  	[tilespmem:s10+$0xFFFFFFC0] =	vst v2;
	v2 =	vmul.f32 v4, v7;
	v4 =	vld [tilespmem:s10+$0x30]  }
0xd5: {  	[tilespmem:s10+$0xFFFFFFD0] =	vst v3;
	v3 =	vmul.f32 v10, v7;
	v7 =	vld [tilespmem:s10+$0x40]  }
0xd6: {  	v10 =	vld [tilespmem:s10+$0x50];
	[tilespmem:s10+$0xFFFFFFE0] =	vst v2;
	v2 =	vmul.f32 v11, v8  }
0xd7: {  	[tilespmem:s10+$0xFFFFFFF0] =	vst v3;
	v3 =	vmul.f32 v5, v8;
	v5 =	vld [tilespmem:s10+$0x60]  }
0xd8: {  	[tilespmem:s10+$0x0] =	vst v2;
	v2 =	vmul.f32 v9, v8;
	v9 =	vld [tilespmem:s10+$0x80]  }
0xd9: {  	[tilespmem:s10+$0x10] =	vst v3;
	v3 =	vmul.f32 v4, v8;
	v4 =	vld [tilespmem:s10+$0x90]  }
0xda: {  	[tilespmem:s10+$0x20] =	vst v2;
	v2 =	vmul.f32 v7, v8;
	v7 =	vld [tilespmem:s10+$0xA0]  }
0xdb: {  	[tilespmem:s10+$0x30] =	vst v3;
	v3 =	vmul.f32 v10, v8;
	v10 =	vld [tilespmem:s10+$0xB0]  }
0xdc: {  	[tilespmem:s10+$0x40] =	vst v2;
	v2 =	vmul.f32 v5, v8;
	v5 =	vld [tilespmem:s10+$0xC0]  }
0xdd: {  	v8 =	vld [tilespmem:s10+$0xD0];
	[tilespmem:s10+$0x50] =	vst v3;
	v3 =	vmul.f32 v9, v6  }
0xde: {  	[tilespmem:s10+$0x60] =	vst v2;
	v2 =	vmul.f32 v4, v6;
	v4 =	vld [tilespmem:s10+$0xE0]  }
0xdf: {  	[tilespmem:s10+$0x80] =	vst v3;
	v3 =	vmul.f32 v7, v6;
	v7 =	vld [tilespmem:s10+$0xF0]  }
0xe0: {  	[tilespmem:s10+$0x90] =	vst v2;
	v2 =	vmul.f32 v10, v6  }
0xe1: {  	[tilespmem:s10+$0xA0] =	vst v3;
	v3 =	vmul.f32 v5, v6  }
0xe2: {  	[tilespmem:s10+$0xB0] =	vst v2;
	v2 =	vmul.f32 v8, v6  }
0xe3: {  	[tilespmem:s10+$0xC0] =	vst v3;
	v3 =	vmul.f32 v4, v6  }
0xe4: {  	s11 =	sshll.u32 s0, $0x1;
	[tilespmem:s10+$0xD0] =	vst v2;
	v2 =	vmul.f32 v7, v6  }
0xe5: {  	s3 =	sadd.s32 s7, s11;
	[tilespmem:s10+$0xE0] =	vst v3  }
0xe6: {  	s12 =	sadd.s32 $0x2, s3;
	s9 =	simm.s32 $0x0;
	[tilespmem:s10+$0xF0] =	vst v2  }
0xe7: {  	[spmem:s2] =	stream.indirect.scatter.add.f32 [tilespmem:s17], [sflag:$0x5], $0x80, s9, s15, $0xb8;
	[tilespmem:$0x1C400] =	vst v63  }
0xe8: {  	s13 =	sshll.u32 s12, $0x5;
	_ =	swait.ge [sflag:s18], $0x4000  }
0xe9: {  	s11 =	sand.u32 $0x1FFFFFE0, s13;
	s10 =	sshll.u32 s12, $0x4;
	[sflag:s18] =	ssyncset.done $0x0  }
0xea: {  	s11 =	sadd.s32 s5, s11;
	s10 =	sand.u32 $0xFFFFFF0, s10;
	[sflag:s18] =	ssyncadd.s32 $0xFFFFC000  }
0xeb: {  	[tilespmem:s9], [sflag:$0x1] =	stream.linear.gather [hbm4b:s11+s9], $0x100, $0x38;
	[tilespmem:$0x1C400] =	vst v63  }
0xec: {  	s10 =	sadd.s32 s6, s10  }
0xed: {  	[tilespmem:s19], [sflag:$0x1] =	stream.linear.gather [hbm4b:s10+s9], $0x80, $0x38;
	[tilespmem:$0x1C400] =	vst v63  }
0xee: {  	_ =	swait.ge [sflag:s20], $0x100  }
0xef: {  	[sflag:s20] =	ssyncset.done $0x0  }
0xf0: {  	[sflag:s20] =	ssyncadd.s32 $0xFFFFFF00  }
0xf1: {  	_ =	swait.ge [sflag:s20], $0x80  }
0xf2: {  	[sflag:s20] =	ssyncset.done $0x0  }
0xf3: {  	[sflag:s20] =	ssyncadd.s32 $0xFFFFFF80  }
0xf4: {  	[tilespmem:s17], [sflag:$0x3] =	stream.indirect.gather [hbm4b:s1+s15], $0x80, s15, s15, $0xb8;
	[tilespmem:$0x1C400] =	vst v63  }
0xf5: {  	_ =	swait.ge [sflag:s29], $0x4000  }
0xf6: {  	[sflag:s29] =	ssyncset.done $0x0  }
0xf7: {  	[sflag:s29] =	ssyncadd.s32 $0xFFFFC000  }
0xf8: {  	v2 =	vld [tilespmem:$0x280]  }
0xf9: {  	v3 =	vld [tilespmem:$0x290];
	_ =	sdelay $0x2  }
0xfa: {  	v4 =	vld [tilespmem:$0x2A0]  }
0xfb: {  	v5 =	vld [tilespmem:$0x2B0];
	v2 =	vmul.f32 v2, v2  }
0xfc: {  	v6 =	vld [tilespmem:$0x2C0];
	v3 =	vmul.f32 v3, v3  }
0xfd: {  	v7 =	vld [tilespmem:$0x2D0];
	v2 =	vsub.f32 $0.0e+00, v2  }
0xfe: {  	v8 =	vld [tilespmem:$0x2E0];
	v3 =	vsub.f32 $0.0e+00, v3  }
0xff: {  	v9 =	vld [tilespmem:$0x2F0];
	v4 =	vmul.f32 v4, v4;
	v2 =	vmul.f32 $1.442695020e+00, v2  }
0x100: {  	v5 =	vmul.f32 v5, v5;
	v3 =	vmul.f32 $1.442695020e+00, v3  }
0x101: {  	(erf) = vpow2.f32 v2;
	v2 =	vsub.f32 $0.0e+00, v4;
	v4 =	vmul.f32 v6, v6  }
0x102: {  	(erf) = vpow2.f32 v3;
	v3 =	vsub.f32 $0.0e+00, v5;
	v5 =	vmul.f32 v7, v7  }
0x103: {  	v6 =	vmul.f32 v8, v8;
	v2 =	vmul.f32 $1.442695020e+00, v2;
	v4 =	vsub.f32 $0.0e+00, v4  }
0x104: {  	v7 =	vmul.f32 v9, v9;
	v3 =	vmul.f32 $1.442695020e+00, v3;
	v5 =	vsub.f32 $0.0e+00, v5  }
0x105: {  	(erf) = vpow2.f32 v2;
	v2 =	vmul.f32 $1.442695020e+00, v4;
	v4 =	vsub.f32 $0.0e+00, v6  }
0x106: {  	(erf) = vpow2.f32 v3;
	v3 =	vmul.f32 $1.442695020e+00, v5;
	v5 =	vsub.f32 $0.0e+00, v7  }
0x107: {  	(erf) = vpow2.f32 v2;
	v2 =	vmul.f32 $1.442695020e+00, v4  }
0x108: {  	(erf) = vpow2.f32 v3;
	v3 =	vmul.f32 $1.442695020e+00, v5  }
0x109: {  	(erf) = vpow2.f32 v2  }
0x10a: {  	(erf) = vpow2.f32 v3;
	_ =	sdelay $0x1  }
0x10b: {  	v2 =	vpop (erf)  }
0x10c: {  	s11 =	simm.s32 $0x2;
	v3 =	vpop (erf);
	[tilespmem:$0x380] =	vst v2;
	v2 =	vmov s9  }
0x10d: {  	[tilespmem:$0x390] =	vst v3;
	v2 =	vand.u32 $0xFFFFFFFC, v2;
	v3 =	vmov s11;
	v4 =	vpop (erf)  }
0x10e: {  	v2 =	vbroadcast v2, $0x0;
	v3 =	vand.u32 $0xFFFFFFFE, v3;
	v5 =	vpop (erf);
	[tilespmem:$0x3A0] =	vst v4  }
0x10f: {  	v3 =	vbroadcast v3, $0x0;
	v4 =	vpop (erf);
	[tilespmem:$0x3B0] =	vst v5  }
0x110: {  	v5 =	vpop (erf);
	[tilespmem:$0x3C0] =	vst v4  }
0x111: {  	v4 =	vpop (erf);
	[tilespmem:$0x3D0] =	vst v5  }
0x112: {  	[tilespmem:$0x3E0] =	vst v4;
	v4 =	vpop (erf)  }
0x113: {  	[tilespmem:$0x3F0] =	vst v4  }
0x114: {  	v2 =	vld.idx.msk [tilespmem:v2+s28+$0x0], $0xffff  }
0x115: {  	s9 =	simm.s32 $0x4500;
	v3 =	vld.idx.msk [tilespmem:v3+s28+$0x0], $0xffff  }
0x116: {  	s12 =	simm.s32 $0x1;
	v5 =	vld [tilespmem:s9+$0x70]  }
0x117: {  	v4 =	vmov s12;
	v6 =	vld [tilespmem:s9+$0xFFFFFF00]  }
0x118: {  	v4 =	vand.u32 $0xFFFFFFFD, v4;
	v7 =	vld [tilespmem:s9+$0xFFFFFF10]  }
0x119: {  	v8 =	vld [tilespmem:s9+$0xFFFFFF20];
	v4 =	vbroadcast v4, $0x0  }
0x11a: {  	v9 =	vld [tilespmem:s9+$0xFFFFFF30]  }
0x11b: {  	v10 =	vld [tilespmem:s9+$0xFFFFFF40]  }
0x11c: {  	v11 =	vld [tilespmem:s9+$0xFFFFFF50]  }
0x11d: {  	v12 =	vld [tilespmem:s9+$0xFFFFFF60];
	v6 =	vmul.f32 v6, v2  }
0x11e: {  	v14 =	vld [tilespmem:s9+$0x40];
	v5 =	vmul.f32 v5, v3  }
0x11f: {  	v4 =	vld.idx.msk [tilespmem:v4+s28+$0x0], $0xffff;
	[tilespmem:s9+$0xFFFFFF00] =	vst v6;
	v6 =	vmul.f32 v7, v2  }
0x120: {  	v7 =	vld [tilespmem:s9+$0xFFFFFF70];
	[tilespmem:s9+$0x70] =	vst v5;
	v5 =	vmul.f32 v8, v2  }
0x121: {  	v8 =	vld [tilespmem:s9+$0xFFFFFF80];
	[tilespmem:s9+$0xFFFFFF10] =	vst v6;
	v6 =	vmul.f32 v9, v2  }
0x122: {  	v9 =	vld [tilespmem:s9+$0xFFFFFF90];
	[tilespmem:s9+$0xFFFFFF20] =	vst v5;
	v5 =	vmul.f32 v10, v2  }
0x123: {  	v10 =	vld [tilespmem:s9+$0xFFFFFFA0];
	[tilespmem:s9+$0xFFFFFF30] =	vst v6;
	v6 =	vmul.f32 v11, v2  }
0x124: {  	v11 =	vld [tilespmem:s9+$0xFFFFFFB0];
	[tilespmem:s9+$0xFFFFFF40] =	vst v5;
	v5 =	vmul.f32 v12, v2  }
0x125: {  	v12 =	vld [tilespmem:s9+$0xFFFFFFC0];
	v7 =	vmul.f32 v7, v2;
	[tilespmem:s9+$0xFFFFFF50] =	vst v6  }
0x126: {  	v6 =	vmul.f32 v8, v4;
	v8 =	vld [tilespmem:s9+$0xFFFFFFD0];
	[tilespmem:s9+$0xFFFFFF60] =	vst v5  }
0x127: {  	s13 =	simm.s32 $0x3;
	v5 =	vld [tilespmem:s9+$0xFFFFFFE0];
	v9 =	vmul.f32 v9, v4;
	[tilespmem:s9+$0xFFFFFF70] =	vst v7  }
0x128: {  	v13 =	vmov s13;
	v7 =	vld [tilespmem:s9+$0xFFFFFFF0];
	[tilespmem:s9+$0xFFFFFF80] =	vst v6;
	v6 =	vmul.f32 v10, v4  }
0x129: {  	v10 =	vld [tilespmem:s9+$0x0];
	[tilespmem:s9+$0xFFFFFF90] =	vst v9;
	v9 =	vmul.f32 v11, v4  }
0x12a: {  	v11 =	vld [tilespmem:s9+$0x10];
	[tilespmem:s9+$0xFFFFFFA0] =	vst v6;
	v6 =	vmul.f32 v12, v4  }
0x12b: {  	[tilespmem:s9+$0xFFFFFFB0] =	vst v9;
	v8 =	vmul.f32 v8, v4;
	v9 =	vld [tilespmem:s9+$0x20]  }
0x12c: {  	v12 =	vld [tilespmem:s9+$0x30];
	v5 =	vmul.f32 v5, v4;
	[tilespmem:s9+$0xFFFFFFC0] =	vst v6  }
0x12d: {  	v2 =	vld.idx.msk [tilespmem:v13+s28+$0x0], $0xffff;
	v4 =	vmul.f32 v7, v4;
	[tilespmem:s9+$0xFFFFFFD0] =	vst v8  }
0x12e: {  	[tilespmem:s9+$0xFFFFFFE0] =	vst v5;
	v6 =	vmul.f32 v10, v3;
	v5 =	vld [tilespmem:s9+$0x50]  }
0x12f: {  	s11 =	simm.s32 $0x4;
	[tilespmem:s9+$0xFFFFFFF0] =	vst v4;
	v7 =	vmul.f32 v11, v3;
	v4 =	vld [tilespmem:s9+$0x60]  }
0x130: {  	s12 =	simm.s32 $0x7;
	v8 =	vmov s11;
	[tilespmem:s9+$0x0] =	vst v6;
	v10 =	vmul.f32 v9, v3;
	v9 =	vld [tilespmem:s9+$0x80]  }
0x131: {  	s13 =	simm.s32 $0x5;
	v13 =	vand.u32 $0xFFFFFFFC, v8;
	v8 =	vld [tilespmem:s9+$0x90];
	v6 =	vmov s12;
	v11 =	vmul.f32 v12, v3;
	[tilespmem:s9+$0x10] =	vst v7  }
0x132: {  	s10 =	simm.s32 $0x4500;
	s11 =	simm.s32 $0x8;
	s12 =	simm.s32 $0x6;
	v12 =	vmul.f32 v14, v3;
	v7 =	vbroadcast v13, $0x0;
	v13 =	vmov s13;
	[tilespmem:s9+$0x20] =	vst v10;
	v10 =	vld [tilespmem:s9+$0xA0]  }
.LBB2_9:
0x133: {  	p0 =	slt.u32 s11, $0x7C;
	v13 =	vand.u32 $0xFFFFFFFD, v13;
	v14 =	vmov s12;
	[tilespmem:s9+$0x30] =	vst v11;
	v5 =	vmul.f32 v5, v3;
	v11 =	vld [tilespmem:s9+$0xB0]  }
0x134: {  	v13 =	vbroadcast v13, $0x0;
	v14 =	vand.u32 $0xFFFFFFFE, v14;
	[tilespmem:s9+$0x40] =	vst v12;
	v3 =	vmul.f32 v4, v3;
	v4 =	vld [tilespmem:s9+$0xC0]  }
0x135: {  	v12 =	vbroadcast v14, $0x0;
	[tilespmem:s9+$0x50] =	vst v5;
	v5 =	vmul.f32 v9, v2;
	v9 =	vld [tilespmem:s9+$0xD0]  }
0x136: {  	[tilespmem:s9+$0x60] =	vst v3;
	v3 =	vmul.f32 v8, v2;
	v8 =	vld [tilespmem:s9+$0xE0]  }
0x137: {  	[tilespmem:s9+$0x80] =	vst v5;
	v5 =	vmul.f32 v10, v2;
	v10 =	vld [tilespmem:s9+$0xF0]  }
0x138: {  	v6 =	vld.idx.msk [tilespmem:v6+s28+$0x0], $0xffff;
	[tilespmem:s9+$0x90] =	vst v3;
	v3 =	vmul.f32 v11, v2  }
0x139: {  	v7 =	vld.idx.msk [tilespmem:v7+s28+$0x0], $0xffff;
	[tilespmem:s9+$0xA0] =	vst v5;
	v4 =	vmul.f32 v4, v2  }
0x13a: {  	v5 =	vld.idx.msk [tilespmem:v13+s28+$0x0], $0xffff;
	[tilespmem:s9+$0xB0] =	vst v3;
	v9 =	vmul.f32 v9, v2  }
0x13b: {  	s9 =	sadd.s32 $0x200, s9;
	v3 =	vld.idx.msk [tilespmem:v12+s28+$0x0], $0xffff;
	[tilespmem:s10+$0xC0] =	vst v4;
	v4 =	vmul.f32 v8, v2  }
0x13c: {  	v8 =	vld [tilespmem:s9+$0x70];
	[tilespmem:s10+$0xD0] =	vst v9;
	v10 =	vmul.f32 v10, v2  }
0x13d: {  	v9 =	vld [tilespmem:s9+$0xFFFFFF00];
	[tilespmem:s10+$0xE0] =	vst v4  }
0x13e: {  	v2 =	vmov v6;
	v4 =	vld [tilespmem:s9+$0xFFFFFF10];
	[tilespmem:s10+$0xF0] =	vst v10;
	s10 =	smov.u32 s9  }
0x13f: {  	v6 =	vld [tilespmem:s9+$0xFFFFFF20]  }
0x140: {  	v10 =	vld [tilespmem:s9+$0xFFFFFF30]  }
0x141: {  	v11 =	vld [tilespmem:s9+$0xFFFFFF40];
	v8 =	vmul.f32 v8, v3  }
0x142: {  	v9 =	vmul.f32 v9, v7;
	v12 =	vld [tilespmem:s9+$0xFFFFFF50]  }
0x143: {  	v4 =	vmul.f32 v4, v7;
	v13 =	vld [tilespmem:s9+$0xFFFFFF60];
	[tilespmem:s9+$0x70] =	vst v8  }
0x144: {  	[tilespmem:s9+$0xFFFFFF00] =	vst v9;
	v6 =	vmul.f32 v6, v7;
	v8 =	vld [tilespmem:s9+$0xFFFFFF70]  }
0x145: {  	[tilespmem:s9+$0xFFFFFF10] =	vst v4;
	v4 =	vmul.f32 v10, v7;
	v9 =	vld [tilespmem:s9+$0xFFFFFF80]  }
0x146: {  	[tilespmem:s9+$0xFFFFFF20] =	vst v6;
	v6 =	vmul.f32 v11, v7;
	v10 =	vld [tilespmem:s9+$0xFFFFFF90]  }
0x147: {  	[tilespmem:s9+$0xFFFFFF30] =	vst v4;
	v4 =	vmul.f32 v12, v7;
	v11 =	vld [tilespmem:s9+$0xFFFFFFA0]  }
0x148: {  	[tilespmem:s9+$0xFFFFFF40] =	vst v6;
	v6 =	vmul.f32 v13, v7;
	v12 =	vld [tilespmem:s9+$0xFFFFFFB0]  }
0x149: {  	[tilespmem:s9+$0xFFFFFF50] =	vst v4;
	v4 =	vmul.f32 v8, v7;
	v7 =	vld [tilespmem:s9+$0xFFFFFFC0]  }
0x14a: {  	[tilespmem:s9+$0xFFFFFF60] =	vst v6;
	v6 =	vmul.f32 v9, v5;
	v8 =	vld [tilespmem:s9+$0xFFFFFFD0]  }
0x14b: {  	[tilespmem:s9+$0xFFFFFF70] =	vst v4;
	v4 =	vmul.f32 v10, v5;
	v9 =	vld [tilespmem:s9+$0xFFFFFFE0]  }
0x14c: {  	[tilespmem:s9+$0xFFFFFF80] =	vst v6;
	v6 =	vmul.f32 v11, v5;
	v10 =	vld [tilespmem:s9+$0xFFFFFFF0]  }
0x14d: {  	[tilespmem:s9+$0xFFFFFF90] =	vst v4;
	v4 =	vmul.f32 v12, v5;
	v11 =	vld [tilespmem:s9+$0x0]  }
0x14e: {  	[tilespmem:s9+$0xFFFFFFA0] =	vst v6;
	v6 =	vmul.f32 v7, v5;
	v7 =	vld [tilespmem:s9+$0x10]  }
0x14f: {  	[tilespmem:s9+$0xFFFFFFB0] =	vst v4;
	v4 =	vmul.f32 v8, v5;
	v8 =	vld [tilespmem:s9+$0x20]  }
0x150: {  	[tilespmem:s9+$0xFFFFFFC0] =	vst v6;
	v6 =	vmul.f32 v9, v5;
	v12 =	vld [tilespmem:s9+$0x30]  }
0x151: {  	[tilespmem:s9+$0xFFFFFFD0] =	vst v4;
	v4 =	vmul.f32 v10, v5;
	v10 =	vld [tilespmem:s9+$0x40]  }
.Ltmp3:
0x152: {  	[tilespmem:s9+$0xFFFFFFE0] =	vst v6;
	v6 =	vmul.f32 v11, v3;
	v5 =	vld [tilespmem:s9+$0x50];
	(pc) =	sbr.rel @p0 .LBB2_9-.Ltmp3, $4  }
0x153: {  	[tilespmem:s9+$0xFFFFFFF0] =	vst v4;
	v7 =	vmul.f32 v7, v3;
	v4 =	vld [tilespmem:s9+$0x60]  }
0x154: {  	s12 =	sadd.s32 $0x3, s11;
	v11 =	vmov s11;
	[tilespmem:s9+$0x0] =	vst v6;
	v14 =	vmul.f32 v8, v3;
	v9 =	vld [tilespmem:s9+$0x80]  }
0x155: {  	s13 =	sadd.s32 $0x1, s11;
	v13 =	vand.u32 $0xFFFFFFFC, v11;
	v6 =	vmov s12;
	[tilespmem:s9+$0x10] =	vst v7;
	v11 =	vmul.f32 v12, v3;
	v8 =	vld [tilespmem:s9+$0x90]  }
0x156: {  	s12 =	sadd.s32 $0x2, s11;
	s11 =	sadd.s32 $0x4, s11;
	v7 =	vbroadcast v13, $0x0;
	v13 =	vmov s13;
	[tilespmem:s9+$0x20] =	vst v14;
	v12 =	vmul.f32 v10, v3;
	v10 =	vld [tilespmem:s9+$0xA0]  }
0x157: {  	v14 =	vld [tilespmem:s9+$0xB0]  }
0x158: {  	v16 =	vld [tilespmem:s9+$0xC0]  }
0x159: {  	v17 =	vld [tilespmem:s9+$0xD0]  }
0x15a: {  	v18 =	vld [tilespmem:s9+$0xE0]  }
0x15b: {  	v24 =	vld [tilespmem:s9+$0xF0];
	[tilespmem:s9+$0x30] =	vst v11;
	v5 =	vmul.f32 v5, v3  }
0x15c: {  	v6 =	vld.idx.msk [tilespmem:v6+s28+$0x0], $0xffff;
	[tilespmem:s9+$0x40] =	vst v12;
	v3 =	vmul.f32 v4, v3  }
0x15d: {  	s11 =	sadd.s32 $0x200, s9;
	v25 =	vld.idx.msk [tilespmem:v7+s28+$0x0], $0xffff;
	v9 =	vmul.f32 v9, v2;
	[tilespmem:s9+$0x50] =	vst v5  }
0x15e: {  	v30 =	vld [tilespmem:s11+$0x70];
	v26 =	vmul.f32 v8, v2;
	[tilespmem:s9+$0x60] =	vst v3  }
0x15f: {  	v31 =	vld [tilespmem:s11+$0xFFFFFF00];
	[tilespmem:s9+$0x80] =	vst v9;
	v3 =	vmul.f32 v10, v2  }
0x160: {  	v15 =	vmov s12;
	v33 =	vld [tilespmem:s11+$0xFFFFFF10];
	[tilespmem:s9+$0x90] =	vst v26;
	v29 =	vmul.f32 v14, v2  }
0x161: {  	v15 =	vand.u32 $0xFFFFFFFE, v15;
	v34 =	vld [tilespmem:s11+$0xFFFFFF20];
	[tilespmem:s9+$0xA0] =	vst v3;
	v3 =	vmul.f32 v16, v2  }
0x162: {  	v13 =	vand.u32 $0xFFFFFFFD, v13;
	v35 =	vld [tilespmem:s11+$0xFFFFFF30];
	v15 =	vbroadcast v15, $0x0;
	v32 =	vmul.f32 v17, v2;
	[tilespmem:s9+$0xB0] =	vst v29  }
0x163: {  	v13 =	vbroadcast v13, $0x0;
	v37 =	vld [tilespmem:s11+$0xFFFFFF50];
	[tilespmem:s10+$0xC0] =	vst v3;
	v3 =	vmul.f32 v18, v2  }
0x164: {  	v39 =	vld [tilespmem:s11+$0xFFFFFF60];
	[tilespmem:s10+$0xD0] =	vst v32;
	v2 =	vmul.f32 v24, v2  }
0x165: {  	v38 =	vmul.f32 v33, v25;
	[tilespmem:s10+$0xE0] =	vst v3;
	v3 =	vld [tilespmem:s11+$0xFFFFFF40]  }
0x166: {  	v40 =	vld [tilespmem:s11+$0xFFFFFF70];
	[tilespmem:s10+$0xF0] =	vst v2;
	v2 =	vmul.f32 v31, v25  }
0x167: {  	v41 =	vld [tilespmem:s11+$0xFFFFFF80];
	v5 =	vmul.f32 v35, v25;
	[tilespmem:s11+$0xFFFFFF10] =	vst v38  }
0x168: {  	v28 =	vld.idx.msk [tilespmem:v15+s28+$0x0], $0xffff;
	[tilespmem:s11+$0xFFFFFF00] =	vst v2;
	v2 =	vmul.f32 v34, v25  }
0x169: {  	v42 =	vmul.f32 v37, v25;
	v27 =	vld.idx.msk [tilespmem:v13+s28+$0x0], $0xffff;
	[tilespmem:s11+$0xFFFFFF30] =	vst v5  }
0x16a: {  	[tilespmem:s11+$0xFFFFFF20] =	vst v2;
	v2 =	vmul.f32 v3, v25;
	v3 =	vld [tilespmem:s11+$0xFFFFFF90]  }
0x16b: {  	v43 =	vld [tilespmem:s11+$0xFFFFFFA0];
	v4 =	vmul.f32 v40, v25;
	[tilespmem:s11+$0xFFFFFF50] =	vst v42  }
0x16c: {  	v44 =	vld [tilespmem:s11+$0xFFFFFFB0];
	[tilespmem:s11+$0xFFFFFF40] =	vst v2;
	v2 =	vmul.f32 v39, v25  }
0x16d: {  	v45 =	vld [tilespmem:s11+$0xFFFFFFC0];
	[tilespmem:s11+$0xFFFFFF70] =	vst v4;
	v36 =	vmul.f32 v30, v28  }
0x16e: {  	v46 =	vld [tilespmem:s11+$0xFFFFFFD0];
	[tilespmem:s11+$0xFFFFFF60] =	vst v2;
	v2 =	vmul.f32 v41, v27  }
0x16f: {  	v47 =	vld [tilespmem:s11+$0xFFFFFFE0];
	[tilespmem:s11+$0x70] =	vst v36;
	v3 =	vmul.f32 v3, v27  }
0x170: {  	v48 =	vld [tilespmem:s11+$0xFFFFFFF0];
	[tilespmem:s11+$0xFFFFFF80] =	vst v2;
	v2 =	vmul.f32 v43, v27  }
0x171: {  	v49 =	vld [tilespmem:s11+$0x0];
	[tilespmem:s11+$0xFFFFFF90] =	vst v3;
	v3 =	vmul.f32 v44, v27  }
0x172: {  	v50 =	vld [tilespmem:s11+$0x10];
	[tilespmem:s11+$0xFFFFFFA0] =	vst v2;
	v2 =	vmul.f32 v45, v27  }
0x173: {  	v51 =	vld [tilespmem:s11+$0x20];
	[tilespmem:s11+$0xFFFFFFB0] =	vst v3;
	v3 =	vmul.f32 v46, v27  }
0x174: {  	v52 =	vld [tilespmem:s11+$0x30];
	[tilespmem:s11+$0xFFFFFFC0] =	vst v2;
	v2 =	vmul.f32 v47, v27  }
0x175: {  	v53 =	vld [tilespmem:s11+$0x40];
	[tilespmem:s11+$0xFFFFFFD0] =	vst v3;
	v3 =	vmul.f32 v48, v27  }
0x176: {  	v54 =	vld [tilespmem:s11+$0x50];
	[tilespmem:s11+$0xFFFFFFE0] =	vst v2;
	v2 =	vmul.f32 v49, v28  }
0x177: {  	v55 =	vld [tilespmem:s11+$0x60];
	[tilespmem:s11+$0xFFFFFFF0] =	vst v3;
	v3 =	vmul.f32 v50, v28  }
0x178: {  	v56 =	vld [tilespmem:s11+$0x80];
	[tilespmem:s11+$0x0] =	vst v2;
	v2 =	vmul.f32 v51, v28  }
0x179: {  	v57 =	vld [tilespmem:s11+$0x90];
	[tilespmem:s11+$0x10] =	vst v3;
	v3 =	vmul.f32 v52, v28  }
0x17a: {  	v58 =	vld [tilespmem:s11+$0xA0];
	[tilespmem:s11+$0x20] =	vst v2;
	v2 =	vmul.f32 v53, v28  }
0x17b: {  	v59 =	vld [tilespmem:s11+$0xB0];
	[tilespmem:s11+$0x30] =	vst v3;
	v3 =	vmul.f32 v54, v28  }
0x17c: {  	v60 =	vld [tilespmem:s11+$0xC0];
	[tilespmem:s11+$0x40] =	vst v2;
	v2 =	vmul.f32 v55, v28  }
0x17d: {  	v61 =	vld [tilespmem:s11+$0xD0];
	[tilespmem:s11+$0x50] =	vst v3;
	v3 =	vmul.f32 v56, v6  }
0x17e: {  	v62 =	vld [tilespmem:s11+$0xE0];
	[tilespmem:s11+$0x60] =	vst v2;
	v2 =	vmul.f32 v57, v6  }
0x17f: {  	v63 =	vld [tilespmem:s11+$0xF0];
	[tilespmem:s11+$0x80] =	vst v3;
	v3 =	vmul.f32 v58, v6  }
0x180: {  	[tilespmem:s11+$0x90] =	vst v2;
	v2 =	vmul.f32 v59, v6  }
0x181: {  	[tilespmem:s11+$0xA0] =	vst v3;
	v3 =	vmul.f32 v60, v6  }
0x182: {  	[tilespmem:s11+$0xB0] =	vst v2;
	v2 =	vmul.f32 v61, v6  }
0x183: {  	[tilespmem:s11+$0xC0] =	vst v3;
	v3 =	vmul.f32 v62, v6  }
0x184: {  	[tilespmem:s11+$0xD0] =	vst v2;
	v2 =	vmul.f32 v63, v6  }
0x185: {  	s3 =	sadd.s32 $0x3, s3;
	[tilespmem:s11+$0xE0] =	vst v3  }
0x186: {  	s0 =	sadd.s32 $0x1, s0;
	s13 =	sshll.u32 s3, $0x5;
	[tilespmem:s11+$0xF0] =	vst v2  }
0x187: {  	[spmem:s2] =	stream.indirect.scatter.add.f32 [tilespmem:s25], [sflag:$0x5], $0x80, s21, s15, $0xb8;
	[tilespmem:$0x1C400] =	vst v63  }
0x188: {  	s3 =	sshll.u32 s3, $0x4;
	p0 =	sne.s32 s0, $0x27;
	_ =	swait.ge [sflag:s18], $0x4000  }
.Ltmp4:
0x189: {  	s9 =	sand.u32 $0x1FFFFFE0, s13;
	[sflag:s18] =	ssyncset.done $0x0;
	(pc) =	sbr.rel @p0 .LBB2_6-.Ltmp4, $4  }
0x18a: {  	s3 =	sand.u32 $0xFFFFFF0, s3;
	s9 =	sadd.s32 s5, s9;
	[sflag:s18] =	ssyncadd.s32 $0xFFFFC000  }
0x18b: {  	[tilespmem:s21], [sflag:$0x2] =	stream.linear.gather [hbm4b:s9+s4], $0x100, $0x38;
	[tilespmem:$0x1C400] =	vst v63  }
0x18c: {  	s3 =	sadd.s32 s6, s3  }
0x18d: {  	[tilespmem:s22], [sflag:$0x2] =	stream.linear.gather [hbm4b:s3+s4], $0x80, $0x38;
	[tilespmem:$0x1C400] =	vst v63  }
0x18e: {  	_ =	swait.ge [sflag:s26], $0x4000  }
0x18f: {  	[sflag:s26] =	ssyncset.done $0x0  }
0x190: {  	[sflag:s26] =	ssyncadd.s32 $0xFFFFC000  }
0x191: {  	v2 =	vld [tilespmem:$0x200]  }
0x192: {  	v3 =	vld [tilespmem:$0x210];
	_ =	sdelay $0x2  }
0x193: {  	v4 =	vld [tilespmem:$0x220]  }
0x194: {  	v5 =	vld [tilespmem:$0x230];
	v2 =	vmul.f32 v2, v2  }
0x195: {  	v6 =	vld [tilespmem:$0x240];
	v3 =	vmul.f32 v3, v3  }
0x196: {  	v7 =	vld [tilespmem:$0x250];
	v2 =	vsub.f32 $0.0e+00, v2  }
0x197: {  	v8 =	vld [tilespmem:$0x260];
	v3 =	vsub.f32 $0.0e+00, v3  }
0x198: {  	v9 =	vld [tilespmem:$0x270];
	v4 =	vmul.f32 v4, v4;
	v2 =	vmul.f32 $1.442695020e+00, v2  }
0x199: {  	v5 =	vmul.f32 v5, v5;
	v3 =	vmul.f32 $1.442695020e+00, v3  }
0x19a: {  	(erf) = vpow2.f32 v2;
	v2 =	vsub.f32 $0.0e+00, v4;
	v4 =	vmul.f32 v6, v6  }
0x19b: {  	(erf) = vpow2.f32 v3;
	v3 =	vsub.f32 $0.0e+00, v5;
	v5 =	vmul.f32 v7, v7  }
0x19c: {  	v6 =	vmul.f32 v8, v8;
	v2 =	vmul.f32 $1.442695020e+00, v2;
	v4 =	vsub.f32 $0.0e+00, v4  }
0x19d: {  	v7 =	vmul.f32 v9, v9;
	v3 =	vmul.f32 $1.442695020e+00, v3;
	v5 =	vsub.f32 $0.0e+00, v5  }
0x19e: {  	(erf) = vpow2.f32 v2;
	v2 =	vmul.f32 $1.442695020e+00, v4;
	v4 =	vsub.f32 $0.0e+00, v6  }
0x19f: {  	(erf) = vpow2.f32 v3;
	v3 =	vmul.f32 $1.442695020e+00, v5;
	v5 =	vsub.f32 $0.0e+00, v7  }
0x1a0: {  	(erf) = vpow2.f32 v2;
	v2 =	vmul.f32 $1.442695020e+00, v4  }
0x1a1: {  	(erf) = vpow2.f32 v3;
	v3 =	vmul.f32 $1.442695020e+00, v5  }
0x1a2: {  	(erf) = vpow2.f32 v2  }
0x1a3: {  	(erf) = vpow2.f32 v3;
	_ =	sdelay $0x1  }
0x1a4: {  	s0 =	simm.s32 $0x0;
	v2 =	vpop (erf)  }
0x1a5: {  	s11 =	simm.s32 $0x2;
	v3 =	vpop (erf);
	[tilespmem:$0x380] =	vst v2;
	v2 =	vmov s0  }
0x1a6: {  	[tilespmem:$0x390] =	vst v3;
	v2 =	vand.u32 $0xFFFFFFFC, v2;
	v3 =	vmov s11;
	v4 =	vpop (erf)  }
0x1a7: {  	v2 =	vbroadcast v2, $0x0;
	v3 =	vand.u32 $0xFFFFFFFE, v3;
	v5 =	vpop (erf);
	[tilespmem:$0x3A0] =	vst v4  }
0x1a8: {  	v3 =	vbroadcast v3, $0x0;
	v4 =	vpop (erf);
	[tilespmem:$0x3B0] =	vst v5  }
0x1a9: {  	v5 =	vpop (erf);
	[tilespmem:$0x3C0] =	vst v4  }
0x1aa: {  	v4 =	vpop (erf);
	[tilespmem:$0x3D0] =	vst v5  }
0x1ab: {  	[tilespmem:$0x3E0] =	vst v4;
	v4 =	vpop (erf)  }
0x1ac: {  	[tilespmem:$0x3F0] =	vst v4  }
0x1ad: {  	v2 =	vld.idx.msk [tilespmem:v2+s28+$0x0], $0xffff  }
0x1ae: {  	s0 =	simm.s32 $0x500;
	v3 =	vld.idx.msk [tilespmem:v3+s28+$0x0], $0xffff  }
0x1af: {  	s3 =	simm.s32 $0x1;
	v5 =	vld [tilespmem:s0+$0x70]  }
0x1b0: {  	v4 =	vmov s3;
	v6 =	vld [tilespmem:s0+$0xFFFFFF00]  }
0x1b1: {  	v4 =	vand.u32 $0xFFFFFFFD, v4;
	v7 =	vld [tilespmem:s0+$0xFFFFFF10]  }
0x1b2: {  	v8 =	vld [tilespmem:s0+$0xFFFFFF20];
	v4 =	vbroadcast v4, $0x0  }
0x1b3: {  	v9 =	vld [tilespmem:s0+$0xFFFFFF30]  }
0x1b4: {  	v10 =	vld [tilespmem:s0+$0xFFFFFF40]  }
0x1b5: {  	v11 =	vld [tilespmem:s0+$0xFFFFFF50]  }
0x1b6: {  	v12 =	vld [tilespmem:s0+$0xFFFFFF60];
	v6 =	vmul.f32 v6, v2  }
0x1b7: {  	v14 =	vld [tilespmem:s0+$0x40];
	v5 =	vmul.f32 v5, v3  }
0x1b8: {  	v4 =	vld.idx.msk [tilespmem:v4+s28+$0x0], $0xffff;
	[tilespmem:s0+$0xFFFFFF00] =	vst v6;
	v6 =	vmul.f32 v7, v2  }
0x1b9: {  	v7 =	vld [tilespmem:s0+$0xFFFFFF70];
	[tilespmem:s0+$0x70] =	vst v5;
	v5 =	vmul.f32 v8, v2  }
0x1ba: {  	v8 =	vld [tilespmem:s0+$0xFFFFFF80];
	[tilespmem:s0+$0xFFFFFF10] =	vst v6;
	v6 =	vmul.f32 v9, v2  }
0x1bb: {  	v9 =	vld [tilespmem:s0+$0xFFFFFF90];
	[tilespmem:s0+$0xFFFFFF20] =	vst v5;
	v5 =	vmul.f32 v10, v2  }
0x1bc: {  	v10 =	vld [tilespmem:s0+$0xFFFFFFA0];
	[tilespmem:s0+$0xFFFFFF30] =	vst v6;
	v6 =	vmul.f32 v11, v2  }
0x1bd: {  	v11 =	vld [tilespmem:s0+$0xFFFFFFB0];
	[tilespmem:s0+$0xFFFFFF40] =	vst v5;
	v5 =	vmul.f32 v12, v2  }
0x1be: {  	v12 =	vld [tilespmem:s0+$0xFFFFFFC0];
	v7 =	vmul.f32 v7, v2;
	[tilespmem:s0+$0xFFFFFF50] =	vst v6  }
0x1bf: {  	v6 =	vmul.f32 v8, v4;
	v8 =	vld [tilespmem:s0+$0xFFFFFFD0];
	[tilespmem:s0+$0xFFFFFF60] =	vst v5  }
0x1c0: {  	s12 =	simm.s32 $0x3;
	v5 =	vld [tilespmem:s0+$0xFFFFFFE0];
	v9 =	vmul.f32 v9, v4;
	[tilespmem:s0+$0xFFFFFF70] =	vst v7  }
0x1c1: {  	v13 =	vmov s12;
	v7 =	vld [tilespmem:s0+$0xFFFFFFF0];
	[tilespmem:s0+$0xFFFFFF80] =	vst v6;
	v6 =	vmul.f32 v10, v4  }
0x1c2: {  	v10 =	vld [tilespmem:s0+$0x0];
	[tilespmem:s0+$0xFFFFFF90] =	vst v9;
	v9 =	vmul.f32 v11, v4  }
0x1c3: {  	v11 =	vld [tilespmem:s0+$0x10];
	[tilespmem:s0+$0xFFFFFFA0] =	vst v6;
	v6 =	vmul.f32 v12, v4  }
0x1c4: {  	[tilespmem:s0+$0xFFFFFFB0] =	vst v9;
	v8 =	vmul.f32 v8, v4;
	v9 =	vld [tilespmem:s0+$0x20]  }
0x1c5: {  	v12 =	vld [tilespmem:s0+$0x30];
	v5 =	vmul.f32 v5, v4;
	[tilespmem:s0+$0xFFFFFFC0] =	vst v6  }
0x1c6: {  	v2 =	vld.idx.msk [tilespmem:v13+s28+$0x0], $0xffff;
	v4 =	vmul.f32 v7, v4;
	[tilespmem:s0+$0xFFFFFFD0] =	vst v8  }
0x1c7: {  	[tilespmem:s0+$0xFFFFFFE0] =	vst v5;
	v6 =	vmul.f32 v10, v3;
	v5 =	vld [tilespmem:s0+$0x50]  }
0x1c8: {  	s13 =	simm.s32 $0x4;
	[tilespmem:s0+$0xFFFFFFF0] =	vst v4;
	v7 =	vmul.f32 v11, v3;
	v4 =	vld [tilespmem:s0+$0x60]  }
0x1c9: {  	s31 =	simm.s32 $0x7;
	v8 =	vmov s13;
	[tilespmem:s0+$0x0] =	vst v6;
	v10 =	vmul.f32 v9, v3;
	v9 =	vld [tilespmem:s0+$0x80]  }
0x1ca: {  	s9 =	simm.s32 $0x5;
	v13 =	vand.u32 $0xFFFFFFFC, v8;
	v8 =	vld [tilespmem:s0+$0x90];
	v6 =	vmov s31;
	v11 =	vmul.f32 v12, v3;
	[tilespmem:s0+$0x10] =	vst v7  }
0x1cb: {  	s10 =	simm.s32 $0x6;
	s3 =	simm.s32 $0x500;
	v12 =	vmul.f32 v14, v3;
	v7 =	vbroadcast v13, $0x0;
	v13 =	vmov s9;
	s9 =	simm.s32 $0x8;
	[tilespmem:s0+$0x20] =	vst v10;
	v10 =	vld [tilespmem:s0+$0xA0]  }
.LBB2_12:
0x1cc: {  	p0 =	slt.u32 s9, $0x7C;
	v13 =	vand.u32 $0xFFFFFFFD, v13;
	v14 =	vmov s10;
	[tilespmem:s0+$0x30] =	vst v11;
	v5 =	vmul.f32 v5, v3;
	v11 =	vld [tilespmem:s0+$0xB0]  }
0x1cd: {  	v13 =	vbroadcast v13, $0x0;
	v14 =	vand.u32 $0xFFFFFFFE, v14;
	[tilespmem:s0+$0x40] =	vst v12;
	v3 =	vmul.f32 v4, v3;
	v4 =	vld [tilespmem:s0+$0xC0]  }
0x1ce: {  	v12 =	vbroadcast v14, $0x0;
	[tilespmem:s0+$0x50] =	vst v5;
	v5 =	vmul.f32 v9, v2;
	v9 =	vld [tilespmem:s0+$0xD0]  }
0x1cf: {  	[tilespmem:s0+$0x60] =	vst v3;
	v3 =	vmul.f32 v8, v2;
	v8 =	vld [tilespmem:s0+$0xE0]  }
0x1d0: {  	[tilespmem:s0+$0x80] =	vst v5;
	v5 =	vmul.f32 v10, v2;
	v10 =	vld [tilespmem:s0+$0xF0]  }
0x1d1: {  	v6 =	vld.idx.msk [tilespmem:v6+s28+$0x0], $0xffff;
	[tilespmem:s0+$0x90] =	vst v3;
	v3 =	vmul.f32 v11, v2  }
0x1d2: {  	v7 =	vld.idx.msk [tilespmem:v7+s28+$0x0], $0xffff;
	[tilespmem:s0+$0xA0] =	vst v5;
	v4 =	vmul.f32 v4, v2  }
0x1d3: {  	v5 =	vld.idx.msk [tilespmem:v13+s28+$0x0], $0xffff;
	[tilespmem:s0+$0xB0] =	vst v3;
	v9 =	vmul.f32 v9, v2  }
0x1d4: {  	s0 =	sadd.s32 $0x200, s0;
	v3 =	vld.idx.msk [tilespmem:v12+s28+$0x0], $0xffff;
	[tilespmem:s3+$0xC0] =	vst v4;
	v4 =	vmul.f32 v8, v2  }
0x1d5: {  	v8 =	vld [tilespmem:s0+$0x70];
	[tilespmem:s3+$0xD0] =	vst v9;
	v10 =	vmul.f32 v10, v2  }
0x1d6: {  	v9 =	vld [tilespmem:s0+$0xFFFFFF00];
	[tilespmem:s3+$0xE0] =	vst v4  }
0x1d7: {  	v2 =	vmov v6;
	v4 =	vld [tilespmem:s0+$0xFFFFFF10];
	[tilespmem:s3+$0xF0] =	vst v10;
	s3 =	smov.u32 s0  }
0x1d8: {  	v6 =	vld [tilespmem:s0+$0xFFFFFF20]  }
0x1d9: {  	v10 =	vld [tilespmem:s0+$0xFFFFFF30]  }
0x1da: {  	v11 =	vld [tilespmem:s0+$0xFFFFFF40];
	v8 =	vmul.f32 v8, v3  }
0x1db: {  	v9 =	vmul.f32 v9, v7;
	v12 =	vld [tilespmem:s0+$0xFFFFFF50]  }
0x1dc: {  	v4 =	vmul.f32 v4, v7;
	v13 =	vld [tilespmem:s0+$0xFFFFFF60];
	[tilespmem:s0+$0x70] =	vst v8  }
0x1dd: {  	[tilespmem:s0+$0xFFFFFF00] =	vst v9;
	v6 =	vmul.f32 v6, v7;
	v8 =	vld [tilespmem:s0+$0xFFFFFF70]  }
0x1de: {  	[tilespmem:s0+$0xFFFFFF10] =	vst v4;
	v4 =	vmul.f32 v10, v7;
	v9 =	vld [tilespmem:s0+$0xFFFFFF80]  }
0x1df: {  	[tilespmem:s0+$0xFFFFFF20] =	vst v6;
	v6 =	vmul.f32 v11, v7;
	v10 =	vld [tilespmem:s0+$0xFFFFFF90]  }
0x1e0: {  	[tilespmem:s0+$0xFFFFFF30] =	vst v4;
	v4 =	vmul.f32 v12, v7;
	v11 =	vld [tilespmem:s0+$0xFFFFFFA0]  }
0x1e1: {  	[tilespmem:s0+$0xFFFFFF40] =	vst v6;
	v6 =	vmul.f32 v13, v7;
	v12 =	vld [tilespmem:s0+$0xFFFFFFB0]  }
0x1e2: {  	[tilespmem:s0+$0xFFFFFF50] =	vst v4;
	v4 =	vmul.f32 v8, v7;
	v7 =	vld [tilespmem:s0+$0xFFFFFFC0]  }
0x1e3: {  	[tilespmem:s0+$0xFFFFFF60] =	vst v6;
	v6 =	vmul.f32 v9, v5;
	v8 =	vld [tilespmem:s0+$0xFFFFFFD0]  }
0x1e4: {  	[tilespmem:s0+$0xFFFFFF70] =	vst v4;
	v4 =	vmul.f32 v10, v5;
	v9 =	vld [tilespmem:s0+$0xFFFFFFE0]  }
0x1e5: {  	[tilespmem:s0+$0xFFFFFF80] =	vst v6;
	v6 =	vmul.f32 v11, v5;
	v10 =	vld [tilespmem:s0+$0xFFFFFFF0]  }
0x1e6: {  	[tilespmem:s0+$0xFFFFFF90] =	vst v4;
	v4 =	vmul.f32 v12, v5;
	v11 =	vld [tilespmem:s0+$0x0]  }
0x1e7: {  	[tilespmem:s0+$0xFFFFFFA0] =	vst v6;
	v6 =	vmul.f32 v7, v5;
	v7 =	vld [tilespmem:s0+$0x10]  }
0x1e8: {  	[tilespmem:s0+$0xFFFFFFB0] =	vst v4;
	v4 =	vmul.f32 v8, v5;
	v8 =	vld [tilespmem:s0+$0x20]  }
0x1e9: {  	[tilespmem:s0+$0xFFFFFFC0] =	vst v6;
	v6 =	vmul.f32 v9, v5;
	v12 =	vld [tilespmem:s0+$0x30]  }
0x1ea: {  	[tilespmem:s0+$0xFFFFFFD0] =	vst v4;
	v4 =	vmul.f32 v10, v5;
	v10 =	vld [tilespmem:s0+$0x40]  }
.Ltmp5:
0x1eb: {  	[tilespmem:s0+$0xFFFFFFE0] =	vst v6;
	v6 =	vmul.f32 v11, v3;
	v5 =	vld [tilespmem:s0+$0x50];
	(pc) =	sbr.rel @p0 .LBB2_12-.Ltmp5, $4  }
0x1ec: {  	[tilespmem:s0+$0xFFFFFFF0] =	vst v4;
	v7 =	vmul.f32 v7, v3;
	v4 =	vld [tilespmem:s0+$0x60]  }
0x1ed: {  	s10 =	sadd.s32 $0x3, s9;
	v11 =	vmov s9;
	[tilespmem:s0+$0x0] =	vst v6;
	v14 =	vmul.f32 v8, v3;
	v9 =	vld [tilespmem:s0+$0x80]  }
0x1ee: {  	s11 =	sadd.s32 $0x1, s9;
	v13 =	vand.u32 $0xFFFFFFFC, v11;
	v6 =	vmov s10;
	[tilespmem:s0+$0x10] =	vst v7;
	v11 =	vmul.f32 v12, v3;
	v8 =	vld [tilespmem:s0+$0x90]  }
0x1ef: {  	s10 =	sadd.s32 $0x2, s9;
	s9 =	sadd.s32 $0x4, s9;
	v7 =	vbroadcast v13, $0x0;
	v13 =	vmov s11;
	[tilespmem:s0+$0x20] =	vst v14;
	v12 =	vmul.f32 v10, v3;
	v10 =	vld [tilespmem:s0+$0xA0]  }
0x1f0: {  	v14 =	vld [tilespmem:s0+$0xB0]  }
0x1f1: {  	v16 =	vld [tilespmem:s0+$0xC0]  }
0x1f2: {  	v17 =	vld [tilespmem:s0+$0xD0]  }
0x1f3: {  	v18 =	vld [tilespmem:s0+$0xE0]  }
0x1f4: {  	v24 =	vld [tilespmem:s0+$0xF0];
	[tilespmem:s0+$0x30] =	vst v11;
	v5 =	vmul.f32 v5, v3  }
0x1f5: {  	v6 =	vld.idx.msk [tilespmem:v6+s28+$0x0], $0xffff;
	[tilespmem:s0+$0x40] =	vst v12;
	v3 =	vmul.f32 v4, v3  }
0x1f6: {  	s9 =	sadd.s32 $0x200, s0;
	v25 =	vld.idx.msk [tilespmem:v7+s28+$0x0], $0xffff;
	v9 =	vmul.f32 v9, v2;
	[tilespmem:s0+$0x50] =	vst v5  }
0x1f7: {  	v30 =	vld [tilespmem:s9+$0x70];
	v26 =	vmul.f32 v8, v2;
	[tilespmem:s0+$0x60] =	vst v3  }
0x1f8: {  	v31 =	vld [tilespmem:s9+$0xFFFFFF00];
	[tilespmem:s0+$0x80] =	vst v9;
	v3 =	vmul.f32 v10, v2  }
0x1f9: {  	v15 =	vmov s10;
	v33 =	vld [tilespmem:s9+$0xFFFFFF10];
	[tilespmem:s0+$0x90] =	vst v26;
	v29 =	vmul.f32 v14, v2  }
0x1fa: {  	v15 =	vand.u32 $0xFFFFFFFE, v15;
	v34 =	vld [tilespmem:s9+$0xFFFFFF20];
	[tilespmem:s0+$0xA0] =	vst v3;
	v3 =	vmul.f32 v16, v2  }
0x1fb: {  	v13 =	vand.u32 $0xFFFFFFFD, v13;
	v35 =	vld [tilespmem:s9+$0xFFFFFF30];
	v15 =	vbroadcast v15, $0x0;
	v32 =	vmul.f32 v17, v2;
	[tilespmem:s0+$0xB0] =	vst v29  }
0x1fc: {  	v13 =	vbroadcast v13, $0x0;
	v37 =	vld [tilespmem:s9+$0xFFFFFF50];
	[tilespmem:s3+$0xC0] =	vst v3;
	v3 =	vmul.f32 v18, v2  }
0x1fd: {  	v39 =	vld [tilespmem:s9+$0xFFFFFF60];
	[tilespmem:s3+$0xD0] =	vst v32;
	v2 =	vmul.f32 v24, v2  }
0x1fe: {  	v38 =	vmul.f32 v33, v25;
	[tilespmem:s3+$0xE0] =	vst v3;
	v3 =	vld [tilespmem:s9+$0xFFFFFF40]  }
0x1ff: {  	v40 =	vld [tilespmem:s9+$0xFFFFFF70];
	[tilespmem:s3+$0xF0] =	vst v2;
	v2 =	vmul.f32 v31, v25  }
0x200: {  	v41 =	vld [tilespmem:s9+$0xFFFFFF80];
	v5 =	vmul.f32 v35, v25;
	[tilespmem:s9+$0xFFFFFF10] =	vst v38  }
0x201: {  	v28 =	vld.idx.msk [tilespmem:v15+s28+$0x0], $0xffff;
	[tilespmem:s9+$0xFFFFFF00] =	vst v2;
	v2 =	vmul.f32 v34, v25  }
0x202: {  	v42 =	vmul.f32 v37, v25;
	v27 =	vld.idx.msk [tilespmem:v13+s28+$0x0], $0xffff;
	[tilespmem:s9+$0xFFFFFF30] =	vst v5  }
0x203: {  	[tilespmem:s9+$0xFFFFFF20] =	vst v2;
	v2 =	vmul.f32 v3, v25;
	v3 =	vld [tilespmem:s9+$0xFFFFFF90]  }
0x204: {  	v43 =	vld [tilespmem:s9+$0xFFFFFFA0];
	v4 =	vmul.f32 v40, v25;
	[tilespmem:s9+$0xFFFFFF50] =	vst v42  }
0x205: {  	v44 =	vld [tilespmem:s9+$0xFFFFFFB0];
	[tilespmem:s9+$0xFFFFFF40] =	vst v2;
	v2 =	vmul.f32 v39, v25  }
0x206: {  	v45 =	vld [tilespmem:s9+$0xFFFFFFC0];
	[tilespmem:s9+$0xFFFFFF70] =	vst v4;
	v36 =	vmul.f32 v30, v28  }
0x207: {  	v46 =	vld [tilespmem:s9+$0xFFFFFFD0];
	[tilespmem:s9+$0xFFFFFF60] =	vst v2;
	v2 =	vmul.f32 v41, v27  }
0x208: {  	v47 =	vld [tilespmem:s9+$0xFFFFFFE0];
	[tilespmem:s9+$0x70] =	vst v36;
	v3 =	vmul.f32 v3, v27  }
0x209: {  	v48 =	vld [tilespmem:s9+$0xFFFFFFF0];
	[tilespmem:s9+$0xFFFFFF80] =	vst v2;
	v2 =	vmul.f32 v43, v27  }
0x20a: {  	v49 =	vld [tilespmem:s9+$0x0];
	[tilespmem:s9+$0xFFFFFF90] =	vst v3;
	v3 =	vmul.f32 v44, v27  }
0x20b: {  	v50 =	vld [tilespmem:s9+$0x10];
	[tilespmem:s9+$0xFFFFFFA0] =	vst v2;
	v2 =	vmul.f32 v45, v27  }
0x20c: {  	v51 =	vld [tilespmem:s9+$0x20];
	[tilespmem:s9+$0xFFFFFFB0] =	vst v3;
	v3 =	vmul.f32 v46, v27  }
0x20d: {  	v52 =	vld [tilespmem:s9+$0x30];
	[tilespmem:s9+$0xFFFFFFC0] =	vst v2;
	v2 =	vmul.f32 v47, v27  }
0x20e: {  	v53 =	vld [tilespmem:s9+$0x40];
	[tilespmem:s9+$0xFFFFFFD0] =	vst v3;
	v3 =	vmul.f32 v48, v27  }
0x20f: {  	v54 =	vld [tilespmem:s9+$0x50];
	[tilespmem:s9+$0xFFFFFFE0] =	vst v2;
	v2 =	vmul.f32 v49, v28  }
0x210: {  	v55 =	vld [tilespmem:s9+$0x60];
	[tilespmem:s9+$0xFFFFFFF0] =	vst v3;
	v3 =	vmul.f32 v50, v28  }
0x211: {  	v56 =	vld [tilespmem:s9+$0x80];
	[tilespmem:s9+$0x0] =	vst v2;
	v2 =	vmul.f32 v51, v28  }
0x212: {  	v57 =	vld [tilespmem:s9+$0x90];
	[tilespmem:s9+$0x10] =	vst v3;
	v3 =	vmul.f32 v52, v28  }
0x213: {  	v58 =	vld [tilespmem:s9+$0xA0];
	[tilespmem:s9+$0x20] =	vst v2;
	v2 =	vmul.f32 v53, v28  }
0x214: {  	v59 =	vld [tilespmem:s9+$0xB0];
	[tilespmem:s9+$0x30] =	vst v3;
	v3 =	vmul.f32 v54, v28  }
0x215: {  	v60 =	vld [tilespmem:s9+$0xC0];
	[tilespmem:s9+$0x40] =	vst v2;
	v2 =	vmul.f32 v55, v28  }
0x216: {  	v61 =	vld [tilespmem:s9+$0xD0];
	[tilespmem:s9+$0x50] =	vst v3;
	v3 =	vmul.f32 v56, v6  }
0x217: {  	v62 =	vld [tilespmem:s9+$0xE0];
	[tilespmem:s9+$0x60] =	vst v2;
	v2 =	vmul.f32 v57, v6  }
0x218: {  	v63 =	vld [tilespmem:s9+$0xF0];
	[tilespmem:s9+$0x80] =	vst v3;
	v3 =	vmul.f32 v58, v6  }
0x219: {  	[tilespmem:s9+$0x90] =	vst v2;
	v2 =	vmul.f32 v59, v6  }
0x21a: {  	[tilespmem:s9+$0xA0] =	vst v3;
	v3 =	vmul.f32 v60, v6  }
0x21b: {  	[tilespmem:s9+$0xB0] =	vst v2;
	v2 =	vmul.f32 v61, v6  }
0x21c: {  	[tilespmem:s9+$0xC0] =	vst v3;
	v3 =	vmul.f32 v62, v6  }
0x21d: {  	[tilespmem:s9+$0xD0] =	vst v2;
	v2 =	vmul.f32 v63, v6  }
0x21e: {  	[tilespmem:s9+$0xE0] =	vst v3  }
0x21f: {  	s3 =	simm.s32 $0x0;
	[tilespmem:s9+$0xF0] =	vst v2  }
0x220: {  	[spmem:s2] =	stream.indirect.scatter.add.f32 [tilespmem:s17], [sflag:$0x5], $0x80, s3, s15, $0xb8;
	[tilespmem:$0x1C400] =	vst v63  }
0x221: {  	_ =	swait.ge [sflag:s18], $0x4000  }
0x222: {  	[sflag:s18] =	ssyncset.done $0x0  }
0x223: {  	[sflag:s18] =	ssyncadd.s32 $0xFFFFC000  }
0x224: {  	_ =	swait.ge [sflag:s23], $0x100  }
0x225: {  	[sflag:s23] =	ssyncset.done $0x0  }
0x226: {  	[sflag:s23] =	ssyncadd.s32 $0xFFFFFF00  }
0x227: {  	_ =	swait.ge [sflag:s23], $0x80  }
0x228: {  	[sflag:s23] =	ssyncset.done $0x0  }
0x229: {  	s0 =	sadd.s32 $0x0, s8;
	[sflag:s23] =	ssyncadd.s32 $0xFFFFFF80  }
0x22a: {  	s11 =	sadd.s32 $0x20, s0;
	v2 =	vor.u32 s0, v1;
	[bflag:$0x0] =	sbarrier.arrive $0xFFFF  }
0x22b: {  	v3 =	vor.u32 s11, v1;
	s9 =	sadd.s32 $0x10, s0;
	[tilespmem:$0x300] =	vst v2  }
0x22c: {  	s13 =	sadd.s32 $0x40, s0;
	v2 =	vor.u32 s9, v1;
	[tilespmem:$0x320] =	vst v3  }
0x22d: {  	s10 =	sadd.s32 $0x70, s0;
	v3 =	vor.u32 s13, v1;
	[tilespmem:$0x310] =	vst v2  }
0x22e: {  	s12 =	sadd.s32 $0x50, s0;
	s31 =	sadd.s32 $0x60, s0;
	s0 =	sadd.s32 $0x30, s0;
	v2 =	vor.u32 s10, v1;
	[tilespmem:$0x340] =	vst v3  }
0x22f: {  	v3 =	vor.u32 s0, v1;
	[tilespmem:$0x370] =	vst v2  }
0x230: {  	v2 =	vor.u32 s12, v1;
	[tilespmem:$0x330] =	vst v3  }
0x231: {  	[tilespmem:$0x350] =	vst v2;
	v2 =	vor.u32 s31, v1  }
0x232: {  	s3 =	smov.u32 s14;
	s9 =	smov.u32 s14;
	s0 =	simm.s32 $0x80;
	[tilespmem:$0x360] =	vst v2  }
0x233: {  	[tilespmem:s17], [sflag:$0x5] =	stream.indirect.gather [spmem:s2], $0x80, s16, s15, $0xb8;
	[tilespmem:$0x1C400] =	vst v63  }
.LBB2_14:
0x234: {  	p0 =	sne.s32 s0, $0x200;
	_ =	swait.ge [sflag:s18], $0x4000;
	s9 =	sadd.s32 $0x800, s9  }
0x235: {  	s10 =	smov.u32 s0;
	s0 =	sadd.s32 $0x80, s0;
	[sflag:s18] =	ssyncset.done $0x0  }
0x236: {  	[sflag:s18] =	ssyncadd.s32 $0xFFFFC000  }
0x237: {  	[hbm4b:s3+s4] =	stream.linear.scatter [tilespmem:s17], [sflag:$0x5], $0x4000, $0x38;
	[tilespmem:$0x1C400] =	vst v63  }
0x238: {  	s3 =	smov.u32 s9;
	_ =	swait.ge [sflag:s18], $0x4000  }
0x239: {  	s10 =	sadd.s32 s10, s8;
	[sflag:s18] =	ssyncset.done $0x0  }
0x23a: {  	v2 =	vor.u32 s10, v1;
	s11 =	sadd.s32 $0x10, s10;
	s12 =	sadd.s32 $0x20, s10;
	[sflag:s18] =	ssyncadd.s32 $0xFFFFC000  }
0x23b: {  	s13 =	sadd.s32 $0x70, s10;
	v3 =	vor.u32 s12, v1;
	s12 =	sadd.s32 $0x50, s10;
	[tilespmem:$0x300] =	vst v2;
	v2 =	vor.u32 s11, v1;
	s11 =	sadd.s32 $0x40, s10  }
0x23c: {  	s31 =	sadd.s32 $0x30, s10;
	v5 =	vor.u32 s13, v1;
	v4 =	vor.u32 s12, v1;
	s10 =	sadd.s32 $0x60, s10;
	[tilespmem:$0x310] =	vst v2;
	v2 =	vor.u32 s11, v1  }
0x23d: {  	v6 =	vor.u32 s31, v1;
	v7 =	vor.u32 s10, v1;
	[tilespmem:$0x370] =	vst v5  }
0x23e: {  	[tilespmem:$0x320] =	vst v3  }
.Ltmp6:
0x23f: {  	[tilespmem:$0x350] =	vst v4;
	(pc) =	sbr.rel @p0 .LBB2_14-.Ltmp6, $4  }
0x240: {  	[tilespmem:$0x340] =	vst v2  }
0x241: {  	[tilespmem:$0x360] =	vst v7  }
0x242: {  	[tilespmem:$0x330] =	vst v6  }
0x243: {  	[tilespmem:s17], [sflag:$0x5] =	stream.indirect.gather [spmem:s2], $0x80, s16, s15, $0xb8;
	[tilespmem:$0x1C400] =	vst v63  }
0x244: {  	_ =	swait.ge [sflag:s18], $0x4000  }
0x245: {  	[sflag:s18] =	ssyncset.done $0x0  }
0x246: {  	[sflag:s18] =	ssyncadd.s32 $0xFFFFC000  }
0x247: {  	[hbm4b:s3+s4] =	stream.linear.scatter [tilespmem:s17], [sflag:$0x5], $0x4000, $0x38;
	[tilespmem:$0x1C400] =	vst v63  }
0x248: {  	_ =	swait.ge [sflag:s18], $0x4000  }
0x249: {  	s30 =	sadd.s32 $0x1, s30;
	s0 =	rddreg [dreg:$0x8]  }
0x24a: {  	p0 =	sne.s32 s30, s0  }
.Ltmp7:
0x24b: {  	_ = 	snop;
	(pc) =	sbr.rel @p0 .LBB2_1-.Ltmp7, $3  }
0x24c: {  	_ =	sdelay $0x1  }
0x24d: {  	[sflag:s18] =	ssyncset.done $0x0  }
0x24e: {  	[sflag:s18] =	ssyncadd.s32 $0xFFFFC000  }
0x24f: {  	_ =	sfence.sel $0x180000  }
0x250: {  	[bflag:$0x0] =	sbarrier.arrive $0xFFFF  }
0x251: {  	_ =	strace $0x9000004A  }
0x252: {  	s0 =	stileid.u32;
	[bflag:$0x2] =	sbarrier.arrive $0xFFFF  }
0x253: {  	p0 =	sne.s32 s0, $0x0;
	s0 =	rddreg [dreg:$0x3]  }
0x254: {  	s0 =	sadd.s32 @!p0 $0x100000, s0  }
0x255: {  	[sflag:s0] =	ssyncadd.tile.s32 @!p0 $0x1;
	_ =	shalt  }
.Lfunc_end2:
_tile_overlayer_lowered:
.L_overlay_start_2:
0x256: {  	(tag) =	ssettag $0x2  }
0x257: {  	s0 =	rddreg [dreg:$0x0];
	s2 =	stileid.u32  }
0x258: {  	s1 =	rddreg [dreg:$0x1];
	p0 =	sne.s32 s2, $0x0  }
0x259: {  	s3 =	rddreg [dreg:$0x2];
	[bflag:$0x3] =	sbarrier.arrive $0xFFFF;
	s2 =	simm.s32 @!p0 $0x1C05  }
0x25a: {  	[timem:s3], [sflag:s2] =	dma.local @!p0 [hbm:s0], s1  }
0x25b: {  	s0 =	simm.s32 @!p0 $0x5  }
0x25c: {  	_ =	swait.ge @!p0 [sflag:s0], s1  }
0x25d: {  	s1 =	ssub.s32 @!p0 $0x0, s1;
	[sflag:s0] =	ssyncset.done @!p0 $0x0  }
0x25e: {  	[sflag:s0] =	ssyncadd.s32 @!p0 s1  }
0x25f: {  	[bflag:$0x3] =	sbarrier.arrive $0xFFFF  }
0x260: {  	_ =	shalt  }

// kernel: kernel.7.cloned.1.call-start
scs
__scs_entry_jumppad:
0x0: {  	(pc) =	sbr.rel $0x88, $3  }
0x1: {  	(tag) =	ssettag $0x0;
	lr =	simm.s32 $0x1  }
0x2: {  	[smem:$0x3F9C] =	sst lr;
	_ =	strace $0xD0000000  }
0x3: {  	_ = 	snop  }
0x4: {  	_ = 	snop  }
0x5: {  	_ = 	snop  }
0x6: {  	_ = 	snop  }
0x7: {  	_ = 	snop  }
__scs_overlays_trampoline_lowered:
0x8: {  	[smem:$0x3FAB] =	sst s0  }
0x9: {  	[smem:$0x3FAC] =	sst s1  }
0xa: {  	[smem:$0x3FAD] =	sst s2  }
0xb: {  	[smem:$0x3FAE] =	sst s3  }
0xc: {  	[smem:$0x3FAF] =	sst s4  }
0xd: {  	[smem:$0x3FB0] =	sst s5  }
0xe: {  	[smem:$0x3FB1] =	sst s6  }
0xf: {  	[smem:$0x3FB2] =	sst s7  }
0x10: {  	[smem:$0x3FB3] =	sst s8  }
0x11: {  	[smem:$0x3FB4] =	sst s9;
	s0 =	simm.s32 @!p0 $0x0  }
0x12: {  	s1 =	sld [smem:$0x3F9A];
	s0 =	simm.s32 @p0 $0x1  }
0x13: {  	[smem:$0x3FB5] =	sst s0;
	s0 =	simm.s32 @!p1 $0x0  }
0x14: {  	s2 =	sld [smem:$0x3F99];
	s0 =	simm.s32 @p1 $0x1  }
0x15: {  	[smem:$0x3FB6] =	sst s0;
	s0 =	simm.s32 @!p2 $0x0  }
0x16: {  	s3 =	sld [smem:$0x3FDB];
	s0 =	simm.s32 @p2 $0x1  }
0x17: {  	s4 =	simm.s32 $0x1BF5;
	[smem:$0x3FB8] =	sst s0  }
0x18: {  	s0 =	sld [smem:$0x3F9B];
	_ =	swait.ge [sflag:s4], $0x0  }
0x19: {  	s7 =	sld [smem:$0x3F9C]  }
0x1a: {  	s8 =	sadd.s32 $0xFFFFE003, lr  }
0x1b: {  	s9 =	sadd.s32 $0xFFFFFEF7, lr;
	s5 =	simm.s32 $0xFFFFFFFF;
	p2 =	slt.u32 s8, $0xFFFFF086  }
0x1c: {  	p1 =	slt.u32 s9, $0xF7A;
	s5 =	simm.s32 @!p2 $0x0  }
0x1d: {  	s5 =	simm.s32 @p1 $0x1;
	p0 =	seq.s32 s7, s2  }
0x1e: {  	s7 =	smul.u32 @!p0 $0xF7A, s2;
	p2 =	seq.s32 @!p0 s5, $0x0  }
0x1f: {  	s9 =	smul.u32 $0xF7A, s1;
	s8 =	simm.s32 @!p0 $0x1BF5;
	p2 =	por !p2, p0  }
0x20: {  	[sflag:s8] =	ssyncset.s32 @!p0 $0xFFFFF086;
	s6 =	sadd.s32 @!p0 s3, s7;
	s7 =	simm.s32 @!p0 $0x108  }
0x21: {  	s3 =	sadd.s32 s3, s9;
	s6 =	sadd.s32 @!p0 $0x88, s6;
	s7 =	simm.s32 @p2 $0x1082  }
0x22: {  	[simem:s7], [sflag:s8] =	dma.local @!p0 [hbm:s6], $0xF7A  }
0x23: {  	s9 =	sor.u32 $0xD0000000, s2;
	s6 =	simm.s32 $0x108;
	_ =	swait.ge @!p0 [sflag:s8], $0x0  }
0x24: {  	s3 =	sadd.s32 $0x88, s3;
	s6 =	simm.s32 @!p1 $0x1082;
	[sflag:s4] =	ssyncset.s32 $0xFFFFF086  }
0x25: {  	[simem:s6], [sflag:s4] =	dma.local [hbm:s3], $0xF7A  }
0x26: {  	[smem:$0x3F9C] =	sst s1;
	(tag) =	ssettag s2;
	_ =	strace s9  }
0x27: {  	s1 =	sld [smem:$0x3FAC]  }
0x28: {  	s2 =	sld [smem:$0x3FAD]  }
0x29: {  	s4 =	sld [smem:$0x3FAF]  }
0x2a: {  	p0 =	seq.s32 s5, $0x0;
	s5 =	sld [smem:$0x3FB0]  }
0x2b: {  	s6 =	sld [smem:$0x3FB1]  }
0x2c: {  	s7 =	sld [smem:$0x3FB2]  }
0x2d: {  	s3 =	simm.s32 $0x108;
	s8 =	sld [smem:$0x3FB3]  }
0x2e: {  	s3 =	simm.s32 @!p0 $0x1082;
	s9 =	sld [smem:$0x3FB4]  }
0x2f: {  	lr =	sadd.s32 s0, s3;
	s0 =	sld [smem:$0x3FAB]  }
0x30: {  	s3 =	sld [smem:$0x3FAE]  }
0x31: {  	[smem:$0x3FB7] =	sst s10  }
0x32: {  	s10 =	sld [smem:$0x3FB5];
	_ =	sdelay $0x3  }
0x33: {  	p0 =	seq.s32 s10, $0x1;
	s10 =	sld [smem:$0x3FB7];
	_ =	sdelay $0x3  }
0x34: {  	[smem:$0x3FB7] =	sst s10  }
0x35: {  	s10 =	sld [smem:$0x3FB6];
	_ =	sdelay $0x3  }
0x36: {  	p1 =	seq.s32 s10, $0x1;
	s10 =	sld [smem:$0x3FB7];
	_ =	sdelay $0x3  }
0x37: {  	[smem:$0x3FB7] =	sst s10  }
0x38: {  	s10 =	sld [smem:$0x3FB8]  }
0x39: {  	_ = 	snop;
	(pc) =	sbr.ind lr, $3  }
0x3a: {  	_ = 	snop  }
0x3b: {  	_ = 	snop  }
0x3c: {  	p2 =	seq.s32 s10, $0x1;
	s10 =	sld [smem:$0x3FB7]  }
0x3d: {  	_ =	shalt  }
0x3e: {  	_ =	shalt  }
0x3f: {  	_ =	shalt  }
0x40: {  	_ =	shalt  }
0x41: {  	_ =	shalt  }
0x42: {  	_ =	shalt  }
0x43: {  	_ =	shalt  }
0x44: {  	_ =	shalt  }
0x45: {  	_ =	shalt  }
0x46: {  	_ =	shalt  }
0x47: {  	_ =	shalt  }
0x48: {  	_ =	shalt  }
0x49: {  	_ =	shalt  }
0x4a: {  	_ =	shalt  }
0x4b: {  	_ =	shalt  }
0x4c: {  	_ =	shalt  }
0x4d: {  	_ =	shalt  }
0x4e: {  	_ =	shalt  }
0x4f: {  	_ =	shalt  }
0x50: {  	_ =	shalt  }
0x51: {  	_ =	shalt  }
0x52: {  	_ =	shalt  }
0x53: {  	_ =	shalt  }
0x54: {  	_ =	shalt  }
0x55: {  	_ =	shalt  }
0x56: {  	_ =	shalt  }
0x57: {  	_ =	shalt  }
0x58: {  	_ =	shalt  }
0x59: {  	_ =	shalt  }
0x5a: {  	_ =	shalt  }
0x5b: {  	_ =	shalt  }
0x5c: {  	_ =	shalt  }
0x5d: {  	_ =	shalt  }
0x5e: {  	_ =	shalt  }
0x5f: {  	_ =	shalt  }
0x60: {  	_ =	shalt  }
0x61: {  	_ =	shalt  }
0x62: {  	_ =	shalt  }
0x63: {  	_ =	shalt  }
0x64: {  	_ =	shalt  }
0x65: {  	_ =	shalt  }
0x66: {  	_ =	shalt  }
0x67: {  	_ =	shalt  }
0x68: {  	_ =	shalt  }
0x69: {  	_ =	shalt  }
0x6a: {  	_ =	shalt  }
0x6b: {  	_ =	shalt  }
0x6c: {  	_ =	shalt  }
0x6d: {  	_ =	shalt  }
0x6e: {  	_ =	shalt  }
0x6f: {  	_ =	shalt  }
0x70: {  	_ =	shalt  }
0x71: {  	_ =	shalt  }
0x72: {  	_ =	shalt  }
0x73: {  	_ =	shalt  }
0x74: {  	_ =	shalt  }
0x75: {  	_ =	shalt  }
0x76: {  	_ =	shalt  }
0x77: {  	_ =	shalt  }
0x78: {  	_ =	shalt  }
0x79: {  	_ =	shalt  }
0x7a: {  	_ =	shalt  }
0x7b: {  	_ =	shalt  }
0x7c: {  	_ =	shalt  }
0x7d: {  	_ =	shalt  }
0x7e: {  	_ =	shalt  }
0x7f: {  	_ =	shalt  }
0x80: {  	_ =	shalt  }
0x81: {  	_ =	shalt  }
0x82: {  	_ =	shalt  }
0x83: {  	_ =	shalt  }
0x84: {  	_ =	shalt  }
0x85: {  	_ =	shalt  }
0x86: {  	_ =	shalt  }
0x87: {  	_ =	shalt  }
.Lfunc_end0:
.L_simem_size_0:
called_computation_lowered:
.L_overlay_start_0:
0x88: {  	s2 =	sld [smem:$0x3FD9]  }
0x89: {  	s3 =	sld [smem:$0x3FFE];
	_ =	sdelay $0x1  }
0x8a: {  	s1 =	srdreg.scid  }
0x8b: {  	s0 =	sand.u32 $0x1, s1  }
0x8c: {  	s17 =	sshll.u32 s0, $0xA;
	s2 =	sadd.s32 s3, s2  }
0x8d: {  	s2 =	sadd.s32 s2, s17  }
0x8e: {  	[smem:$0x3FC3] =	sst s2  }
0x8f: {  	_ = 	snop  }
0x90: {  	s2 =	sld [smem:$0x3FD0];
	(tm) =	ssettm $0x1  }
0x91: {  	s18 =	sld [smem:$0x3FFB];
	_ =	sdelay $0x3  }
0x92: {  	_ =	strace s18  }
0x93: {  	s3 =	sld [smem:$0x3FFC];
	_ =	sdelay $0x3  }
0x94: {  	_ =	strace s3  }
0x95: {  	s3 =	sld [smem:$0x3FFD];
	_ =	sdelay $0x3  }
0x96: {  	_ =	strace s3  }
0x97: {  	_ =	strace $0x8FFFFFFF  }
0x98: {  	s19 =	sld [smem:$0x3FDB];
	_ =	sdelay $0x1  }
0x99: {  	s4 =	simm.s32 $_scs_section_size  }
0x9a: {  	s5 =	simm.s32 $_size__tile_overlayer_lowered;
	s6 =	simm.s32 $_tile_overlayer_lowered  }
0x9b: {  	s22 =	simm.s32 $0x1BFF;
	s21 =	sshll.u32 s6, $0x1;
	s3 =	sadd.s32 s4, s19  }
0x9c: {  	s7 =	simm.s32 $0x0;
	s20 =	sshll.u32 s5, $0x1;
	s5 =	sadd.s32 s21, s3  }
0x9d: {  	[timem:s7], [sflag:s22] =	dma.local [hbm:s5], s20  }
0x9e: {  	_ =	swait.ge [sflag:s22], s20  }
0x9f: {  	s4 =	ssub.s32 $0x0, s20;
	[sflag:s22] =	ssyncset.done $0x0  }
0xa0: {  	[sflag:s22] =	ssyncadd.s32 s4;
	_ =	sdelay $0x1  }
0xa1: {  	s23 =	simm.s32 $0x1B8B  }
0xa2: {  	_ =	swait.ge [sflag:s23], $0x1  }
0xa3: {  	[sflag:s23] =	ssyncset.done $0x0  }
0xa4: {  	s25 =	simm.s32 $0x1B8E;
	s24 =	sld [smem:$0x3FFE];
	[sflag:s23] =	ssyncadd.s32 $0xFFFFFFFF  }
0xa5: {  	s26 =	simm.s32 $execute0_lowered;
	[smem:$0x3FD2] =	sst s25  }
0xa6: {  	s5 =	sshll.u32 s26, $0x1;
	_ =	strace $0x80000046;
	[dreg:$0x1] =	wrdreg $0xFFFFFFFF  }
0xa7: {  	s28 =	simm.s32 $_size_execute0_lowered;
	s3 =	sadd.s32 s3, s5;
	[dreg:$0x0] =	wrdreg $0x0  }
0xa8: {  	s5 =	sshll.u32 s28, $0x1;
	[dreg:$0x2] =	wrdreg s3  }
0xa9: {  	[dreg:$0x3] =	wrdreg s5  }
0xaa: {  	[dreg:$0x4] =	wrdreg $0xC0  }
0xab: {  	_ =	task [dreg:s7], $0x5FFFF  }
0xac: {  	[dreg:$0x1] =	wrdreg $0xFFFFFFFF  }
0xad: {  	[dreg:$0x0] =	wrdreg $0x60  }
0xae: {  	[dreg:$0x2] =	wrdreg s2  }
0xaf: {  	[dreg:$0x3] =	wrdreg s24  }
0xb0: {  	[dreg:$0x4] =	wrdreg $0x51000  }
0xb1: {  	[dreg:$0x5] =	wrdreg $0x9  }
0xb2: {  	_ =	task.clear_ibuf [dreg:s7], $0x6FFFF;
	_ =	strace $0x90000046  }
0xb3: {  	s29 =	simm.s32 $0x9;
	_ =	strace $0x80000048  }
0xb4: {  	_ =	swait.ge [sflag:s29], $0x1  }
0xb5: {  	[sflag:s29] =	ssyncadd.s32 $0xFFFFFFFF  }
0xb6: {  	_ =	strace $0x90000048  }
0xb7: {  	_ =	sfence  }
0xb8: {  	s30 =	sld [smem:$0x0];
	_ =	sdelay $0x2  }
0xb9: {  	s31 =	sshll.u32 s1, $0xD;
	s1 =	sshrl.u32 s1, $0x2  }
0xba: {  	s3 =	sand.u32 $0x4000, s31;
	s1 =	sadd.s32 s1, s30  }
0xbb: {  	s0 =	sor.u32 s3, s0;
	s1 =	sshll.u32 s1, $0x11  }
0xbc: {  	s0 =	sor.u32 s1, s0  }
0xbd: {  	s0 =	sadd.s32 $0x8F2B, s0  }
0xbe: {  	[sflag:s0] =	ssyncadd.remote.s32 $0x1  }
0xbf: {  	_ =	sfence.sel $0xFFFF  }
0xc0: {  	[dreg:$0x0] =	wrdreg $0xFFFFFFFF;
	(pc) =	sbr.abs _section_cstart, $3  }
0xc1: {  	[dreg:$0x1] =	wrdreg $0xFFFFFFFF  }
0xc2: {  	_ =	task.clear_ibuf [dreg:s7], $0x2FFFF;
	_ =	strace $0x9FFFFFFF  }
0xc3: {  	(tm) =	ssettm $0x7FFFFFFF  }
tec
execute0_lowered:
.L_overlay_start_1:
0x0: {  	(tag) =	ssettag $0x1  }
0x1: {  	s6 =	rddreg [dreg:$0x0]  }
0x2: {  	s4 =	rddreg [dreg:$0x1]  }
0x3: {  	s0 =	srdreg.scid;
	s2 =	rddreg [dreg:$0x2]  }
0x4: {  	s1 =	rddreg [dreg:$0x3];
	s5 =	sand.u32 $0x1, s0  }
0x5: {  	s0 =	stileid.u32;
	s7 =	smul.u32 $0x140000, s5  }
0x6: {  	s3 =	simm.s32 $0x0;
	s10 =	simm.s32 $0x2900;
	s8 =	smul.u32 $0x14000, s0  }
0x7: {  	s11 =	simm.s32 $0x1;
	s12 =	simm.s32 $0x100;
	s9 =	smul.u32 $0x4E20, s0  }
0x8: {  	[smem:$0x7FF] =	sst s3;
	s30 =	smul.u32 $0x2710, s5;
	s5 =	ssub.s32 $0x2, s5  }
0x9: {  	s13 =	simm.s32 $0x0;
	_ =	strace $0x80000047;
	s31 =	sshrl.u32 s5, $0x1  }
0xa: {  	s7 =	sadd.s32 s8, s7;
	s8 =	sadd.s32 s30, s9;
	s5 =	ssub.s32 s5, s31  }
0xb: {  	s9 =	simm.s32 $0x80;
	s7 =	sshrl.u32 s7, $0x3;
	s8 =	sshrl.u32 s8, $0x3  }
0xc: {  	s5 =	smax.u32 s5, $0x1;
	s7 =	sadd.s32 s7, s4;
	s4 =	smul.u32 $0x280, s0  }
0xd: {  	v0 =	vimm.f32 $1.000000000e+00;
	v1 =	vimm.f32 $0.0e+00;
	v2 =	vlaneseq.u32;
	s6 =	sadd.s32 s8, s6;
	s8 =	simm.s32 $0x50;
	s7 =	sadd.s32 $0x1600, s7  }
.LBB2_1:
0xe: {  	s14 =	simm.s32 $0x200;
	s15 =	simm.s32 $0x0  }
.LBB2_2:
0xf: {  	p0 =	sne.s32 s14, $0x9E00;
	[tilespmem:s15+$0x100] =	vst v0;
	s15 =	smov.u32 s14;
	s14 =	sadd.s32 $0x200, s14  }
.Ltmp0:
0x10: {  	(pc) =	sbr.rel @p0 .LBB2_2-.Ltmp0, $2  }
0x11: {  	_ =	sdelay $0x2  }
0x12: {  	s15 =	sshra.s32 s15, $0x2  }
0x13: {  	[tilespmem:s15+$0x100] =	vst v0;
	s14 =	simm.s32 $0x200;
	s15 =	simm.s32 $0x0  }
.LBB2_4:
0x14: {  	p0 =	sne.s32 s14, $0x9E00;
	[tilespmem:s15+$0x2900] =	vst v1;
	s15 =	smov.u32 s14;
	s14 =	sadd.s32 $0x200, s14  }
.Ltmp1:
0x15: {  	(pc) =	sbr.rel @p0 .LBB2_4-.Ltmp1, $2  }
0x16: {  	_ =	sdelay $0x2  }
0x17: {  	s15 =	sshra.s32 s15, $0x2  }
0x18: {  	s14 =	sadd.s32 $0x0, s4  }
0x19: {  	[tilespmem:s15+$0x2900] =	vst v1;
	v3 =	vor.u32 s14, v2;
	s31 =	sadd.s32 $0x40, s14  }
0x1a: {  	s16 =	sadd.s32 $0x30, s14;
	[tilespmem:$0x80] =	vst v3;
	v3 =	vor.u32 s31, v2  }
0x1b: {  	s17 =	sadd.s32 $0x20, s14;
	v4 =	vor.u32 s16, v2;
	[tilespmem:$0xC0] =	vst v3  }
0x1c: {  	s15 =	sadd.s32 $0x10, s14;
	s14 =	simm.s32 $0x50;
	v3 =	vor.u32 s17, v2;
	[tilespmem:$0xB0] =	vst v4  }
.LBB2_6:
0x1d: {  	p0 =	sne.s32 s14, $0x230;
	v4 =	vor.u32 s15, v2;
	[tilespmem:$0xA0] =	vst v3  }
0x1e: {  	[tilespmem:$0x90] =	vst v4;
	[spmem:s2] =	stream.indirect.scatter [tilespmem:s10], [sflag:$0x1], $0x10, s9, s8, $0xb8  }
0x1f: {  	_ =	swait.ge [sflag:s11], $0x500  }
.Ltmp2:
0x20: {  	s15 =	sadd.s32 s14, s4;
	[sflag:s11] =	ssyncset.done $0x0;
	(pc) =	sbr.rel @p0 .LBB2_6-.Ltmp2, $4  }
0x21: {  	v3 =	vor.u32 s15, v2;
	s16 =	sadd.s32 $0x40, s15;
	[sflag:s11] =	ssyncadd.s32 $0xFFFFFB00  }
0x22: {  	s17 =	sadd.s32 $0x30, s15;
	[tilespmem:$0x80] =	vst v3;
	v3 =	vor.u32 s16, v2  }
0x23: {  	v4 =	vor.u32 s17, v2;
	s16 =	sadd.s32 $0x20, s15;
	[tilespmem:$0xC0] =	vst v3  }
0x24: {  	s14 =	sadd.s32 $0x50, s14;
	s15 =	sadd.s32 $0x10, s15;
	v3 =	vor.u32 s16, v2;
	[tilespmem:$0xB0] =	vst v4  }
0x25: {  	v4 =	vor.u32 s15, v2;
	[tilespmem:$0xA0] =	vst v3  }
0x26: {  	[tilespmem:$0x90] =	vst v4  }
0x27: {  	[spmem:s2] =	stream.indirect.scatter [tilespmem:s10], [sflag:$0x1], $0x10, s9, s8, $0xb8;
	[tilespmem:$0x7900] =	vst v63  }
0x28: {  	_ =	swait.ge [sflag:s11], $0x500  }
0x29: {  	[sflag:s11] =	ssyncset.done $0x0  }
0x2a: {  	[sflag:s11] =	ssyncadd.s32 $0xFFFFFB00  }
0x2b: {  	s14 =	sadd.s32 $0x0, s6;
	[bflag:$0x0] =	sbarrier.arrive $0xFFFF  }
0x2c: {  	[tilespmem:s3], [sflag:$0x1] =	stream.linear.gather [hbm4b:s14+s3], $0x50, $0x38;
	[tilespmem:$0x7900] =	vst v63  }
0x2d: {  	_ =	swait.ge [sflag:s11], $0x50  }
0x2e: {  	[sflag:s11] =	ssyncset.done $0x0  }
0x2f: {  	[sflag:s11] =	ssyncadd.s32 $0xFFFFFFB0  }
0x30: {  	[spmem:s2] =	stream.indirect.scatter.add.f32 [tilespmem:s12], [sflag:$0x1], $0x10, s3, s8, $0xb8;
	[tilespmem:$0x7900] =	vst v63  }
0x31: {  	_ =	swait.ge [sflag:s11], $0x500  }
0x32: {  	s15 =	simm.s32 $0x14;
	s14 =	simm.s32 $0xA;
	[sflag:s11] =	ssyncset.done $0x0  }
.LBB2_8:
0x33: {  	s16 =	sadd.s32 s14, s6  }
0x34: {  	[sflag:s11] =	ssyncadd.s32 $0xFFFFFB00;
	s14 =	smov.u32 s15;
	s17 =	sadd.s32 $0xA, s15  }
0x35: {  	[tilespmem:s3], [sflag:$0x1] =	stream.linear.gather [hbm4b:s16+s3], $0x50, $0x38;
	[tilespmem:$0x7900] =	vst v63  }
0x36: {  	p0 =	sne.s32 s15, $0x4D8;
	_ =	swait.ge [sflag:s11], $0x50  }
.Ltmp3:
0x37: {  	[sflag:s11] =	ssyncset.done $0x0;
	(pc) =	sbr.rel @p0 .LBB2_8-.Ltmp3, $4  }
0x38: {  	[sflag:s11] =	ssyncadd.s32 $0xFFFFFFB0  }
0x39: {  	[spmem:s2] =	stream.indirect.scatter.add.f32 [tilespmem:s12], [sflag:$0x1], $0x10, s3, s8, $0xb8;
	[tilespmem:$0x7900] =	vst v63  }
0x3a: {  	_ =	swait.ge [sflag:s11], $0x500  }
0x3b: {  	s15 =	smov.u32 s17;
	[sflag:s11] =	ssyncset.done $0x0  }
0x3c: {  	s14 =	sadd.s32 s14, s6;
	[sflag:s11] =	ssyncadd.s32 $0xFFFFFB00  }
0x3d: {  	[tilespmem:s3], [sflag:$0x1] =	stream.linear.gather [hbm4b:s14+s3], $0x50, $0x38;
	[tilespmem:$0x7900] =	vst v63  }
0x3e: {  	_ =	swait.ge [sflag:s11], $0x50  }
0x3f: {  	[sflag:s11] =	ssyncset.done $0x0  }
0x40: {  	[sflag:s11] =	ssyncadd.s32 $0xFFFFFFB0  }
0x41: {  	[spmem:s2] =	stream.indirect.scatter.add.f32 [tilespmem:s12], [sflag:$0x1], $0x10, s3, s8, $0xb8;
	[tilespmem:$0x7900] =	vst v63  }
0x42: {  	_ =	swait.ge [sflag:s11], $0x500  }
0x43: {  	[sflag:s11] =	ssyncset.done $0x0  }
0x44: {  	s30 =	sadd.s32 $0x0, s4;
	[sflag:s11] =	ssyncadd.s32 $0xFFFFFB00  }
0x45: {  	v3 =	vor.u32 s30, v2;
	s16 =	sadd.s32 $0x40, s30;
	[bflag:$0x0] =	sbarrier.arrive $0xFFFF  }
0x46: {  	s15 =	sadd.s32 $0x10, s30;
	v4 =	vor.u32 s16, v2;
	[tilespmem:$0x80] =	vst v3  }
0x47: {  	s31 =	sadd.s32 $0x30, s30;
	v3 =	vor.u32 s15, v2;
	[tilespmem:$0xC0] =	vst v4  }
0x48: {  	s14 =	sadd.s32 $0x20, s30;
	[tilespmem:$0x90] =	vst v3;
	v3 =	vor.u32 s31, v2  }
0x49: {  	[tilespmem:$0xB0] =	vst v3;
	v3 =	vor.u32 s14, v2  }
0x4a: {  	[tilespmem:$0xA0] =	vst v3  }
0x4b: {  	[tilespmem:s10], [sflag:$0x1] =	stream.indirect.gather [spmem:s2], $0x10, s9, s8, $0xb8;
	[tilespmem:$0x7900] =	vst v63  }
0x4c: {  	_ =	swait.ge [sflag:s11], $0x500  }
0x4d: {  	s16 =	smov.u32 s7;
	[sflag:s11] =	ssyncset.done $0x0  }
0x4e: {  	s15 =	sadd.s32 $0x500, s7;
	s14 =	simm.s32 $0x50;
	[sflag:s11] =	ssyncadd.s32 $0xFFFFFB00  }
.LBB2_10:
0x4f: {  	[hbm4b:s16+s3] =	stream.linear.scatter [tilespmem:s10], [sflag:$0x1], $0x2800, $0x38;
	[tilespmem:$0x7900] =	vst v63  }
0x50: {  	s17 =	smov.u32 s14;
	s16 =	smov.u32 s15  }
0x51: {  	p0 =	sne.s32 s14, $0x230;
	s14 =	sadd.s32 $0x50, s14;
	_ =	swait.ge [sflag:s11], $0x2800  }
0x52: {  	s17 =	sadd.s32 s17, s4;
	[sflag:s11] =	ssyncset.done $0x0  }
0x53: {  	v3 =	vor.u32 s17, v2;
	s18 =	sadd.s32 $0x10, s17;
	s19 =	sadd.s32 $0x20, s17;
	[sflag:s11] =	ssyncadd.s32 $0xFFFFD800  }
0x54: {  	v4 =	vor.u32 s19, v2;
	[tilespmem:$0x80] =	vst v3;
	v3 =	vor.u32 s18, v2;
	s18 =	sadd.s32 $0x30, s17;
	s17 =	sadd.s32 $0x40, s17  }
0x55: {  	[tilespmem:$0x90] =	vst v3;
	v3 =	vor.u32 s18, v2;
	v5 =	vor.u32 s17, v2  }
0x56: {  	[tilespmem:$0xB0] =	vst v3  }
0x57: {  	[tilespmem:$0xC0] =	vst v5  }
.Ltmp4:
0x58: {  	[tilespmem:$0xA0] =	vst v4;
	(pc) =	sbr.rel @p0 .LBB2_10-.Ltmp4, $4  }
0x59: {  	[tilespmem:s10], [sflag:$0x1] =	stream.indirect.gather [spmem:s2], $0x10, s9, s8, $0xb8;
	[tilespmem:$0x7900] =	vst v63  }
0x5a: {  	_ =	swait.ge [sflag:s11], $0x500  }
0x5b: {  	[sflag:s11] =	ssyncset.done $0x0  }
0x5c: {  	s15 =	sadd.s32 $0x500, s15;
	[sflag:s11] =	ssyncadd.s32 $0xFFFFFB00  }
0x5d: {  	s13 =	sadd.s32 $0x1, s13  }
0x5e: {  	p0 =	sne.s32 s13, s5  }
.Ltmp5:
0x5f: {  	_ = 	snop;
	(pc) =	sbr.rel @p0 .LBB2_1-.Ltmp5, $4  }
0x60: {  	[hbm4b:s16+s3] =	stream.linear.scatter [tilespmem:s10], [sflag:$0x1], $0x2800, $0x38;
	[tilespmem:$0x7900] =	vst v63  }
0x61: {  	_ =	swait.ge [sflag:s11], $0x2800  }
0x62: {  	[sflag:s11] =	ssyncset.done $0x0  }
0x63: {  	[sflag:s11] =	ssyncadd.s32 $0xFFFFD800  }
0x64: {  	_ =	sfence.sel $0x180000  }
0x65: {  	[bflag:$0x0] =	sbarrier.arrive $0xFFFF  }
0x66: {  	p0 =	sne.s32 s0, $0x0;
	_ =	strace $0x90000047  }
0x67: {  	s0 =	sadd.s32 @!p0 $0x100000, s1;
	[bflag:$0x2] =	sbarrier.arrive $0xFFFF  }
0x68: {  	[sflag:s0] =	ssyncadd.tile.s32 @!p0 $0x1;
	_ =	shalt  }
.Lfunc_end2:
_tile_overlayer_lowered:
.L_overlay_start_2:
0x69: {  	(tag) =	ssettag $0x2  }
0x6a: {  	s0 =	rddreg [dreg:$0x0];
	s2 =	stileid.u32  }
0x6b: {  	s1 =	rddreg [dreg:$0x1];
	p0 =	sne.s32 s2, $0x0  }
0x6c: {  	s3 =	rddreg [dreg:$0x2];
	[bflag:$0x3] =	sbarrier.arrive $0xFFFF;
	s2 =	simm.s32 @!p0 $0x1C01  }
0x6d: {  	[timem:s3], [sflag:s2] =	dma.local @!p0 [hbm:s0], s1  }
0x6e: {  	s0 =	simm.s32 @!p0 $0x1  }
0x6f: {  	_ =	swait.ge @!p0 [sflag:s0], s1  }
0x70: {  	s1 =	ssub.s32 @!p0 $0x0, s1;
	[sflag:s0] =	ssyncset.done @!p0 $0x0  }
0x71: {  	[sflag:s0] =	ssyncadd.s32 @!p0 s1  }
0x72: {  	[bflag:$0x3] =	sbarrier.arrive $0xFFFF  }
0x73: {  	_ =	shalt  }

</sc_bundles>
